<compile_context>
chip_gen: v7x
topology: tpu7x:2x2x1
jax: 0.10.2.dev20260603
libtpu: 0.0.44.dev20260713+nightly
codegen_flags: <defaults>
</compile_context>

<pallas_src>
import functools

import jax
import jax.numpy as jnp
from jax import lax
from jax.experimental import pallas as pl
from jax.experimental.pallas import tpu as pltpu
from jax.experimental.pallas import tpu_sc as plsc

N = 10000
E = 320000
F_IN = 128
H = 8
F_OUT = 16
D = H * F_OUT
ROW = 144

NC = 2
NS = 16
NW = NC * NS
EPT = E // NW
B = 40
NB = EPT // B
N_PAD = 10240
RPT = N_PAD // NS


def _tc1_body(x_ref, w_ref, p_ref, h_ref, ad_ref):
    h = jnp.dot(x_ref[...], w_ref[...], preferred_element_type=jnp.float32)
    h_ref[...] = h
    ad_ref[...] = jnp.dot(h, p_ref[...], preferred_element_type=jnp.float32)


def _tc1(x, W, P16):
    blk = 1000
    grid = N // blk
    return pl.pallas_call(
        _tc1_body,
        grid=(grid,),
        in_specs=[
            pl.BlockSpec((blk, F_IN), lambda i: (i, 0)),
            pl.BlockSpec((F_IN, D), lambda i: (0, 0)),
            pl.BlockSpec((F_IN, 2 * H), lambda i: (0, 0)),
        ],
        out_specs=[
            pl.BlockSpec((blk, D), lambda i: (i, 0)),
            pl.BlockSpec((blk, 2 * H), lambda i: (i, 0)),
        ],
        out_shape=[
            jax.ShapeDtypeStruct((N, D), jnp.float32),
            jax.ShapeDtypeStruct((N, 2 * H), jnp.float32),
        ],
    )(x, W, P16)


def _sc_edge_pass(src, dst, h, ad16, zeros):
    mesh = plsc.VectorSubcoreMesh(core_axis_name="c", subcore_axis_name="s",
                                  num_cores=NC, num_subcores=NS)

    @functools.partial(
        pl.kernel,
        out_type=jax.ShapeDtypeStruct((NC, N_PAD, ROW), jnp.float32),
        mesh=mesh,
        scratch_types=[
            pltpu.VMEM((B,), jnp.int32),
            pltpu.VMEM((B,), jnp.int32),
            pltpu.VMEM((B,), jnp.int32),
            pltpu.VMEM((B,), jnp.int32),
            pltpu.VMEM((B,), jnp.int32),
            pltpu.VMEM((B,), jnp.int32),
            pltpu.VMEM((B, 2 * H), jnp.float32),
            pltpu.VMEM((B, 2 * H), jnp.float32),
            pltpu.VMEM((B, 2 * H), jnp.float32),
            pltpu.VMEM((B, 2 * H), jnp.float32),
            pltpu.VMEM((B, D), jnp.float32),
            pltpu.VMEM((B, D), jnp.float32),
            pltpu.VMEM((B, ROW), jnp.float32),
            pltpu.VMEM((B, ROW), jnp.float32),
            pltpu.VMEM_SHARED((N_PAD, ROW), jnp.float32),
            pltpu.SemaphoreType.DMA,
            pltpu.SemaphoreType.DMA,
            pltpu.SemaphoreType.DMA,
            pltpu.SemaphoreType.DMA,
            pltpu.SemaphoreType.DMA,
            pltpu.SemaphoreType.DMA,
            pltpu.SemaphoreType.DMA,
            pltpu.SemaphoreType.DMA,
        ],
        compiler_params=pltpu.CompilerParams(
            use_tc_tiling_on_sc=False, needs_layout_passes=False),
    )
    def sc_kernel(src_hbm, dst_hbm, h_hbm, ad_hbm, z_hbm, out_hbm,
                  sv0, sv1, dv0, dv1, dsc0, dsc1, g1_0, g1_1, g2_0, g2_1,
                  hr_0, hr_1, cb_0, cb_1, acc,
                  si0, si1, sd0, sd1, sg0, sg1, ss0, ss1):
        c = lax.axis_index("c")
        s = lax.axis_index("s")
        wid = c * NS + s
        bufs = ((sv0, dv0, dsc0, g1_0, g2_0, hr_0, cb_0, si0, sd0, sg0, ss0),
                (sv1, dv1, dsc1, g1_1, g2_1, hr_1, cb_1, si1, sd1, sg1, ss1))

        pltpu.sync_copy(z_hbm.at[pl.ds(s * RPT, RPT)],
                        acc.at[pl.ds(s * RPT, RPT)])
        zero16 = jnp.zeros((16,), jnp.float32)
        for e in range(B):
            cb_0[e, pl.ds(D, 16)] = zero16
            cb_1[e, pl.ds(D, 16)] = zero16
        plsc.subcore_barrier()

        base = wid * EPT
        iota = lax.iota(jnp.int32, 16)
        rowpat = iota // 8
        colpat = iota % 8

        def issue_idx(i, p):
            sv, dv = bufs[p][0], bufs[p][1]
            si = bufs[p][7]
            pltpu.async_copy(src_hbm.at[pl.ds(base + i * B, B)], sv, si)
            pltpu.async_copy(dst_hbm.at[pl.ds(base + i * B, B)], dv, si)

        def wait_idx(p):
            sv, dv = bufs[p][0], bufs[p][1]
            si = bufs[p][7]
            pltpu.make_async_copy(src_hbm.at[pl.ds(0, B)], sv, si).wait()
            pltpu.make_async_copy(dst_hbm.at[pl.ds(0, B)], dv, si).wait()

        def issue_g(p):
            sv, dv, _, g1, g2, hr = bufs[p][:6]
            sg = bufs[p][9]
            pltpu.async_copy(ad_hbm.at[sv], g1, sg)
            pltpu.async_copy(ad_hbm.at[dv], g2, sg)
            pltpu.async_copy(h_hbm.at[sv], hr, sg)

        def drain_g(p):
            g1, g2, hr = bufs[p][3], bufs[p][4], bufs[p][5]
            sg = bufs[p][9]
            pltpu.make_async_copy(ad_hbm.at[pl.ds(0, B)], g1, sg).wait()
            pltpu.make_async_copy(ad_hbm.at[pl.ds(0, B)], g2, sg).wait()
            pltpu.make_async_copy(h_hbm.at[pl.ds(0, B)], hr, sg).wait()

        def issue_dsc(i, p):
            dsc, sd = bufs[p][2], bufs[p][8]
            pltpu.async_copy(dst_hbm.at[pl.ds(base + i * B, B)], dsc, sd)

        def wait_dsc(p):
            dsc, sd = bufs[p][2], bufs[p][8]
            pltpu.make_async_copy(dst_hbm.at[pl.ds(0, B)], dsc, sd).wait()

        def drain_s(p):
            cb, ss = bufs[p][6], bufs[p][10]
            pltpu.make_async_copy(z_hbm.at[pl.ds(0, B)], cb, ss).wait()

        def compute(p):
            g1, g2, hr, cb = bufs[p][3], bufs[p][4], bufs[p][5], bufs[p][6]

            @plsc.parallel_loop(0, B // 2, 1, unroll=2)
            def pair(j):
                r = rowpat + 2 * j
                t = (plsc.load_gather(g1, [r, colpat])
                     + plsc.load_gather(g2, [r, colpat + 8]))
                w = jnp.exp(jnp.maximum(t, 0.2 * t))
                plsc.store_scatter(cb, [r, colpat + D], w)
                for k in range(16):
                    e = 2 * j + (k // 8)
                    col = (k % 8) * 16
                    bk = jnp.take_along_axis(
                        w, jnp.full((16,), k, jnp.int32), axis=0,
                        mode="promise_in_bounds")
                    cb[e, pl.ds(col, 16)] = hr[e, pl.ds(col, 16)] * bk

        def scatter(p):
            dsc, cb, ss = bufs[p][2], bufs[p][6], bufs[p][10]
            pltpu.async_copy(cb, acc.at[dsc], ss, add=True)

        issue_idx(0, 0)
        issue_idx(1, 1)
        wait_idx(0)
        issue_g(0)

        def pairbody(k, carry):
            for b in range(2):
                i = 2 * k + b

                def _nxt(p=b):
                    wait_idx(1 - p)
                    issue_g(1 - p)
                pl.when(i + 1 < NB)(_nxt)
                drain_g(b)

                def _pf(p=b, iv=i):
                    issue_idx(iv + 2, p)
                pl.when(i + 2 < NB)(_pf)

                pl.when(i >= 2)(lambda p=b: drain_s(p))
                issue_dsc(i, b)
                compute(b)
                wait_dsc(b)
                scatter(b)
            return carry

        lax.fori_loop(0, NB // 2, pairbody, 0)
        drain_s(0)
        drain_s(1)
        plsc.subcore_barrier()
        pltpu.sync_copy(acc.at[pl.ds(s * RPT, RPT)],
                        out_hbm.at[c, pl.ds(s * RPT, RPT)])

    return sc_kernel(src, dst, h, ad16, zeros)


def _tc2_body(p0_ref, p1_ref, h_ref, ps_ref, q_ref, r_ref, b_ref, g_ref,
              be_ref, out_ref):
    S = p0_ref[...] + p1_ref[...]
    h = h_ref[...]
    msg = S[:, :D]
    t = jnp.dot(h, ps_ref[...], preferred_element_type=jnp.float32)
    wself = jnp.exp(jnp.maximum(t, 0.2 * t))
    wq = jnp.dot(wself, q_ref[...], preferred_element_type=jnp.float32)
    denom = jnp.dot(S, r_ref[...], preferred_element_type=jnp.float32) \
        + wq + 1e-16
    y = (msg + h * wq) / denom + b_ref[...]
    mu = jnp.mean(y, axis=-1, keepdims=True)
    var = jnp.mean((y - mu) ** 2, axis=-1, keepdims=True)
    out_ref[...] = (y - mu) * lax.rsqrt(var + 1e-5) * g_ref[...] + be_ref[...]


def _tc2(p0, p1, h, PS, Q, R, bias, gamma, beta):
    blk = 1000
    grid = N // blk
    full2 = lambda a, b: pl.BlockSpec((a, b), lambda i: (0, 0))
    return pl.pallas_call(
        _tc2_body,
        grid=(grid,),
        in_specs=[
            pl.BlockSpec((blk, ROW), lambda i: (i, 0)),
            pl.BlockSpec((blk, ROW), lambda i: (i, 0)),
            pl.BlockSpec((blk, D), lambda i: (i, 0)),
            full2(D, H),
            full2(H, D),
            full2(ROW, D),
            full2(1, D),
            full2(1, D),
            full2(1, D),
        ],
        out_specs=pl.BlockSpec((blk, D), lambda i: (i, 0)),
        out_shape=jax.ShapeDtypeStruct((N, D), jnp.float32),
    )(p0, p1, h, PS, Q, R, bias, gamma, beta)


def kernel(x, edge_index, W, att_src, att_dst, bias, ln_gamma, ln_beta):
    asf = att_src.reshape(-1)
    adf = att_dst.reshape(-1)
    eye = jnp.repeat(jnp.eye(H, dtype=jnp.float32), F_OUT, axis=0)
    Ps = eye * asf[:, None]
    Pd = eye * adf[:, None]
    P16 = jnp.concatenate([Ps, Pd], axis=1)
    PS = Ps + Pd
    Q = eye.T
    R = jnp.zeros((ROW, D), jnp.float32).at[D:D + H].set(Q)

    h, ad16 = _tc1(x, W, P16)
    zeros = jnp.zeros((N_PAD, ROW), jnp.float32)
    partials = _sc_edge_pass(edge_index[0], edge_index[1], h, ad16, zeros)
    out = _tc2(partials[0, :N], partials[1, :N], h, PS, Q, R,
               bias.reshape(1, D), ln_gamma.reshape(1, D),
               ln_beta.reshape(1, D))
    return out

# --- scband reference (transcript-rebuilt; emitter-appended) ---
"""Pipeline reference for scband-gat-layer-35296041238626 (READ-ONLY COPY).

The authoritative reference and input builder live on the scoring server;
editing this copy changes nothing except your own understanding.
"""

import jax, jax.numpy as jnp
import numpy as np

N = 10000
E = 320000
F_IN = 128
H = 8
F_OUT = 16
D_OUT = H * F_OUT


def setup_inputs(seed: int = 0) -> dict:
    key = jax.random.key(seed)
    ks = jax.random.split(key, 8)
    x = jax.random.normal(ks[0], (N, F_IN), dtype=jnp.float32)
    edge_index = jax.random.randint(ks[1], (2, E), 0, N, dtype=jnp.int32)
    # GATConv learned params (glorot-style scaling)
    W = jax.random.normal(ks[2], (F_IN, D_OUT), dtype=jnp.float32) * (1.0 / np.sqrt(F_IN))
    att_src = jax.random.normal(ks[3], (1, H, F_OUT), dtype=jnp.float32) * (1.0 / np.sqrt(F_OUT))
    att_dst = jax.random.normal(ks[4], (1, H, F_OUT), dtype=jnp.float32) * (1.0 / np.sqrt(F_OUT))
    bias = jnp.zeros((D_OUT,), dtype=jnp.float32)
    ln_gamma = jnp.ones((D_OUT,), dtype=jnp.float32)
    ln_beta = jnp.zeros((D_OUT,), dtype=jnp.float32)
    return {
        "x": x,
        "edge_index": edge_index,
        "W": W,
        "att_src": att_src,
        "att_dst": att_dst,
        "bias": bias,
        "ln_gamma": ln_gamma,
        "ln_beta": ln_beta,
    }


def _gat_layer(x, edge_index, W, att_src, att_dst, bias, ln_gamma, ln_beta):
    n = x.shape[0]
    # PyG GATConv default: add self loops
    loop = jnp.arange(n, dtype=edge_index.dtype)
    ei = jnp.concatenate([edge_index, jnp.stack([loop, loop], axis=0)], axis=1)
    src, dst = ei[0], ei[1]
    h = (x @ W).reshape(n, H, F_OUT)
    a_src = jnp.sum(h * att_src, axis=-1)  # [N, H]
    a_dst = jnp.sum(h * att_dst, axis=-1)  # [N, H]
    alpha = a_src[src] + a_dst[dst]        # [E', H]
    alpha = jax.nn.leaky_relu(alpha, negative_slope=0.2)
    # softmax over incoming edges per destination node
    amax = jax.ops.segment_max(alpha, dst, num_segments=n)
    alpha = jnp.exp(alpha - amax[dst])
    asum = jax.ops.segment_sum(alpha, dst, num_segments=n)
    alpha = alpha / (asum[dst] + 1e-16)
    # dropout(p=0.1) is identity in eval mode
    msg = h[src] * alpha[..., None]        # [E', H, F_OUT]
    out = jax.ops.segment_sum(msg, dst, num_segments=n)
    out = out.reshape(n, D_OUT) + bias     # concat heads + bias
    # LayerNorm(F_out * heads)
    mu = jnp.mean(out, axis=-1, keepdims=True)
    var = jnp.var(out, axis=-1, keepdims=True)
    out = (out - mu) / jnp.sqrt(var + 1e-5) * ln_gamma + ln_beta
    return out


def reference(x, edge_index, W, att_src, att_dst, bias, ln_gamma, ln_beta):
    return _gat_layer(x, edge_index, W, att_src, att_dst, bias, ln_gamma, ln_beta)

if __name__ == "__main__":
    import jax
    _d = setup_inputs()
    print(jax.jit(kernel)(*tuple(_d.values())))

</pallas_src>

<mosaic_0001>
#map = affine_map<(d0, d1) -> (0)>
#map1 = affine_map<(d0, d1) -> (0, 0)>
#map2 = affine_map<(d0, d1) -> (0, 0, 0)>
module attributes {stable_mosaic.version = 14 : i64} {
  func.func @sc_kernel(%arg0: i32, %arg1: i32, %arg2: memref<320000xi32, #tpu.memory_space<hbm>>, %arg3: memref<320000xi32, #tpu.memory_space<hbm>>, %arg4: memref<10000x128xf32, #tpu.memory_space<hbm>>, %arg5: memref<10000x16xf32, #tpu.memory_space<hbm>>, %arg6: memref<10240x144xf32, #tpu.memory_space<hbm>>, %arg7: memref<2x10240x144xf32, #tpu.memory_space<hbm>>, %arg8: memref<40xi32, #tpu.memory_space<vmem>>, %arg9: memref<40xi32, #tpu.memory_space<vmem>>, %arg10: memref<40xi32, #tpu.memory_space<vmem>>, %arg11: memref<40xi32, #tpu.memory_space<vmem>>, %arg12: memref<40xi32, #tpu.memory_space<vmem>>, %arg13: memref<40xi32, #tpu.memory_space<vmem>>, %arg14: memref<40x16xf32, #tpu.memory_space<vmem>>, %arg15: memref<40x16xf32, #tpu.memory_space<vmem>>, %arg16: memref<40x16xf32, #tpu.memory_space<vmem>>, %arg17: memref<40x16xf32, #tpu.memory_space<vmem>>, %arg18: memref<40x128xf32, #tpu.memory_space<vmem>>, %arg19: memref<40x128xf32, #tpu.memory_space<vmem>>, %arg20: memref<40x144xf32, #tpu.memory_space<vmem>>, %arg21: memref<40x144xf32, #tpu.memory_space<vmem>>, %arg22: memref<10240x144xf32, #tpu.memory_space<vmem_shared>>, %arg23: memref<!tpu.dma_semaphore, #tpu.memory_space<semaphore_mem>>, %arg24: memref<!tpu.dma_semaphore, #tpu.memory_space<semaphore_mem>>, %arg25: memref<!tpu.dma_semaphore, #tpu.memory_space<semaphore_mem>>, %arg26: memref<!tpu.dma_semaphore, #tpu.memory_space<semaphore_mem>>, %arg27: memref<!tpu.dma_semaphore, #tpu.memory_space<semaphore_mem>>, %arg28: memref<!tpu.dma_semaphore, #tpu.memory_space<semaphore_mem>>, %arg29: memref<!tpu.dma_semaphore, #tpu.memory_space<semaphore_mem>>, %arg30: memref<!tpu.dma_semaphore, #tpu.memory_space<semaphore_mem>>) attributes {dimension_semantics = [#tpu.dimension_semantics<core_parallel>, #tpu.dimension_semantics<subcore_parallel>], iteration_bounds = array<i64: 2, 16>, scalar_prefetch = 0 : i64, scratch_operands = 23 : i64, tpu.core_type = #tpu.core_type<sc_vector_subcore>, window_params = [{transform_indices = #map}, {transform_indices = #map}, {transform_indices = #map1}, {transform_indices = #map1}, {transform_indices = #map1}, {transform_indices = #map2}]} {
    %mul3A = arith.constant 16 : i32
    %mul3A_0 = arith.muli %arg0, %mul3A : i32
    %add3A = arith.addi %mul3A_0, %arg1 : i32
    %mul3A_1 = arith.constant 640 : i32
    %mul3A_2 = arith.muli %arg1, %mul3A_1 : i32
    %mul3A_3 = arith.constant 640 : i32
    %mul3A_4 = arith.muli %arg1, %mul3A_3 : i32
    "tpu.region"() ({
      %run_scoped3A = tpu.sem_alloc : memref<!tpu.dma_semaphore, #tpu.memory_space<semaphore_mem>>
      %dma_start3A_423 = arith.constant 0 : i32
      %dma_start3A_424 = tpu.memref_slice %arg22[%mul3A_4, %dma_start3A_423] : memref<10240x144xf32, #tpu.memory_space<vmem_shared>> -> memref<640x144xf32, #tpu.memory_space<vmem_shared>>
      %dma_start3A_425 = arith.constant 0 : i32
      %dma_start3A_426 = tpu.memref_slice %arg6[%mul3A_2, %dma_start3A_425] : memref<10240x144xf32, #tpu.memory_space<hbm>> -> memref<640x144xf32, #tpu.memory_space<hbm>>
      tpu.enqueue_dma source(%dma_start3A_426 : memref<640x144xf32, #tpu.memory_space<hbm>>) target(%dma_start3A_424 : memref<640x144xf32, #tpu.memory_space<vmem_shared>>) target_semaphore(%run_scoped3A : memref<!tpu.dma_semaphore, #tpu.memory_space<semaphore_mem>>)
      %dma_wait3A_427 = arith.constant 0 : i32
      %dma_wait3A_428 = tpu.memref_slice %arg22[%mul3A_4, %dma_wait3A_427] : memref<10240x144xf32, #tpu.memory_space<vmem_shared>> -> memref<640x144xf32, #tpu.memory_space<vmem_shared>>
      %dma_wait3A_429 = arith.constant 0 : i32
      %dma_wait3A_430 = tpu.memref_slice %arg6[%mul3A_2, %dma_wait3A_429] : memref<10240x144xf32, #tpu.memory_space<hbm>> -> memref<640x144xf32, #tpu.memory_space<hbm>>
      tpu.wait_dma2 semaphore(%run_scoped3A : memref<!tpu.dma_semaphore, #tpu.memory_space<semaphore_mem>>) src(%dma_wait3A_430 : memref<640x144xf32, #tpu.memory_space<hbm>>) dst(%dma_wait3A_428 : memref<640x144xf32, #tpu.memory_space<vmem_shared>>)
      tpu.yield
    }) : () -> ()
    %broadcast_in_dim3A = arith.constant 0.000000e+00 : f32
    %broadcast_in_dim3A_5 = vector.broadcast %broadcast_in_dim3A : f32 to vector<16xf32>
    %swap3A = arith.constant 0 : i32
    %swap3A_6 = arith.index_cast %swap3A : i32 to index
    %swap3A_7 = arith.constant 128 : index
    %swap3A_8 = tpu.vector_load %arg20[%swap3A_6, %swap3A_7] {strides = array<i32>} : memref<40x144xf32, #tpu.memory_space<vmem>>, vector<16xf32>,
    tpu.vector_store %arg20[%swap3A_6, %swap3A_7], %broadcast_in_dim3A_5 {strides = array<i32>} : memref<40x144xf32, #tpu.memory_space<vmem>>, vector<16xf32>,
    %swap3A_9 = arith.constant 0 : i32
    %swap3A_10 = arith.index_cast %swap3A_9 : i32 to index
    %swap3A_11 = arith.constant 128 : index
    %swap3A_12 = tpu.vector_load %arg21[%swap3A_10, %swap3A_11] {strides = array<i32>} : memref<40x144xf32, #tpu.memory_space<vmem>>, vector<16xf32>,
    tpu.vector_store %arg21[%swap3A_10, %swap3A_11], %broadcast_in_dim3A_5 {strides = array<i32>} : memref<40x144xf32, #tpu.memory_space<vmem>>, vector<16xf32>,
    %swap3A_13 = arith.constant 1 : i32
    %swap3A_14 = arith.index_cast %swap3A_13 : i32 to index
    %swap3A_15 = arith.constant 128 : index
    %swap3A_16 = tpu.vector_load %arg20[%swap3A_14, %swap3A_15] {strides = array<i32>} : memref<40x144xf32, #tpu.memory_space<vmem>>, vector<16xf32>,
    tpu.vector_store %arg20[%swap3A_14, %swap3A_15], %broadcast_in_dim3A_5 {strides = array<i32>} : memref<40x144xf32, #tpu.memory_space<vmem>>, vector<16xf32>,
    %swap3A_17 = arith.constant 1 : i32
    %swap3A_18 = arith.index_cast %swap3A_17 : i32 to index
    %swap3A_19 = arith.constant 128 : index
    %swap3A_20 = tpu.vector_load %arg21[%swap3A_18, %swap3A_19] {strides = array<i32>} : memref<40x144xf32, #tpu.memory_space<vmem>>, vector<16xf32>,
    tpu.vector_store %arg21[%swap3A_18, %swap3A_19], %broadcast_in_dim3A_5 {strides = array<i32>} : memref<40x144xf32, #tpu.memory_space<vmem>>, vector<16xf32>,
    %swap3A_21 = arith.constant 2 : i32
    %swap3A_22 = arith.index_cast %swap3A_21 : i32 to index
    %swap3A_23 = arith.constant 128 : index
    %swap3A_24 = tpu.vector_load %arg20[%swap3A_22, %swap3A_23] {strides = array<i32>} : memref<40x144xf32, #tpu.memory_space<vmem>>, vector<16xf32>,
    tpu.vector_store %arg20[%swap3A_22, %swap3A_23], %broadcast_in_dim3A_5 {strides = array<i32>} : memref<40x144xf32, #tpu.memory_space<vmem>>, vector<16xf32>,
    %swap3A_25 = arith.constant 2 : i32
    %swap3A_26 = arith.index_cast %swap3A_25 : i32 to index
    %swap3A_27 = arith.constant 128 : index
    %swap3A_28 = tpu.vector_load %arg21[%swap3A_26, %swap3A_27] {strides = array<i32>} : memref<40x144xf32, #tpu.memory_space<vmem>>, vector<16xf32>,
    tpu.vector_store %arg21[%swap3A_26, %swap3A_27], %broadcast_in_dim3A_5 {strides = array<i32>} : memref<40x144xf32, #tpu.memory_space<vmem>>, vector<16xf32>,
    %swap3A_29 = arith.constant 3 : i32
    %swap3A_30 = arith.index_cast %swap3A_29 : i32 to index
    %swap3A_31 = arith.constant 128 : index
    %swap3A_32 = tpu.vector_load %arg20[%swap3A_30, %swap3A_31] {strides = array<i32>} : memref<40x144xf32, #tpu.memory_space<vmem>>, vector<16xf32>,
    tpu.vector_store %arg20[%swap3A_30, %swap3A_31], %broadcast_in_dim3A_5 {strides = array<i32>} : memref<40x144xf32, #tpu.memory_space<vmem>>, vector<16xf32>,
    %swap3A_33 = arith.constant 3 : i32
    %swap3A_34 = arith.index_cast %swap3A_33 : i32 to index
    %swap3A_35 = arith.constant 128 : index
    %swap3A_36 = tpu.vector_load %arg21[%swap3A_34, %swap3A_35] {strides = array<i32>} : memref<40x144xf32, #tpu.memory_space<vmem>>, vector<16xf32>,
    tpu.vector_store %arg21[%swap3A_34, %swap3A_35], %broadcast_in_dim3A_5 {strides = array<i32>} : memref<40x144xf32, #tpu.memory_space<vmem>>, vector<16xf32>,
    %swap3A_37 = arith.constant 4 : i32
    %swap3A_38 = arith.index_cast %swap3A_37 : i32 to index
    %swap3A_39 = arith.constant 128 : index
    %swap3A_40 = tpu.vector_load %arg20[%swap3A_38, %swap3A_39] {strides = array<i32>} : memref<40x144xf32, #tpu.memory_space<vmem>>, vector<16xf32>,
    tpu.vector_store %arg20[%swap3A_38, %swap3A_39], %broadcast_in_dim3A_5 {strides = array<i32>} : memref<40x144xf32, #tpu.memory_space<vmem>>, vector<16xf32>,
    %swap3A_41 = arith.constant 4 : i32
    %swap3A_42 = arith.index_cast %swap3A_41 : i32 to index
    %swap3A_43 = arith.constant 128 : index
    %swap3A_44 = tpu.vector_load %arg21[%swap3A_42, %swap3A_43] {strides = array<i32>} : memref<40x144xf32, #tpu.memory_space<vmem>>, vector<16xf32>,
    tpu.vector_store %arg21[%swap3A_42, %swap3A_43], %broadcast_in_dim3A_5 {strides = array<i32>} : memref<40x144xf32, #tpu.memory_space<vmem>>, vector<16xf32>,
    %swap3A_45 = arith.constant 5 : i32
    %swap3A_46 = arith.index_cast %swap3A_45 : i32 to index
    %swap3A_47 = arith.constant 128 : index
    %swap3A_48 = tpu.vector_load %arg20[%swap3A_46, %swap3A_47] {strides = array<i32>} : memref<40x144xf32, #tpu.memory_space<vmem>>, vector<16xf32>,
    tpu.vector_store %arg20[%swap3A_46, %swap3A_47], %broadcast_in_dim3A_5 {strides = array<i32>} : memref<40x144xf32, #tpu.memory_space<vmem>>, vector<16xf32>,
    %swap3A_49 = arith.constant 5 : i32
    %swap3A_50 = arith.index_cast %swap3A_49 : i32 to index
    %swap3A_51 = arith.constant 128 : index
    %swap3A_52 = tpu.vector_load %arg21[%swap3A_50, %swap3A_51] {strides = array<i32>} : memref<40x144xf32, #tpu.memory_space<vmem>>, vector<16xf32>,
    tpu.vector_store %arg21[%swap3A_50, %swap3A_51], %broadcast_in_dim3A_5 {strides = array<i32>} : memref<40x144xf32, #tpu.memory_space<vmem>>, vector<16xf32>,
    %swap3A_53 = arith.constant 6 : i32
    %swap3A_54 = arith.index_cast %swap3A_53 : i32 to index
    %swap3A_55 = arith.constant 128 : index
    %swap3A_56 = tpu.vector_load %arg20[%swap3A_54, %swap3A_55] {strides = array<i32>} : memref<40x144xf32, #tpu.memory_space<vmem>>, vector<16xf32>,
    tpu.vector_store %arg20[%swap3A_54, %swap3A_55], %broadcast_in_dim3A_5 {strides = array<i32>} : memref<40x144xf32, #tpu.memory_space<vmem>>, vector<16xf32>,
    %swap3A_57 = arith.constant 6 : i32
    %swap3A_58 = arith.index_cast %swap3A_57 : i32 to index
    %swap3A_59 = arith.constant 128 : index
    %swap3A_60 = tpu.vector_load %arg21[%swap3A_58, %swap3A_59] {strides = array<i32>} : memref<40x144xf32, #tpu.memory_space<vmem>>, vector<16xf32>,
    tpu.vector_store %arg21[%swap3A_58, %swap3A_59], %broadcast_in_dim3A_5 {strides = array<i32>} : memref<40x144xf32, #tpu.memory_space<vmem>>, vector<16xf32>,
    %swap3A_61 = arith.constant 7 : i32
    %swap3A_62 = arith.index_cast %swap3A_61 : i32 to index
    %swap3A_63 = arith.constant 128 : index
    %swap3A_64 = tpu.vector_load %arg20[%swap3A_62, %swap3A_63] {strides = array<i32>} : memref<40x144xf32, #tpu.memory_space<vmem>>, vector<16xf32>,
    tpu.vector_store %arg20[%swap3A_62, %swap3A_63], %broadcast_in_dim3A_5 {strides = array<i32>} : memref<40x144xf32, #tpu.memory_space<vmem>>, vector<16xf32>,
    %swap3A_65 = arith.constant 7 : i32
    %swap3A_66 = arith.index_cast %swap3A_65 : i32 to index
    %swap3A_67 = arith.constant 128 : index
    %swap3A_68 = tpu.vector_load %arg21[%swap3A_66, %swap3A_67] {strides = array<i32>} : memref<40x144xf32, #tpu.memory_space<vmem>>, vector<16xf32>,
    tpu.vector_store %arg21[%swap3A_66, %swap3A_67], %broadcast_in_dim3A_5 {strides = array<i32>} : memref<40x144xf32, #tpu.memory_space<vmem>>, vector<16xf32>,
    %swap3A_69 = arith.constant 8 : i32
    %swap3A_70 = arith.index_cast %swap3A_69 : i32 to index
    %swap3A_71 = arith.constant 128 : index
    %swap3A_72 = tpu.vector_load %arg20[%swap3A_70, %swap3A_71] {strides = array<i32>} : memref<40x144xf32, #tpu.memory_space<vmem>>, vector<16xf32>,
    tpu.vector_store %arg20[%swap3A_70, %swap3A_71], %broadcast_in_dim3A_5 {strides = array<i32>} : memref<40x144xf32, #tpu.memory_space<vmem>>, vector<16xf32>,
    %swap3A_73 = arith.constant 8 : i32
    %swap3A_74 = arith.index_cast %swap3A_73 : i32 to index
    %swap3A_75 = arith.constant 128 : index
    %swap3A_76 = tpu.vector_load %arg21[%swap3A_74, %swap3A_75] {strides = array<i32>} : memref<40x144xf32, #tpu.memory_space<vmem>>, vector<16xf32>,
    tpu.vector_store %arg21[%swap3A_74, %swap3A_75], %broadcast_in_dim3A_5 {strides = array<i32>} : memref<40x144xf32, #tpu.memory_space<vmem>>, vector<16xf32>,
    %swap3A_77 = arith.constant 9 : i32
    %swap3A_78 = arith.index_cast %swap3A_77 : i32 to index
    %swap3A_79 = arith.constant 128 : index
    %swap3A_80 = tpu.vector_load %arg20[%swap3A_78, %swap3A_79] {strides = array<i32>} : memref<40x144xf32, #tpu.memory_space<vmem>>, vector<16xf32>,
    tpu.vector_store %arg20[%swap3A_78, %swap3A_79], %broadcast_in_dim3A_5 {strides = array<i32>} : memref<40x144xf32, #tpu.memory_space<vmem>>, vector<16xf32>,
    %swap3A_81 = arith.constant 9 : i32
    %swap3A_82 = arith.index_cast %swap3A_81 : i32 to index
    %swap3A_83 = arith.constant 128 : index
    %swap3A_84 = tpu.vector_load %arg21[%swap3A_82, %swap3A_83] {strides = array<i32>} : memref<40x144xf32, #tpu.memory_space<vmem>>, vector<16xf32>,
    tpu.vector_store %arg21[%swap3A_82, %swap3A_83], %broadcast_in_dim3A_5 {strides = array<i32>} : memref<40x144xf32, #tpu.memory_space<vmem>>, vector<16xf32>,
    %swap3A_85 = arith.constant 10 : i32
    %swap3A_86 = arith.index_cast %swap3A_85 : i32 to index
    %swap3A_87 = arith.constant 128 : index
    %swap3A_88 = tpu.vector_load %arg20[%swap3A_86, %swap3A_87] {strides = array<i32>} : memref<40x144xf32, #tpu.memory_space<vmem>>, vector<16xf32>,
    tpu.vector_store %arg20[%swap3A_86, %swap3A_87], %broadcast_in_dim3A_5 {strides = array<i32>} : memref<40x144xf32, #tpu.memory_space<vmem>>, vector<16xf32>,
    %swap3A_89 = arith.constant 10 : i32
    %swap3A_90 = arith.index_cast %swap3A_89 : i32 to index
    %swap3A_91 = arith.constant 128 : index
    %swap3A_92 = tpu.vector_load %arg21[%swap3A_90, %swap3A_91] {strides = array<i32>} : memref<40x144xf32, #tpu.memory_space<vmem>>, vector<16xf32>,
    tpu.vector_store %arg21[%swap3A_90, %swap3A_91], %broadcast_in_dim3A_5 {strides = array<i32>} : memref<40x144xf32, #tpu.memory_space<vmem>>, vector<16xf32>,
    %swap3A_93 = arith.constant 11 : i32
    %swap3A_94 = arith.index_cast %swap3A_93 : i32 to index
    %swap3A_95 = arith.constant 128 : index
    %swap3A_96 = tpu.vector_load %arg20[%swap3A_94, %swap3A_95] {strides = array<i32>} : memref<40x144xf32, #tpu.memory_space<vmem>>, vector<16xf32>,
    tpu.vector_store %arg20[%swap3A_94, %swap3A_95], %broadcast_in_dim3A_5 {strides = array<i32>} : memref<40x144xf32, #tpu.memory_space<vmem>>, vector<16xf32>,
    %swap3A_97 = arith.constant 11 : i32
    %swap3A_98 = arith.index_cast %swap3A_97 : i32 to index
    %swap3A_99 = arith.constant 128 : index
    %swap3A_100 = tpu.vector_load %arg21[%swap3A_98, %swap3A_99] {strides = array<i32>} : memref<40x144xf32, #tpu.memory_space<vmem>>, vector<16xf32>,
    tpu.vector_store %arg21[%swap3A_98, %swap3A_99], %broadcast_in_dim3A_5 {strides = array<i32>} : memref<40x144xf32, #tpu.memory_space<vmem>>, vector<16xf32>,
    %swap3A_101 = arith.constant 12 : i32
    %swap3A_102 = arith.index_cast %swap3A_101 : i32 to index
    %swap3A_103 = arith.constant 128 : index
    %swap3A_104 = tpu.vector_load %arg20[%swap3A_102, %swap3A_103] {strides = array<i32>} : memref<40x144xf32, #tpu.memory_space<vmem>>, vector<16xf32>,
    tpu.vector_store %arg20[%swap3A_102, %swap3A_103], %broadcast_in_dim3A_5 {strides = array<i32>} : memref<40x144xf32, #tpu.memory_space<vmem>>, vector<16xf32>,
    %swap3A_105 = arith.constant 12 : i32
    %swap3A_106 = arith.index_cast %swap3A_105 : i32 to index
    %swap3A_107 = arith.constant 128 : index
    %swap3A_108 = tpu.vector_load %arg21[%swap3A_106, %swap3A_107] {strides = array<i32>} : memref<40x144xf32, #tpu.memory_space<vmem>>, vector<16xf32>,
    tpu.vector_store %arg21[%swap3A_106, %swap3A_107], %broadcast_in_dim3A_5 {strides = array<i32>} : memref<40x144xf32, #tpu.memory_space<vmem>>, vector<16xf32>,
    %swap3A_109 = arith.constant 13 : i32
    %swap3A_110 = arith.index_cast %swap3A_109 : i32 to index
    %swap3A_111 = arith.constant 128 : index
    %swap3A_112 = tpu.vector_load %arg20[%swap3A_110, %swap3A_111] {strides = array<i32>} : memref<40x144xf32, #tpu.memory_space<vmem>>, vector<16xf32>,
    tpu.vector_store %arg20[%swap3A_110, %swap3A_111], %broadcast_in_dim3A_5 {strides = array<i32>} : memref<40x144xf32, #tpu.memory_space<vmem>>, vector<16xf32>,
    %swap3A_113 = arith.constant 13 : i32
    %swap3A_114 = arith.index_cast %swap3A_113 : i32 to index
    %swap3A_115 = arith.constant 128 : index
    %swap3A_116 = tpu.vector_load %arg21[%swap3A_114, %swap3A_115] {strides = array<i32>} : memref<40x144xf32, #tpu.memory_space<vmem>>, vector<16xf32>,
    tpu.vector_store %arg21[%swap3A_114, %swap3A_115], %broadcast_in_dim3A_5 {strides = array<i32>} : memref<40x144xf32, #tpu.memory_space<vmem>>, vector<16xf32>,
    %swap3A_117 = arith.constant 14 : i32
    %swap3A_118 = arith.index_cast %swap3A_117 : i32 to index
    %swap3A_119 = arith.constant 128 : index
    %swap3A_120 = tpu.vector_load %arg20[%swap3A_118, %swap3A_119] {strides = array<i32>} : memref<40x144xf32, #tpu.memory_space<vmem>>, vector<16xf32>,
    tpu.vector_store %arg20[%swap3A_118, %swap3A_119], %broadcast_in_dim3A_5 {strides = array<i32>} : memref<40x144xf32, #tpu.memory_space<vmem>>, vector<16xf32>,
    %swap3A_121 = arith.constant 14 : i32
    %swap3A_122 = arith.index_cast %swap3A_121 : i32 to index
    %swap3A_123 = arith.constant 128 : index
    %swap3A_124 = tpu.vector_load %arg21[%swap3A_122, %swap3A_123] {strides = array<i32>} : memref<40x144xf32, #tpu.memory_space<vmem>>, vector<16xf32>,
    tpu.vector_store %arg21[%swap3A_122, %swap3A_123], %broadcast_in_dim3A_5 {strides = array<i32>} : memref<40x144xf32, #tpu.memory_space<vmem>>, vector<16xf32>,
    %swap3A_125 = arith.constant 15 : i32
    %swap3A_126 = arith.index_cast %swap3A_125 : i32 to index
    %swap3A_127 = arith.constant 128 : index
    %swap3A_128 = tpu.vector_load %arg20[%swap3A_126, %swap3A_127] {strides = array<i32>} : memref<40x144xf32, #tpu.memory_space<vmem>>, vector<16xf32>,
    tpu.vector_store %arg20[%swap3A_126, %swap3A_127], %broadcast_in_dim3A_5 {strides = array<i32>} : memref<40x144xf32, #tpu.memory_space<vmem>>, vector<16xf32>,
    %swap3A_129 = arith.constant 15 : i32
    %swap3A_130 = arith.index_cast %swap3A_129 : i32 to index
    %swap3A_131 = arith.constant 128 : index
    %swap3A_132 = tpu.vector_load %arg21[%swap3A_130, %swap3A_131] {strides = array<i32>} : memref<40x144xf32, #tpu.memory_space<vmem>>, vector<16xf32>,
    tpu.vector_store %arg21[%swap3A_130, %swap3A_131], %broadcast_in_dim3A_5 {strides = array<i32>} : memref<40x144xf32, #tpu.memory_space<vmem>>, vector<16xf32>,
    %swap3A_133 = arith.constant 16 : i32
    %swap3A_134 = arith.index_cast %swap3A_133 : i32 to index
    %swap3A_135 = arith.constant 128 : index
    %swap3A_136 = tpu.vector_load %arg20[%swap3A_134, %swap3A_135] {strides = array<i32>} : memref<40x144xf32, #tpu.memory_space<vmem>>, vector<16xf32>,
    tpu.vector_store %arg20[%swap3A_134, %swap3A_135], %broadcast_in_dim3A_5 {strides = array<i32>} : memref<40x144xf32, #tpu.memory_space<vmem>>, vector<16xf32>,
    %swap3A_137 = arith.constant 16 : i32
    %swap3A_138 = arith.index_cast %swap3A_137 : i32 to index
    %swap3A_139 = arith.constant 128 : index
    %swap3A_140 = tpu.vector_load %arg21[%swap3A_138, %swap3A_139] {strides = array<i32>} : memref<40x144xf32, #tpu.memory_space<vmem>>, vector<16xf32>,
    tpu.vector_store %arg21[%swap3A_138, %swap3A_139], %broadcast_in_dim3A_5 {strides = array<i32>} : memref<40x144xf32, #tpu.memory_space<vmem>>, vector<16xf32>,
    %swap3A_141 = arith.constant 17 : i32
    %swap3A_142 = arith.index_cast %swap3A_141 : i32 to index
    %swap3A_143 = arith.constant 128 : index
    %swap3A_144 = tpu.vector_load %arg20[%swap3A_142, %swap3A_143] {strides = array<i32>} : memref<40x144xf32, #tpu.memory_space<vmem>>, vector<16xf32>,
    tpu.vector_store %arg20[%swap3A_142, %swap3A_143], %broadcast_in_dim3A_5 {strides = array<i32>} : memref<40x144xf32, #tpu.memory_space<vmem>>, vector<16xf32>,
    %swap3A_145 = arith.constant 17 : i32
    %swap3A_146 = arith.index_cast %swap3A_145 : i32 to index
    %swap3A_147 = arith.constant 128 : index
    %swap3A_148 = tpu.vector_load %arg21[%swap3A_146, %swap3A_147] {strides = array<i32>} : memref<40x144xf32, #tpu.memory_space<vmem>>, vector<16xf32>,
    tpu.vector_store %arg21[%swap3A_146, %swap3A_147], %broadcast_in_dim3A_5 {strides = array<i32>} : memref<40x144xf32, #tpu.memory_space<vmem>>, vector<16xf32>,
    %swap3A_149 = arith.constant 18 : i32
    %swap3A_150 = arith.index_cast %swap3A_149 : i32 to index
    %swap3A_151 = arith.constant 128 : index
    %swap3A_152 = tpu.vector_load %arg20[%swap3A_150, %swap3A_151] {strides = array<i32>} : memref<40x144xf32, #tpu.memory_space<vmem>>, vector<16xf32>,
    tpu.vector_store %arg20[%swap3A_150, %swap3A_151], %broadcast_in_dim3A_5 {strides = array<i32>} : memref<40x144xf32, #tpu.memory_space<vmem>>, vector<16xf32>,
    %swap3A_153 = arith.constant 18 : i32
    %swap3A_154 = arith.index_cast %swap3A_153 : i32 to index
    %swap3A_155 = arith.constant 128 : index
    %swap3A_156 = tpu.vector_load %arg21[%swap3A_154, %swap3A_155] {strides = array<i32>} : memref<40x144xf32, #tpu.memory_space<vmem>>, vector<16xf32>,
    tpu.vector_store %arg21[%swap3A_154, %swap3A_155], %broadcast_in_dim3A_5 {strides = array<i32>} : memref<40x144xf32, #tpu.memory_space<vmem>>, vector<16xf32>,
    %swap3A_157 = arith.constant 19 : i32
    %swap3A_158 = arith.index_cast %swap3A_157 : i32 to index
    %swap3A_159 = arith.constant 128 : index
    %swap3A_160 = tpu.vector_load %arg20[%swap3A_158, %swap3A_159] {strides = array<i32>} : memref<40x144xf32, #tpu.memory_space<vmem>>, vector<16xf32>,
    tpu.vector_store %arg20[%swap3A_158, %swap3A_159], %broadcast_in_dim3A_5 {strides = array<i32>} : memref<40x144xf32, #tpu.memory_space<vmem>>, vector<16xf32>,
    %swap3A_161 = arith.constant 19 : i32
    %swap3A_162 = arith.index_cast %swap3A_161 : i32 to index
    %swap3A_163 = arith.constant 128 : index
    %swap3A_164 = tpu.vector_load %arg21[%swap3A_162, %swap3A_163] {strides = array<i32>} : memref<40x144xf32, #tpu.memory_space<vmem>>, vector<16xf32>,
    tpu.vector_store %arg21[%swap3A_162, %swap3A_163], %broadcast_in_dim3A_5 {strides = array<i32>} : memref<40x144xf32, #tpu.memory_space<vmem>>, vector<16xf32>,
    %swap3A_165 = arith.constant 20 : i32
    %swap3A_166 = arith.index_cast %swap3A_165 : i32 to index
    %swap3A_167 = arith.constant 128 : index
    %swap3A_168 = tpu.vector_load %arg20[%swap3A_166, %swap3A_167] {strides = array<i32>} : memref<40x144xf32, #tpu.memory_space<vmem>>, vector<16xf32>,
    tpu.vector_store %arg20[%swap3A_166, %swap3A_167], %broadcast_in_dim3A_5 {strides = array<i32>} : memref<40x144xf32, #tpu.memory_space<vmem>>, vector<16xf32>,
    %swap3A_169 = arith.constant 20 : i32
    %swap3A_170 = arith.index_cast %swap3A_169 : i32 to index
    %swap3A_171 = arith.constant 128 : index
    %swap3A_172 = tpu.vector_load %arg21[%swap3A_170, %swap3A_171] {strides = array<i32>} : memref<40x144xf32, #tpu.memory_space<vmem>>, vector<16xf32>,
    tpu.vector_store %arg21[%swap3A_170, %swap3A_171], %broadcast_in_dim3A_5 {strides = array<i32>} : memref<40x144xf32, #tpu.memory_space<vmem>>, vector<16xf32>,
    %swap3A_173 = arith.constant 21 : i32
    %swap3A_174 = arith.index_cast %swap3A_173 : i32 to index
    %swap3A_175 = arith.constant 128 : index
    %swap3A_176 = tpu.vector_load %arg20[%swap3A_174, %swap3A_175] {strides = array<i32>} : memref<40x144xf32, #tpu.memory_space<vmem>>, vector<16xf32>,
    tpu.vector_store %arg20[%swap3A_174, %swap3A_175], %broadcast_in_dim3A_5 {strides = array<i32>} : memref<40x144xf32, #tpu.memory_space<vmem>>, vector<16xf32>,
    %swap3A_177 = arith.constant 21 : i32
    %swap3A_178 = arith.index_cast %swap3A_177 : i32 to index
    %swap3A_179 = arith.constant 128 : index
    %swap3A_180 = tpu.vector_load %arg21[%swap3A_178, %swap3A_179] {strides = array<i32>} : memref<40x144xf32, #tpu.memory_space<vmem>>, vector<16xf32>,
    tpu.vector_store %arg21[%swap3A_178, %swap3A_179], %broadcast_in_dim3A_5 {strides = array<i32>} : memref<40x144xf32, #tpu.memory_space<vmem>>, vector<16xf32>,
    %swap3A_181 = arith.constant 22 : i32
    %swap3A_182 = arith.index_cast %swap3A_181 : i32 to index
    %swap3A_183 = arith.constant 128 : index
    %swap3A_184 = tpu.vector_load %arg20[%swap3A_182, %swap3A_183] {strides = array<i32>} : memref<40x144xf32, #tpu.memory_space<vmem>>, vector<16xf32>,
    tpu.vector_store %arg20[%swap3A_182, %swap3A_183], %broadcast_in_dim3A_5 {strides = array<i32>} : memref<40x144xf32, #tpu.memory_space<vmem>>, vector<16xf32>,
    %swap3A_185 = arith.constant 22 : i32
    %swap3A_186 = arith.index_cast %swap3A_185 : i32 to index
    %swap3A_187 = arith.constant 128 : index
    %swap3A_188 = tpu.vector_load %arg21[%swap3A_186, %swap3A_187] {strides = array<i32>} : memref<40x144xf32, #tpu.memory_space<vmem>>, vector<16xf32>,
    tpu.vector_store %arg21[%swap3A_186, %swap3A_187], %broadcast_in_dim3A_5 {strides = array<i32>} : memref<40x144xf32, #tpu.memory_space<vmem>>, vector<16xf32>,
    %swap3A_189 = arith.constant 23 : i32
    %swap3A_190 = arith.index_cast %swap3A_189 : i32 to index
    %swap3A_191 = arith.constant 128 : index
    %swap3A_192 = tpu.vector_load %arg20[%swap3A_190, %swap3A_191] {strides = array<i32>} : memref<40x144xf32, #tpu.memory_space<vmem>>, vector<16xf32>,
    tpu.vector_store %arg20[%swap3A_190, %swap3A_191], %broadcast_in_dim3A_5 {strides = array<i32>} : memref<40x144xf32, #tpu.memory_space<vmem>>, vector<16xf32>,
    %swap3A_193 = arith.constant 23 : i32
    %swap3A_194 = arith.index_cast %swap3A_193 : i32 to index
    %swap3A_195 = arith.constant 128 : index
    %swap3A_196 = tpu.vector_load %arg21[%swap3A_194, %swap3A_195] {strides = array<i32>} : memref<40x144xf32, #tpu.memory_space<vmem>>, vector<16xf32>,
    tpu.vector_store %arg21[%swap3A_194, %swap3A_195], %broadcast_in_dim3A_5 {strides = array<i32>} : memref<40x144xf32, #tpu.memory_space<vmem>>, vector<16xf32>,
    %swap3A_197 = arith.constant 24 : i32
    %swap3A_198 = arith.index_cast %swap3A_197 : i32 to index
    %swap3A_199 = arith.constant 128 : index
    %swap3A_200 = tpu.vector_load %arg20[%swap3A_198, %swap3A_199] {strides = array<i32>} : memref<40x144xf32, #tpu.memory_space<vmem>>, vector<16xf32>,
    tpu.vector_store %arg20[%swap3A_198, %swap3A_199], %broadcast_in_dim3A_5 {strides = array<i32>} : memref<40x144xf32, #tpu.memory_space<vmem>>, vector<16xf32>,
    %swap3A_201 = arith.constant 24 : i32
    %swap3A_202 = arith.index_cast %swap3A_201 : i32 to index
    %swap3A_203 = arith.constant 128 : index
    %swap3A_204 = tpu.vector_load %arg21[%swap3A_202, %swap3A_203] {strides = array<i32>} : memref<40x144xf32, #tpu.memory_space<vmem>>, vector<16xf32>,
    tpu.vector_store %arg21[%swap3A_202, %swap3A_203], %broadcast_in_dim3A_5 {strides = array<i32>} : memref<40x144xf32, #tpu.memory_space<vmem>>, vector<16xf32>,
    %swap3A_205 = arith.constant 25 : i32
    %swap3A_206 = arith.index_cast %swap3A_205 : i32 to index
    %swap3A_207 = arith.constant 128 : index
    %swap3A_208 = tpu.vector_load %arg20[%swap3A_206, %swap3A_207] {strides = array<i32>} : memref<40x144xf32, #tpu.memory_space<vmem>>, vector<16xf32>,
    tpu.vector_store %arg20[%swap3A_206, %swap3A_207], %broadcast_in_dim3A_5 {strides = array<i32>} : memref<40x144xf32, #tpu.memory_space<vmem>>, vector<16xf32>,
    %swap3A_209 = arith.constant 25 : i32
    %swap3A_210 = arith.index_cast %swap3A_209 : i32 to index
    %swap3A_211 = arith.constant 128 : index
    %swap3A_212 = tpu.vector_load %arg21[%swap3A_210, %swap3A_211] {strides = array<i32>} : memref<40x144xf32, #tpu.memory_space<vmem>>, vector<16xf32>,
    tpu.vector_store %arg21[%swap3A_210, %swap3A_211], %broadcast_in_dim3A_5 {strides = array<i32>} : memref<40x144xf32, #tpu.memory_space<vmem>>, vector<16xf32>,
    %swap3A_213 = arith.constant 26 : i32
    %swap3A_214 = arith.index_cast %swap3A_213 : i32 to index
    %swap3A_215 = arith.constant 128 : index
    %swap3A_216 = tpu.vector_load %arg20[%swap3A_214, %swap3A_215] {strides = array<i32>} : memref<40x144xf32, #tpu.memory_space<vmem>>, vector<16xf32>,
    tpu.vector_store %arg20[%swap3A_214, %swap3A_215], %broadcast_in_dim3A_5 {strides = array<i32>} : memref<40x144xf32, #tpu.memory_space<vmem>>, vector<16xf32>,
    %swap3A_217 = arith.constant 26 : i32
    %swap3A_218 = arith.index_cast %swap3A_217 : i32 to index
    %swap3A_219 = arith.constant 128 : index
    %swap3A_220 = tpu.vector_load %arg21[%swap3A_218, %swap3A_219] {strides = array<i32>} : memref<40x144xf32, #tpu.memory_space<vmem>>, vector<16xf32>,
    tpu.vector_store %arg21[%swap3A_218, %swap3A_219], %broadcast_in_dim3A_5 {strides = array<i32>} : memref<40x144xf32, #tpu.memory_space<vmem>>, vector<16xf32>,
    %swap3A_221 = arith.constant 27 : i32
    %swap3A_222 = arith.index_cast %swap3A_221 : i32 to index
    %swap3A_223 = arith.constant 128 : index
    %swap3A_224 = tpu.vector_load %arg20[%swap3A_222, %swap3A_223] {strides = array<i32>} : memref<40x144xf32, #tpu.memory_space<vmem>>, vector<16xf32>,
    tpu.vector_store %arg20[%swap3A_222, %swap3A_223], %broadcast_in_dim3A_5 {strides = array<i32>} : memref<40x144xf32, #tpu.memory_space<vmem>>, vector<16xf32>,
    %swap3A_225 = arith.constant 27 : i32
    %swap3A_226 = arith.index_cast %swap3A_225 : i32 to index
    %swap3A_227 = arith.constant 128 : index
    %swap3A_228 = tpu.vector_load %arg21[%swap3A_226, %swap3A_227] {strides = array<i32>} : memref<40x144xf32, #tpu.memory_space<vmem>>, vector<16xf32>,
    tpu.vector_store %arg21[%swap3A_226, %swap3A_227], %broadcast_in_dim3A_5 {strides = array<i32>} : memref<40x144xf32, #tpu.memory_space<vmem>>, vector<16xf32>,
    %swap3A_229 = arith.constant 28 : i32
    %swap3A_230 = arith.index_cast %swap3A_229 : i32 to index
    %swap3A_231 = arith.constant 128 : index
    %swap3A_232 = tpu.vector_load %arg20[%swap3A_230, %swap3A_231] {strides = array<i32>} : memref<40x144xf32, #tpu.memory_space<vmem>>, vector<16xf32>,
    tpu.vector_store %arg20[%swap3A_230, %swap3A_231], %broadcast_in_dim3A_5 {strides = array<i32>} : memref<40x144xf32, #tpu.memory_space<vmem>>, vector<16xf32>,
    %swap3A_233 = arith.constant 28 : i32
    %swap3A_234 = arith.index_cast %swap3A_233 : i32 to index
    %swap3A_235 = arith.constant 128 : index
    %swap3A_236 = tpu.vector_load %arg21[%swap3A_234, %swap3A_235] {strides = array<i32>} : memref<40x144xf32, #tpu.memory_space<vmem>>, vector<16xf32>,
    tpu.vector_store %arg21[%swap3A_234, %swap3A_235], %broadcast_in_dim3A_5 {strides = array<i32>} : memref<40x144xf32, #tpu.memory_space<vmem>>, vector<16xf32>,
    %swap3A_237 = arith.constant 29 : i32
    %swap3A_238 = arith.index_cast %swap3A_237 : i32 to index
    %swap3A_239 = arith.constant 128 : index
    %swap3A_240 = tpu.vector_load %arg20[%swap3A_238, %swap3A_239] {strides = array<i32>} : memref<40x144xf32, #tpu.memory_space<vmem>>, vector<16xf32>,
    tpu.vector_store %arg20[%swap3A_238, %swap3A_239], %broadcast_in_dim3A_5 {strides = array<i32>} : memref<40x144xf32, #tpu.memory_space<vmem>>, vector<16xf32>,
    %swap3A_241 = arith.constant 29 : i32
    %swap3A_242 = arith.index_cast %swap3A_241 : i32 to index
    %swap3A_243 = arith.constant 128 : index
    %swap3A_244 = tpu.vector_load %arg21[%swap3A_242, %swap3A_243] {strides = array<i32>} : memref<40x144xf32, #tpu.memory_space<vmem>>, vector<16xf32>,
    tpu.vector_store %arg21[%swap3A_242, %swap3A_243], %broadcast_in_dim3A_5 {strides = array<i32>} : memref<40x144xf32, #tpu.memory_space<vmem>>, vector<16xf32>,
    %swap3A_245 = arith.constant 30 : i32
    %swap3A_246 = arith.index_cast %swap3A_245 : i32 to index
    %swap3A_247 = arith.constant 128 : index
    %swap3A_248 = tpu.vector_load %arg20[%swap3A_246, %swap3A_247] {strides = array<i32>} : memref<40x144xf32, #tpu.memory_space<vmem>>, vector<16xf32>,
    tpu.vector_store %arg20[%swap3A_246, %swap3A_247], %broadcast_in_dim3A_5 {strides = array<i32>} : memref<40x144xf32, #tpu.memory_space<vmem>>, vector<16xf32>,
    %swap3A_249 = arith.constant 30 : i32
    %swap3A_250 = arith.index_cast %swap3A_249 : i32 to index
    %swap3A_251 = arith.constant 128 : index
    %swap3A_252 = tpu.vector_load %arg21[%swap3A_250, %swap3A_251] {strides = array<i32>} : memref<40x144xf32, #tpu.memory_space<vmem>>, vector<16xf32>,
    tpu.vector_store %arg21[%swap3A_250, %swap3A_251], %broadcast_in_dim3A_5 {strides = array<i32>} : memref<40x144xf32, #tpu.memory_space<vmem>>, vector<16xf32>,
    %swap3A_253 = arith.constant 31 : i32
    %swap3A_254 = arith.index_cast %swap3A_253 : i32 to index
    %swap3A_255 = arith.constant 128 : index
    %swap3A_256 = tpu.vector_load %arg20[%swap3A_254, %swap3A_255] {strides = array<i32>} : memref<40x144xf32, #tpu.memory_space<vmem>>, vector<16xf32>,
    tpu.vector_store %arg20[%swap3A_254, %swap3A_255], %broadcast_in_dim3A_5 {strides = array<i32>} : memref<40x144xf32, #tpu.memory_space<vmem>>, vector<16xf32>,
    %swap3A_257 = arith.constant 31 : i32
    %swap3A_258 = arith.index_cast %swap3A_257 : i32 to index
    %swap3A_259 = arith.constant 128 : index
    %swap3A_260 = tpu.vector_load %arg21[%swap3A_258, %swap3A_259] {strides = array<i32>} : memref<40x144xf32, #tpu.memory_space<vmem>>, vector<16xf32>,
    tpu.vector_store %arg21[%swap3A_258, %swap3A_259], %broadcast_in_dim3A_5 {strides = array<i32>} : memref<40x144xf32, #tpu.memory_space<vmem>>, vector<16xf32>,
    %swap3A_261 = arith.constant 32 : i32
    %swap3A_262 = arith.index_cast %swap3A_261 : i32 to index
    %swap3A_263 = arith.constant 128 : index
    %swap3A_264 = tpu.vector_load %arg20[%swap3A_262, %swap3A_263] {strides = array<i32>} : memref<40x144xf32, #tpu.memory_space<vmem>>, vector<16xf32>,
    tpu.vector_store %arg20[%swap3A_262, %swap3A_263], %broadcast_in_dim3A_5 {strides = array<i32>} : memref<40x144xf32, #tpu.memory_space<vmem>>, vector<16xf32>,
    %swap3A_265 = arith.constant 32 : i32
    %swap3A_266 = arith.index_cast %swap3A_265 : i32 to index
    %swap3A_267 = arith.constant 128 : index
    %swap3A_268 = tpu.vector_load %arg21[%swap3A_266, %swap3A_267] {strides = array<i32>} : memref<40x144xf32, #tpu.memory_space<vmem>>, vector<16xf32>,
    tpu.vector_store %arg21[%swap3A_266, %swap3A_267], %broadcast_in_dim3A_5 {strides = array<i32>} : memref<40x144xf32, #tpu.memory_space<vmem>>, vector<16xf32>,
    %swap3A_269 = arith.constant 33 : i32
    %swap3A_270 = arith.index_cast %swap3A_269 : i32 to index
    %swap3A_271 = arith.constant 128 : index
    %swap3A_272 = tpu.vector_load %arg20[%swap3A_270, %swap3A_271] {strides = array<i32>} : memref<40x144xf32, #tpu.memory_space<vmem>>, vector<16xf32>,
    tpu.vector_store %arg20[%swap3A_270, %swap3A_271], %broadcast_in_dim3A_5 {strides = array<i32>} : memref<40x144xf32, #tpu.memory_space<vmem>>, vector<16xf32>,
    %swap3A_273 = arith.constant 33 : i32
    %swap3A_274 = arith.index_cast %swap3A_273 : i32 to index
    %swap3A_275 = arith.constant 128 : index
    %swap3A_276 = tpu.vector_load %arg21[%swap3A_274, %swap3A_275] {strides = array<i32>} : memref<40x144xf32, #tpu.memory_space<vmem>>, vector<16xf32>,
    tpu.vector_store %arg21[%swap3A_274, %swap3A_275], %broadcast_in_dim3A_5 {strides = array<i32>} : memref<40x144xf32, #tpu.memory_space<vmem>>, vector<16xf32>,
    %swap3A_277 = arith.constant 34 : i32
    %swap3A_278 = arith.index_cast %swap3A_277 : i32 to index
    %swap3A_279 = arith.constant 128 : index
    %swap3A_280 = tpu.vector_load %arg20[%swap3A_278, %swap3A_279] {strides = array<i32>} : memref<40x144xf32, #tpu.memory_space<vmem>>, vector<16xf32>,
    tpu.vector_store %arg20[%swap3A_278, %swap3A_279], %broadcast_in_dim3A_5 {strides = array<i32>} : memref<40x144xf32, #tpu.memory_space<vmem>>, vector<16xf32>,
    %swap3A_281 = arith.constant 34 : i32
    %swap3A_282 = arith.index_cast %swap3A_281 : i32 to index
    %swap3A_283 = arith.constant 128 : index
    %swap3A_284 = tpu.vector_load %arg21[%swap3A_282, %swap3A_283] {strides = array<i32>} : memref<40x144xf32, #tpu.memory_space<vmem>>, vector<16xf32>,
    tpu.vector_store %arg21[%swap3A_282, %swap3A_283], %broadcast_in_dim3A_5 {strides = array<i32>} : memref<40x144xf32, #tpu.memory_space<vmem>>, vector<16xf32>,
    %swap3A_285 = arith.constant 35 : i32
    %swap3A_286 = arith.index_cast %swap3A_285 : i32 to index
    %swap3A_287 = arith.constant 128 : index
    %swap3A_288 = tpu.vector_load %arg20[%swap3A_286, %swap3A_287] {strides = array<i32>} : memref<40x144xf32, #tpu.memory_space<vmem>>, vector<16xf32>,
    tpu.vector_store %arg20[%swap3A_286, %swap3A_287], %broadcast_in_dim3A_5 {strides = array<i32>} : memref<40x144xf32, #tpu.memory_space<vmem>>, vector<16xf32>,
    %swap3A_289 = arith.constant 35 : i32
    %swap3A_290 = arith.index_cast %swap3A_289 : i32 to index
    %swap3A_291 = arith.constant 128 : index
    %swap3A_292 = tpu.vector_load %arg21[%swap3A_290, %swap3A_291] {strides = array<i32>} : memref<40x144xf32, #tpu.memory_space<vmem>>, vector<16xf32>,
    tpu.vector_store %arg21[%swap3A_290, %swap3A_291], %broadcast_in_dim3A_5 {strides = array<i32>} : memref<40x144xf32, #tpu.memory_space<vmem>>, vector<16xf32>,
    %swap3A_293 = arith.constant 36 : i32
    %swap3A_294 = arith.index_cast %swap3A_293 : i32 to index
    %swap3A_295 = arith.constant 128 : index
    %swap3A_296 = tpu.vector_load %arg20[%swap3A_294, %swap3A_295] {strides = array<i32>} : memref<40x144xf32, #tpu.memory_space<vmem>>, vector<16xf32>,
    tpu.vector_store %arg20[%swap3A_294, %swap3A_295], %broadcast_in_dim3A_5 {strides = array<i32>} : memref<40x144xf32, #tpu.memory_space<vmem>>, vector<16xf32>,
    %swap3A_297 = arith.constant 36 : i32
    %swap3A_298 = arith.index_cast %swap3A_297 : i32 to index
    %swap3A_299 = arith.constant 128 : index
    %swap3A_300 = tpu.vector_load %arg21[%swap3A_298, %swap3A_299] {strides = array<i32>} : memref<40x144xf32, #tpu.memory_space<vmem>>, vector<16xf32>,
    tpu.vector_store %arg21[%swap3A_298, %swap3A_299], %broadcast_in_dim3A_5 {strides = array<i32>} : memref<40x144xf32, #tpu.memory_space<vmem>>, vector<16xf32>,
    %swap3A_301 = arith.constant 37 : i32
    %swap3A_302 = arith.index_cast %swap3A_301 : i32 to index
    %swap3A_303 = arith.constant 128 : index
    %swap3A_304 = tpu.vector_load %arg20[%swap3A_302, %swap3A_303] {strides = array<i32>} : memref<40x144xf32, #tpu.memory_space<vmem>>, vector<16xf32>,
    tpu.vector_store %arg20[%swap3A_302, %swap3A_303], %broadcast_in_dim3A_5 {strides = array<i32>} : memref<40x144xf32, #tpu.memory_space<vmem>>, vector<16xf32>,
    %swap3A_305 = arith.constant 37 : i32
    %swap3A_306 = arith.index_cast %swap3A_305 : i32 to index
    %swap3A_307 = arith.constant 128 : index
    %swap3A_308 = tpu.vector_load %arg21[%swap3A_306, %swap3A_307] {strides = array<i32>} : memref<40x144xf32, #tpu.memory_space<vmem>>, vector<16xf32>,
    tpu.vector_store %arg21[%swap3A_306, %swap3A_307], %broadcast_in_dim3A_5 {strides = array<i32>} : memref<40x144xf32, #tpu.memory_space<vmem>>, vector<16xf32>,
    %swap3A_309 = arith.constant 38 : i32
    %swap3A_310 = arith.index_cast %swap3A_309 : i32 to index
    %swap3A_311 = arith.constant 128 : index
    %swap3A_312 = tpu.vector_load %arg20[%swap3A_310, %swap3A_311] {strides = array<i32>} : memref<40x144xf32, #tpu.memory_space<vmem>>, vector<16xf32>,
    tpu.vector_store %arg20[%swap3A_310, %swap3A_311], %broadcast_in_dim3A_5 {strides = array<i32>} : memref<40x144xf32, #tpu.memory_space<vmem>>, vector<16xf32>,
    %swap3A_313 = arith.constant 38 : i32
    %swap3A_314 = arith.index_cast %swap3A_313 : i32 to index
    %swap3A_315 = arith.constant 128 : index
    %swap3A_316 = tpu.vector_load %arg21[%swap3A_314, %swap3A_315] {strides = array<i32>} : memref<40x144xf32, #tpu.memory_space<vmem>>, vector<16xf32>,
    tpu.vector_store %arg21[%swap3A_314, %swap3A_315], %broadcast_in_dim3A_5 {strides = array<i32>} : memref<40x144xf32, #tpu.memory_space<vmem>>, vector<16xf32>,
    %swap3A_317 = arith.constant 39 : i32
    %swap3A_318 = arith.index_cast %swap3A_317 : i32 to index
    %swap3A_319 = arith.constant 128 : index
    %swap3A_320 = tpu.vector_load %arg20[%swap3A_318, %swap3A_319] {strides = array<i32>} : memref<40x144xf32, #tpu.memory_space<vmem>>, vector<16xf32>,
    tpu.vector_store %arg20[%swap3A_318, %swap3A_319], %broadcast_in_dim3A_5 {strides = array<i32>} : memref<40x144xf32, #tpu.memory_space<vmem>>, vector<16xf32>,
    %swap3A_321 = arith.constant 39 : i32
    %swap3A_322 = arith.index_cast %swap3A_321 : i32 to index
    %swap3A_323 = arith.constant 128 : index
    %swap3A_324 = tpu.vector_load %arg21[%swap3A_322, %swap3A_323] {strides = array<i32>} : memref<40x144xf32, #tpu.memory_space<vmem>>, vector<16xf32>,
    tpu.vector_store %arg21[%swap3A_322, %swap3A_323], %broadcast_in_dim3A_5 {strides = array<i32>} : memref<40x144xf32, #tpu.memory_space<vmem>>, vector<16xf32>,
    %barrier3A = arith.constant 0 : index
    tpu.barrier barrier_id(%barrier3A)
    %mul3A_325 = arith.constant 10000 : i32
    %mul3A_326 = arith.muli %add3A, %mul3A_325 : i32
    %iota3A = tpu.iota {dimensions = array<i32: 0>} : vector<16xi32>
    %jit3A = arith.constant 8 : i32
    %div3A = vector.broadcast %jit3A : i32 to vector<16xi32>
    %div3A_327 = arith.divsi %iota3A, %div3A : vector<16xi32>
    %sign3A = arith.constant 0 : i32
    %sign3A_328 = vector.broadcast %sign3A : i32 to vector<16xi32>
    %sign3A_329 = arith.cmpi sgt, %iota3A, %sign3A_328 : vector<16xi32>
    %sign3A_330 = arith.extui %sign3A_329 : vector<16xi1> to vector<16xi32>
    %sign3A_331 = arith.constant 0 : i32
    %sign3A_332 = vector.broadcast %sign3A_331 : i32 to vector<16xi32>
    %sign3A_333 = arith.cmpi slt, %iota3A, %sign3A_332 : vector<16xi32>
    %sign3A_334 = arith.extui %sign3A_333 : vector<16xi1> to vector<16xi32>
    %sign3A_335 = arith.subi %sign3A_330, %sign3A_334 : vector<16xi32>
    %sign3A_336 = arith.constant 0 : i32
    %sign3A_337 = arith.cmpi sgt, %jit3A, %sign3A_336 : i32
    %sign3A_338 = arith.extui %sign3A_337 : i1 to i32
    %sign3A_339 = arith.constant 0 : i32
    %sign3A_340 = arith.cmpi slt, %jit3A, %sign3A_339 : i32
    %sign3A_341 = arith.extui %sign3A_340 : i1 to i32
    %sign3A_342 = arith.subi %sign3A_338, %sign3A_341 : i32
    %ne3A = vector.broadcast %sign3A_342 : i32 to vector<16xi32>
    %ne3A_343 = arith.cmpi ne, %sign3A_335, %ne3A : vector<16xi32>
    %rem3A = vector.broadcast %jit3A : i32 to vector<16xi32>
    %rem3A_344 = arith.remsi %iota3A, %rem3A : vector<16xi32>
    %ne3A_345 = arith.constant 0 : i32
    %ne3A_346 = vector.broadcast %ne3A_345 : i32 to vector<16xi32>
    %ne3A_347 = arith.cmpi ne, %rem3A_344, %ne3A_346 : vector<16xi32>
    %and3A = arith.andi %ne3A_343, %ne3A_347 : vector<16xi1>
    %sub3A = arith.constant 1 : i32
    %sub3A_348 = vector.broadcast %sub3A : i32 to vector<16xi32>
    %sub3A_349 = arith.subi %div3A_327, %sub3A_348 : vector<16xi32>
    %select_n3A = arith.select %and3A, %sub3A_349, %div3A_327 : vector<16xi1>, vector<16xi32>
    %jit3A_350 = arith.constant 8 : i32
    %eq3A = arith.constant 0 : i32
    %eq3A_351 = arith.cmpi eq, %jit3A_350, %eq3A : i32
    %jit3A_352 = arith.constant 1 : i32
    %select_n3A_353 = arith.select %eq3A_351, %jit3A_352, %jit3A_350 : i32
    %rem3A_354 = vector.broadcast %select_n3A_353 : i32 to vector<16xi32>
    %rem3A_355 = arith.remsi %iota3A, %rem3A_354 : vector<16xi32>
    %ne3A_356 = arith.constant 0 : i32
    %ne3A_357 = vector.broadcast %ne3A_356 : i32 to vector<16xi32>
    %ne3A_358 = arith.cmpi ne, %rem3A_355, %ne3A_357 : vector<16xi32>
    %lt3A = arith.constant 0 : i32
    %lt3A_359 = vector.broadcast %lt3A : i32 to vector<16xi32>
    %lt3A_360 = arith.cmpi slt, %rem3A_355, %lt3A_359 : vector<16xi32>
    %lt3A_361 = arith.constant 0 : i32
    %lt3A_362 = arith.cmpi slt, %select_n3A_353, %lt3A_361 : i32
    %ne3A_363 = vector.broadcast %lt3A_362 : i1 to vector<16xi1>
    %ne3A_364 = vector.broadcast %ne3A_363 : vector<16xi1> to vector<16xi1>
    %ne3A_365 = arith.xori %lt3A_360, %ne3A_364 : vector<16xi1>
    %and3A_366 = arith.andi %ne3A_365, %ne3A_358 : vector<16xi1>
    %add3A_367 = vector.broadcast %select_n3A_353 : i32 to vector<16xi32>
    %add3A_368 = arith.addi %rem3A_355, %add3A_367 : vector<16xi32>
    %select_n3A_369 = arith.select %and3A_366, %add3A_368, %rem3A_355 : vector<16xi1>, vector<16xi32>
    %add3A_370 = arith.constant 0 : i32
    %add3A_371 = arith.addi %mul3A_326, %add3A_370 : i32
    %dma_start3A = tpu.memref_slice %arg2[%add3A_371] : memref<320000xi32, #tpu.memory_space<hbm>> -> memref<40xi32, #tpu.memory_space<hbm>>
    %dma_start3A_372 = tpu.memref_slice %arg2[%add3A_371] : memref<320000xi32, #tpu.memory_space<hbm>> -> memref<40xi32, #tpu.memory_space<hbm>>
    tpu.enqueue_dma source(%dma_start3A_372 : memref<40xi32, #tpu.memory_space<hbm>>) target(%arg8 : memref<40xi32, #tpu.memory_space<vmem>>) target_semaphore(%arg23 : memref<!tpu.dma_semaphore, #tpu.memory_space<semaphore_mem>>)
    %add3A_373 = arith.constant 0 : i32
    %add3A_374 = arith.addi %mul3A_326, %add3A_373 : i32
    %dma_start3A_375 = tpu.memref_slice %arg3[%add3A_374] : memref<320000xi32, #tpu.memory_space<hbm>> -> memref<40xi32, #tpu.memory_space<hbm>>
    %dma_start3A_376 = tpu.memref_slice %arg3[%add3A_374] : memref<320000xi32, #tpu.memory_space<hbm>> -> memref<40xi32, #tpu.memory_space<hbm>>
    tpu.enqueue_dma source(%dma_start3A_376 : memref<40xi32, #tpu.memory_space<hbm>>) target(%arg10 : memref<40xi32, #tpu.memory_space<vmem>>) target_semaphore(%arg23 : memref<!tpu.dma_semaphore, #tpu.memory_space<semaphore_mem>>)
    %add3A_377 = arith.constant 40 : i32
    %add3A_378 = arith.addi %mul3A_326, %add3A_377 : i32
    %dma_start3A_379 = tpu.memref_slice %arg2[%add3A_378] : memref<320000xi32, #tpu.memory_space<hbm>> -> memref<40xi32, #tpu.memory_space<hbm>>
    %dma_start3A_380 = tpu.memref_slice %arg2[%add3A_378] : memref<320000xi32, #tpu.memory_space<hbm>> -> memref<40xi32, #tpu.memory_space<hbm>>
    tpu.enqueue_dma source(%dma_start3A_380 : memref<40xi32, #tpu.memory_space<hbm>>) target(%arg9 : memref<40xi32, #tpu.memory_space<vmem>>) target_semaphore(%arg24 : memref<!tpu.dma_semaphore, #tpu.memory_space<semaphore_mem>>)
    %add3A_381 = arith.constant 40 : i32
    %add3A_382 = arith.addi %mul3A_326, %add3A_381 : i32
    %dma_start3A_383 = tpu.memref_slice %arg3[%add3A_382] : memref<320000xi32, #tpu.memory_space<hbm>> -> memref<40xi32, #tpu.memory_space<hbm>>
    %dma_start3A_384 = tpu.memref_slice %arg3[%add3A_382] : memref<320000xi32, #tpu.memory_space<hbm>> -> memref<40xi32, #tpu.memory_space<hbm>>
    tpu.enqueue_dma source(%dma_start3A_384 : memref<40xi32, #tpu.memory_space<hbm>>) target(%arg11 : memref<40xi32, #tpu.memory_space<vmem>>) target_semaphore(%arg24 : memref<!tpu.dma_semaphore, #tpu.memory_space<semaphore_mem>>)
    %dma_wait3A = arith.constant 0 : i32
    %dma_wait3A_385 = tpu.memref_slice %arg2[%dma_wait3A] : memref<320000xi32, #tpu.memory_space<hbm>> -> memref<40xi32, #tpu.memory_space<hbm>>
    %dma_wait3A_386 = arith.constant 0 : i32
    %dma_wait3A_387 = tpu.memref_slice %arg2[%dma_wait3A_386] : memref<320000xi32, #tpu.memory_space<hbm>> -> memref<40xi32, #tpu.memory_space<hbm>>
    tpu.wait_dma2 semaphore(%arg23 : memref<!tpu.dma_semaphore, #tpu.memory_space<semaphore_mem>>) src(%dma_wait3A_387 : memref<40xi32, #tpu.memory_space<hbm>>) dst(%arg8 : memref<40xi32, #tpu.memory_space<vmem>>)
    %dma_wait3A_388 = arith.constant 0 : i32
    %dma_wait3A_389 = tpu.memref_slice %arg3[%dma_wait3A_388] : memref<320000xi32, #tpu.memory_space<hbm>> -> memref<40xi32, #tpu.memory_space<hbm>>
    %dma_wait3A_390 = arith.constant 0 : i32
    %dma_wait3A_391 = tpu.memref_slice %arg3[%dma_wait3A_390] : memref<320000xi32, #tpu.memory_space<hbm>> -> memref<40xi32, #tpu.memory_space<hbm>>
    tpu.wait_dma2 semaphore(%arg23 : memref<!tpu.dma_semaphore, #tpu.memory_space<semaphore_mem>>) src(%dma_wait3A_391 : memref<40xi32, #tpu.memory_space<hbm>>) dst(%arg10 : memref<40xi32, #tpu.memory_space<vmem>>)
    %dma_start3A_392 = arith.constant 0 : i32
    %dma_start3A_393 = arith.constant 0 : i32
    %dma_start3A_394 = tpu.memref_slice %arg5[%dma_start3A_392, %dma_start3A_393] : memref<10000x16xf32, #tpu.memory_space<hbm>> -> memref<10000x16xf32, #tpu.memory_space<hbm>>
    tpu.enqueue_indirect_dma source(%dma_start3A_394 : memref<10000x16xf32, #tpu.memory_space<hbm>>) target(%arg14 : memref<40x16xf32, #tpu.memory_space<vmem>>) offsets(%arg8 : memref<40xi32, #tpu.memory_space<vmem>>) semaphore(%arg27 : memref<!tpu.dma_semaphore, #tpu.memory_space<semaphore_mem>>)
    %dma_start3A_395 = arith.constant 0 : i32
    %dma_start3A_396 = arith.constant 0 : i32
    %dma_start3A_397 = tpu.memref_slice %arg5[%dma_start3A_395, %dma_start3A_396] : memref<10000x16xf32, #tpu.memory_space<hbm>> -> memref<10000x16xf32, #tpu.memory_space<hbm>>
    tpu.enqueue_indirect_dma source(%dma_start3A_397 : memref<10000x16xf32, #tpu.memory_space<hbm>>) target(%arg16 : memref<40x16xf32, #tpu.memory_space<vmem>>) offsets(%arg10 : memref<40xi32, #tpu.memory_space<vmem>>) semaphore(%arg27 : memref<!tpu.dma_semaphore, #tpu.memory_space<semaphore_mem>>)
    %dma_start3A_398 = arith.constant 0 : i32
    %dma_start3A_399 = arith.constant 0 : i32
    %dma_start3A_400 = tpu.memref_slice %arg4[%dma_start3A_398, %dma_start3A_399] : memref<10000x128xf32, #tpu.memory_space<hbm>> -> memref<10000x128xf32, #tpu.memory_space<hbm>>
    tpu.enqueue_indirect_dma source(%dma_start3A_400 : memref<10000x128xf32, #tpu.memory_space<hbm>>) target(%arg18 : memref<40x128xf32, #tpu.memory_space<vmem>>) offsets(%arg8 : memref<40xi32, #tpu.memory_space<vmem>>) semaphore(%arg27 : memref<!tpu.dma_semaphore, #tpu.memory_space<semaphore_mem>>)
    %scan3A = arith.constant 0 : i32
    %scan3A_401 = arith.constant 0 : i32
    %scan3A_402 = arith.constant 125 : i32
    %scan3A_403 = arith.addi %scan3A_401, %scan3A_402 : i32
    %scan3A_404 = arith.constant 1 : i32
    scf.for %scan3A_423 = %scan3A_401 to %scan3A_403 step %scan3A_404  : i32 {
      %mul3A_424 = arith.constant 2 : i32
      %mul3A_425 = arith.muli %mul3A_424, %scan3A_423 : i32
      %add3A_426 = arith.constant 0 : i32
      %add3A_427 = arith.addi %mul3A_425, %add3A_426 : i32
      %add3A_428 = arith.constant 1 : i32
      %add3A_429 = arith.addi %add3A_427, %add3A_428 : i32
      %lt3A_430 = arith.constant 250 : i32
      %lt3A_431 = arith.cmpi slt, %add3A_429, %lt3A_430 : i32
      %convert_element_type3A = arith.extui %lt3A_431 : i1 to i32
      %cond3A = arith.constant 0 : i32
      %cond3A_432 = arith.cmpi ne, %convert_element_type3A, %cond3A : i32
      scf.if %cond3A_432 {
        %dma_wait3A_532 = arith.constant 0 : i32
        %dma_wait3A_533 = tpu.memref_slice %arg2[%dma_wait3A_532] : memref<320000xi32, #tpu.memory_space<hbm>> -> memref<40xi32, #tpu.memory_space<hbm>>
        %dma_wait3A_534 = arith.constant 0 : i32
        %dma_wait3A_535 = tpu.memref_slice %arg2[%dma_wait3A_534] : memref<320000xi32, #tpu.memory_space<hbm>> -> memref<40xi32, #tpu.memory_space<hbm>>
        tpu.wait_dma2 semaphore(%arg24 : memref<!tpu.dma_semaphore, #tpu.memory_space<semaphore_mem>>) src(%dma_wait3A_535 : memref<40xi32, #tpu.memory_space<hbm>>) dst(%arg9 : memref<40xi32, #tpu.memory_space<vmem>>)
        %dma_wait3A_536 = arith.constant 0 : i32
        %dma_wait3A_537 = tpu.memref_slice %arg3[%dma_wait3A_536] : memref<320000xi32, #tpu.memory_space<hbm>> -> memref<40xi32, #tpu.memory_space<hbm>>
        %dma_wait3A_538 = arith.constant 0 : i32
        %dma_wait3A_539 = tpu.memref_slice %arg3[%dma_wait3A_538] : memref<320000xi32, #tpu.memory_space<hbm>> -> memref<40xi32, #tpu.memory_space<hbm>>
        tpu.wait_dma2 semaphore(%arg24 : memref<!tpu.dma_semaphore, #tpu.memory_space<semaphore_mem>>) src(%dma_wait3A_539 : memref<40xi32, #tpu.memory_space<hbm>>) dst(%arg11 : memref<40xi32, #tpu.memory_space<vmem>>)
        %dma_start3A_540 = arith.constant 0 : i32
        %dma_start3A_541 = arith.constant 0 : i32
        %dma_start3A_542 = tpu.memref_slice %arg5[%dma_start3A_540, %dma_start3A_541] : memref<10000x16xf32, #tpu.memory_space<hbm>> -> memref<10000x16xf32, #tpu.memory_space<hbm>>
        tpu.enqueue_indirect_dma source(%dma_start3A_542 : memref<10000x16xf32, #tpu.memory_space<hbm>>) target(%arg15 : memref<40x16xf32, #tpu.memory_space<vmem>>) offsets(%arg9 : memref<40xi32, #tpu.memory_space<vmem>>) semaphore(%arg28 : memref<!tpu.dma_semaphore, #tpu.memory_space<semaphore_mem>>)
        %dma_start3A_543 = arith.constant 0 : i32
        %dma_start3A_544 = arith.constant 0 : i32
        %dma_start3A_545 = tpu.memref_slice %arg5[%dma_start3A_543, %dma_start3A_544] : memref<10000x16xf32, #tpu.memory_space<hbm>> -> memref<10000x16xf32, #tpu.memory_space<hbm>>
        tpu.enqueue_indirect_dma source(%dma_start3A_545 : memref<10000x16xf32, #tpu.memory_space<hbm>>) target(%arg17 : memref<40x16xf32, #tpu.memory_space<vmem>>) offsets(%arg11 : memref<40xi32, #tpu.memory_space<vmem>>) semaphore(%arg28 : memref<!tpu.dma_semaphore, #tpu.memory_space<semaphore_mem>>)
        %dma_start3A_546 = arith.constant 0 : i32
        %dma_start3A_547 = arith.constant 0 : i32
        %dma_start3A_548 = tpu.memref_slice %arg4[%dma_start3A_546, %dma_start3A_547] : memref<10000x128xf32, #tpu.memory_space<hbm>> -> memref<10000x128xf32, #tpu.memory_space<hbm>>
        tpu.enqueue_indirect_dma source(%dma_start3A_548 : memref<10000x128xf32, #tpu.memory_space<hbm>>) target(%arg19 : memref<40x128xf32, #tpu.memory_space<vmem>>) offsets(%arg9 : memref<40xi32, #tpu.memory_space<vmem>>) semaphore(%arg28 : memref<!tpu.dma_semaphore, #tpu.memory_space<semaphore_mem>>)
      } else {
      }
      %dma_wait3A_433 = arith.constant 0 : i32
      %dma_wait3A_434 = arith.constant 0 : i32
      %dma_wait3A_435 = tpu.memref_slice %arg5[%dma_wait3A_433, %dma_wait3A_434] : memref<10000x16xf32, #tpu.memory_space<hbm>> -> memref<40x16xf32, #tpu.memory_space<hbm>>
      %dma_wait3A_436 = arith.constant 0 : i32
      %dma_wait3A_437 = arith.constant 0 : i32
      %dma_wait3A_438 = tpu.memref_slice %arg5[%dma_wait3A_436, %dma_wait3A_437] : memref<10000x16xf32, #tpu.memory_space<hbm>> -> memref<40x16xf32, #tpu.memory_space<hbm>>
      tpu.wait_dma2 semaphore(%arg27 : memref<!tpu.dma_semaphore, #tpu.memory_space<semaphore_mem>>) src(%dma_wait3A_438 : memref<40x16xf32, #tpu.memory_space<hbm>>) dst(%arg14 : memref<40x16xf32, #tpu.memory_space<vmem>>)
      %dma_wait3A_439 = arith.constant 0 : i32
      %dma_wait3A_440 = arith.constant 0 : i32
      %dma_wait3A_441 = tpu.memref_slice %arg5[%dma_wait3A_439, %dma_wait3A_440] : memref<10000x16xf32, #tpu.memory_space<hbm>> -> memref<40x16xf32, #tpu.memory_space<hbm>>
      %dma_wait3A_442 = arith.constant 0 : i32
      %dma_wait3A_443 = arith.constant 0 : i32
      %dma_wait3A_444 = tpu.memref_slice %arg5[%dma_wait3A_442, %dma_wait3A_443] : memref<10000x16xf32, #tpu.memory_space<hbm>> -> memref<40x16xf32, #tpu.memory_space<hbm>>
      tpu.wait_dma2 semaphore(%arg27 : memref<!tpu.dma_semaphore, #tpu.memory_space<semaphore_mem>>) src(%dma_wait3A_444 : memref<40x16xf32, #tpu.memory_space<hbm>>) dst(%arg16 : memref<40x16xf32, #tpu.memory_space<vmem>>)
      %dma_wait3A_445 = arith.constant 0 : i32
      %dma_wait3A_446 = arith.constant 0 : i32
      %dma_wait3A_447 = tpu.memref_slice %arg4[%dma_wait3A_445, %dma_wait3A_446] : memref<10000x128xf32, #tpu.memory_space<hbm>> -> memref<40x128xf32, #tpu.memory_space<hbm>>
      %dma_wait3A_448 = arith.constant 0 : i32
      %dma_wait3A_449 = arith.constant 0 : i32
      %dma_wait3A_450 = tpu.memref_slice %arg4[%dma_wait3A_448, %dma_wait3A_449] : memref<10000x128xf32, #tpu.memory_space<hbm>> -> memref<40x128xf32, #tpu.memory_space<hbm>>
      tpu.wait_dma2 semaphore(%arg27 : memref<!tpu.dma_semaphore, #tpu.memory_space<semaphore_mem>>) src(%dma_wait3A_450 : memref<40x128xf32, #tpu.memory_space<hbm>>) dst(%arg18 : memref<40x128xf32, #tpu.memory_space<vmem>>)
      %add3A_451 = arith.constant 2 : i32
      %add3A_452 = arith.addi %add3A_427, %add3A_451 : i32
      %lt3A_453 = arith.constant 250 : i32
      %lt3A_454 = arith.cmpi slt, %add3A_452, %lt3A_453 : i32
      %convert_element_type3A_455 = arith.extui %lt3A_454 : i1 to i32
      %cond3A_456 = arith.constant 0 : i32
      %cond3A_457 = arith.cmpi ne, %convert_element_type3A_455, %cond3A_456 : i32
      scf.if %cond3A_457 {
        %add3A_532 = arith.constant 2 : i32
        %add3A_533 = arith.addi %add3A_427, %add3A_532 : i32
        %mul3A_534 = arith.constant 40 : i32
        %mul3A_535 = arith.muli %add3A_533, %mul3A_534 : i32
        %add3A_536 = arith.addi %mul3A_326, %mul3A_535 : i32
        %dma_start3A_537 = tpu.memref_slice %arg2[%add3A_536] : memref<320000xi32, #tpu.memory_space<hbm>> -> memref<40xi32, #tpu.memory_space<hbm>>
        %dma_start3A_538 = tpu.memref_slice %arg2[%add3A_536] : memref<320000xi32, #tpu.memory_space<hbm>> -> memref<40xi32, #tpu.memory_space<hbm>>
        tpu.enqueue_dma source(%dma_start3A_538 : memref<40xi32, #tpu.memory_space<hbm>>) target(%arg8 : memref<40xi32, #tpu.memory_space<vmem>>) target_semaphore(%arg23 : memref<!tpu.dma_semaphore, #tpu.memory_space<semaphore_mem>>)
        %mul3A_539 = arith.constant 40 : i32
        %mul3A_540 = arith.muli %add3A_533, %mul3A_539 : i32
        %add3A_541 = arith.addi %mul3A_326, %mul3A_540 : i32
        %dma_start3A_542 = tpu.memref_slice %arg3[%add3A_541] : memref<320000xi32, #tpu.memory_space<hbm>> -> memref<40xi32, #tpu.memory_space<hbm>>
        %dma_start3A_543 = tpu.memref_slice %arg3[%add3A_541] : memref<320000xi32, #tpu.memory_space<hbm>> -> memref<40xi32, #tpu.memory_space<hbm>>
        tpu.enqueue_dma source(%dma_start3A_543 : memref<40xi32, #tpu.memory_space<hbm>>) target(%arg10 : memref<40xi32, #tpu.memory_space<vmem>>) target_semaphore(%arg23 : memref<!tpu.dma_semaphore, #tpu.memory_space<semaphore_mem>>)
      } else {
      }
      %ge3A = arith.constant 2 : i32
      %ge3A_458 = arith.cmpi sge, %add3A_427, %ge3A : i32
      %convert_element_type3A_459 = arith.extui %ge3A_458 : i1 to i32
      %cond3A_460 = arith.constant 0 : i32
      %cond3A_461 = arith.cmpi ne, %convert_element_type3A_459, %cond3A_460 : i32
      scf.if %cond3A_461 {
        %dma_wait3A_532 = arith.constant 0 : i32
        %dma_wait3A_533 = arith.constant 0 : i32
        %dma_wait3A_534 = tpu.memref_slice %arg6[%dma_wait3A_532, %dma_wait3A_533] : memref<10240x144xf32, #tpu.memory_space<hbm>> -> memref<40x144xf32, #tpu.memory_space<hbm>>
        %dma_wait3A_535 = arith.constant 0 : i32
        %dma_wait3A_536 = arith.constant 0 : i32
        %dma_wait3A_537 = tpu.memref_slice %arg6[%dma_wait3A_535, %dma_wait3A_536] : memref<10240x144xf32, #tpu.memory_space<hbm>> -> memref<40x144xf32, #tpu.memory_space<hbm>>
        tpu.wait_dma2 semaphore(%arg29 : memref<!tpu.dma_semaphore, #tpu.memory_space<semaphore_mem>>) src(%dma_wait3A_537 : memref<40x144xf32, #tpu.memory_space<hbm>>) dst(%arg20 : memref<40x144xf32, #tpu.memory_space<vmem>>)
      } else {
      }
      %mul3A_462 = arith.constant 40 : i32
      %mul3A_463 = arith.muli %add3A_427, %mul3A_462 : i32
      %add3A_464 = arith.addi %mul3A_326, %mul3A_463 : i32
      %dma_start3A_465 = tpu.memref_slice %arg3[%add3A_464] : memref<320000xi32, #tpu.memory_space<hbm>> -> memref<40xi32, #tpu.memory_space<hbm>>
      %dma_start3A_466 = tpu.memref_slice %arg3[%add3A_464] : memref<320000xi32, #tpu.memory_space<hbm>> -> memref<40xi32, #tpu.memory_space<hbm>>
      tpu.enqueue_dma source(%dma_start3A_466 : memref<40xi32, #tpu.memory_space<hbm>>) target(%arg12 : memref<40xi32, #tpu.memory_space<vmem>>) target_semaphore(%arg25 : memref<!tpu.dma_semaphore, #tpu.memory_space<semaphore_mem>>)
      %parallel_loop3A = arith.constant 0 : i32
      %parallel_loop3A_467 = arith.constant 20 : i32
      %parallel_loop3A_468 = arith.constant 1 : i32
      scf.for %parallel_loop3A_532 = %parallel_loop3A to %parallel_loop3A_467 step %parallel_loop3A_468  : i32 {
        %parallel_loop3A_533 = arith.constant 2 : i32
        %parallel_loop3A_534 = arith.muli %parallel_loop3A_533, %parallel_loop3A_532 : i32
        %parallel_loop3A_535 = vector.broadcast %parallel_loop3A_534 : i32 to vector<16xi32>
        %parallel_loop3A_536 = arith.addi %select_n3A, %parallel_loop3A_535 : vector<16xi32>
        %parallel_loop3A_537 = tpu.vector_load_idx %arg14[%parallel_loop3A_536, %select_n3A_369] : memref<40x16xf32, #tpu.memory_space<vmem>>[vector<16xi32>, vector<16xi32>], vector<16xf32>,
        %parallel_loop3A_538 = arith.constant 8 : i32
        %parallel_loop3A_539 = vector.broadcast %parallel_loop3A_538 : i32 to vector<16xi32>
        %parallel_loop3A_540 = arith.addi %select_n3A_369, %parallel_loop3A_539 : vector<16xi32>
        %parallel_loop3A_541 = tpu.vector_load_idx %arg16[%parallel_loop3A_536, %parallel_loop3A_540] : memref<40x16xf32, #tpu.memory_space<vmem>>[vector<16xi32>, vector<16xi32>], vector<16xf32>,
        %parallel_loop3A_542 = arith.addf %parallel_loop3A_537, %parallel_loop3A_541 : vector<16xf32>
        %parallel_loop3A_543 = arith.constant 2.000000e-01 : f32
        %parallel_loop3A_544 = vector.broadcast %parallel_loop3A_543 : f32 to vector<16xf32>
        %parallel_loop3A_545 = arith.mulf %parallel_loop3A_544, %parallel_loop3A_542 : vector<16xf32>
        %parallel_loop3A_546 = arith.maximumf %parallel_loop3A_542, %parallel_loop3A_545 : vector<16xf32>
        %parallel_loop3A_547 = math.exp %parallel_loop3A_546 : vector<16xf32>
        %parallel_loop3A_548 = arith.constant 128 : i32
        %parallel_loop3A_549 = vector.broadcast %parallel_loop3A_548 : i32 to vector<16xi32>
        %parallel_loop3A_550 = arith.addi %select_n3A_369, %parallel_loop3A_549 : vector<16xi32>
        tpu.vector_store_idx %arg20[%parallel_loop3A_536, %parallel_loop3A_550], %parallel_loop3A_547 : memref<40x144xf32, #tpu.memory_space<vmem>>[vector<16xi32>, vector<16xi32>], vector<16xf32>,
        %parallel_loop3A_551 = arith.constant 2 : i32
        %parallel_loop3A_552 = arith.muli %parallel_loop3A_551, %parallel_loop3A_532 : i32
        %parallel_loop3A_553 = arith.constant 0 : i32
        %parallel_loop3A_554 = arith.addi %parallel_loop3A_552, %parallel_loop3A_553 : i32
        %parallel_loop3A_555 = arith.constant 0 : i32
        %parallel_loop3A_556 = vector.broadcast %parallel_loop3A_555 : i32 to vector<16xi32>
        %parallel_loop3A_557 = vector.shape_cast %parallel_loop3A_556 : vector<16xi32> to vector<16x1xi32>
        %parallel_loop3A_558 = vector.shape_cast %parallel_loop3A_557 : vector<16x1xi32> to vector<16xi32>
        %parallel_loop3A_559 = tpu.dynamic_gather %parallel_loop3A_547[%parallel_loop3A_558] in [0] : vector<16xf32>, vector<16xi32> -> vector<16xf32>
        %parallel_loop3A_560 = arith.index_cast %parallel_loop3A_554 : i32 to index
        %parallel_loop3A_561 = arith.constant 0 : index
        %parallel_loop3A_562 = tpu.vector_load %arg18[%parallel_loop3A_560, %parallel_loop3A_561] {strides = array<i32>} : memref<40x128xf32, #tpu.memory_space<vmem>>, vector<16xf32>,
        %parallel_loop3A_563 = arith.mulf %parallel_loop3A_562, %parallel_loop3A_559 : vector<16xf32>
        %parallel_loop3A_564 = arith.index_cast %parallel_loop3A_554 : i32 to index
        %parallel_loop3A_565 = arith.constant 0 : index
        %parallel_loop3A_566 = tpu.vector_load %arg20[%parallel_loop3A_564, %parallel_loop3A_565] {strides = array<i32>} : memref<40x144xf32, #tpu.memory_space<vmem>>, vector<16xf32>,
        tpu.vector_store %arg20[%parallel_loop3A_564, %parallel_loop3A_565], %parallel_loop3A_563 {strides = array<i32>} : memref<40x144xf32, #tpu.memory_space<vmem>>, vector<16xf32>,
        %parallel_loop3A_567 = arith.constant 2 : i32
        %parallel_loop3A_568 = arith.muli %parallel_loop3A_567, %parallel_loop3A_532 : i32
        %parallel_loop3A_569 = arith.constant 0 : i32
        %parallel_loop3A_570 = arith.addi %parallel_loop3A_568, %parallel_loop3A_569 : i32
        %parallel_loop3A_571 = arith.constant 1 : i32
        %parallel_loop3A_572 = vector.broadcast %parallel_loop3A_571 : i32 to vector<16xi32>
        %parallel_loop3A_573 = vector.shape_cast %parallel_loop3A_572 : vector<16xi32> to vector<16x1xi32>
        %parallel_loop3A_574 = vector.shape_cast %parallel_loop3A_573 : vector<16x1xi32> to vector<16xi32>
        %parallel_loop3A_575 = tpu.dynamic_gather %parallel_loop3A_547[%parallel_loop3A_574] in [0] : vector<16xf32>, vector<16xi32> -> vector<16xf32>
        %parallel_loop3A_576 = arith.index_cast %parallel_loop3A_570 : i32 to index
        %parallel_loop3A_577 = arith.constant 16 : index
        %parallel_loop3A_578 = tpu.vector_load %arg18[%parallel_loop3A_576, %parallel_loop3A_577] {strides = array<i32>} : memref<40x128xf32, #tpu.memory_space<vmem>>, vector<16xf32>,
        %parallel_loop3A_579 = arith.mulf %parallel_loop3A_578, %parallel_loop3A_575 : vector<16xf32>
        %parallel_loop3A_580 = arith.index_cast %parallel_loop3A_570 : i32 to index
        %parallel_loop3A_581 = arith.constant 16 : index
        %parallel_loop3A_582 = tpu.vector_load %arg20[%parallel_loop3A_580, %parallel_loop3A_581] {strides = array<i32>} : memref<40x144xf32, #tpu.memory_space<vmem>>, vector<16xf32>,
        tpu.vector_store %arg20[%parallel_loop3A_580, %parallel_loop3A_581], %parallel_loop3A_579 {strides = array<i32>} : memref<40x144xf32, #tpu.memory_space<vmem>>, vector<16xf32>,
        %parallel_loop3A_583 = arith.constant 2 : i32
        %parallel_loop3A_584 = arith.muli %parallel_loop3A_583, %parallel_loop3A_532 : i32
        %parallel_loop3A_585 = arith.constant 0 : i32
        %parallel_loop3A_586 = arith.addi %parallel_loop3A_584, %parallel_loop3A_585 : i32
        %parallel_loop3A_587 = arith.constant 2 : i32
        %parallel_loop3A_588 = vector.broadcast %parallel_loop3A_587 : i32 to vector<16xi32>
        %parallel_loop3A_589 = vector.shape_cast %parallel_loop3A_588 : vector<16xi32> to vector<16x1xi32>
        %parallel_loop3A_590 = vector.shape_cast %parallel_loop3A_589 : vector<16x1xi32> to vector<16xi32>
        %parallel_loop3A_591 = tpu.dynamic_gather %parallel_loop3A_547[%parallel_loop3A_590] in [0] : vector<16xf32>, vector<16xi32> -> vector<16xf32>
        %parallel_loop3A_592 = arith.index_cast %parallel_loop3A_586 : i32 to index
        %parallel_loop3A_593 = arith.constant 32 : index
        %parallel_loop3A_594 = tpu.vector_load %arg18[%parallel_loop3A_592, %parallel_loop3A_593] {strides = array<i32>} : memref<40x128xf32, #tpu.memory_space<vmem>>, vector<16xf32>,
        %parallel_loop3A_595 = arith.mulf %parallel_loop3A_594, %parallel_loop3A_591 : vector<16xf32>
        %parallel_loop3A_596 = arith.index_cast %parallel_loop3A_586 : i32 to index
        %parallel_loop3A_597 = arith.constant 32 : index
        %parallel_loop3A_598 = tpu.vector_load %arg20[%parallel_loop3A_596, %parallel_loop3A_597] {strides = array<i32>} : memref<40x144xf32, #tpu.memory_space<vmem>>, vector<16xf32>,
        tpu.vector_store %arg20[%parallel_loop3A_596, %parallel_loop3A_597], %parallel_loop3A_595 {strides = array<i32>} : memref<40x144xf32, #tpu.memory_space<vmem>>, vector<16xf32>,
        %parallel_loop3A_599 = arith.constant 2 : i32
        %parallel_loop3A_600 = arith.muli %parallel_loop3A_599, %parallel_loop3A_532 : i32
        %parallel_loop3A_601 = arith.constant 0 : i32
        %parallel_loop3A_602 = arith.addi %parallel_loop3A_600, %parallel_loop3A_601 : i32
        %parallel_loop3A_603 = arith.constant 3 : i32
        %parallel_loop3A_604 = vector.broadcast %parallel_loop3A_603 : i32 to vector<16xi32>
        %parallel_loop3A_605 = vector.shape_cast %parallel_loop3A_604 : vector<16xi32> to vector<16x1xi32>
        %parallel_loop3A_606 = vector.shape_cast %parallel_loop3A_605 : vector<16x1xi32> to vector<16xi32>
        %parallel_loop3A_607 = tpu.dynamic_gather %parallel_loop3A_547[%parallel_loop3A_606] in [0] : vector<16xf32>, vector<16xi32> -> vector<16xf32>
        %parallel_loop3A_608 = arith.index_cast %parallel_loop3A_602 : i32 to index
        %parallel_loop3A_609 = arith.constant 48 : index
        %parallel_loop3A_610 = tpu.vector_load %arg18[%parallel_loop3A_608, %parallel_loop3A_609] {strides = array<i32>} : memref<40x128xf32, #tpu.memory_space<vmem>>, vector<16xf32>,
        %parallel_loop3A_611 = arith.mulf %parallel_loop3A_610, %parallel_loop3A_607 : vector<16xf32>
        %parallel_loop3A_612 = arith.index_cast %parallel_loop3A_602 : i32 to index
        %parallel_loop3A_613 = arith.constant 48 : index
        %parallel_loop3A_614 = tpu.vector_load %arg20[%parallel_loop3A_612, %parallel_loop3A_613] {strides = array<i32>} : memref<40x144xf32, #tpu.memory_space<vmem>>, vector<16xf32>,
        tpu.vector_store %arg20[%parallel_loop3A_612, %parallel_loop3A_613], %parallel_loop3A_611 {strides = array<i32>} : memref<40x144xf32, #tpu.memory_space<vmem>>, vector<16xf32>,
        %parallel_loop3A_615 = arith.constant 2 : i32
        %parallel_loop3A_616 = arith.muli %parallel_loop3A_615, %parallel_loop3A_532 : i32
        %parallel_loop3A_617 = arith.constant 0 : i32
        %parallel_loop3A_618 = arith.addi %parallel_loop3A_616, %parallel_loop3A_617 : i32
        %parallel_loop3A_619 = arith.constant 4 : i32
        %parallel_loop3A_620 = vector.broadcast %parallel_loop3A_619 : i32 to vector<16xi32>
        %parallel_loop3A_621 = vector.shape_cast %parallel_loop3A_620 : vector<16xi32> to vector<16x1xi32>
        %parallel_loop3A_622 = vector.shape_cast %parallel_loop3A_621 : vector<16x1xi32> to vector<16xi32>
        %parallel_loop3A_623 = tpu.dynamic_gather %parallel_loop3A_547[%parallel_loop3A_622] in [0] : vector<16xf32>, vector<16xi32> -> vector<16xf32>
        %parallel_loop3A_624 = arith.index_cast %parallel_loop3A_618 : i32 to index
        %parallel_loop3A_625 = arith.constant 64 : index
        %parallel_loop3A_626 = tpu.vector_load %arg18[%parallel_loop3A_624, %parallel_loop3A_625] {strides = array<i32>} : memref<40x128xf32, #tpu.memory_space<vmem>>, vector<16xf32>,
        %parallel_loop3A_627 = arith.mulf %parallel_loop3A_626, %parallel_loop3A_623 : vector<16xf32>
        %parallel_loop3A_628 = arith.index_cast %parallel_loop3A_618 : i32 to index
        %parallel_loop3A_629 = arith.constant 64 : index
        %parallel_loop3A_630 = tpu.vector_load %arg20[%parallel_loop3A_628, %parallel_loop3A_629] {strides = array<i32>} : memref<40x144xf32, #tpu.memory_space<vmem>>, vector<16xf32>,
        tpu.vector_store %arg20[%parallel_loop3A_628, %parallel_loop3A_629], %parallel_loop3A_627 {strides = array<i32>} : memref<40x144xf32, #tpu.memory_space<vmem>>, vector<16xf32>,
        %parallel_loop3A_631 = arith.constant 2 : i32
        %parallel_loop3A_632 = arith.muli %parallel_loop3A_631, %parallel_loop3A_532 : i32
        %parallel_loop3A_633 = arith.constant 0 : i32
        %parallel_loop3A_634 = arith.addi %parallel_loop3A_632, %parallel_loop3A_633 : i32
        %parallel_loop3A_635 = arith.constant 5 : i32
        %parallel_loop3A_636 = vector.broadcast %parallel_loop3A_635 : i32 to vector<16xi32>
        %parallel_loop3A_637 = vector.shape_cast %parallel_loop3A_636 : vector<16xi32> to vector<16x1xi32>
        %parallel_loop3A_638 = vector.shape_cast %parallel_loop3A_637 : vector<16x1xi32> to vector<16xi32>
        %parallel_loop3A_639 = tpu.dynamic_gather %parallel_loop3A_547[%parallel_loop3A_638] in [0] : vector<16xf32>, vector<16xi32> -> vector<16xf32>
        %parallel_loop3A_640 = arith.index_cast %parallel_loop3A_634 : i32 to index
        %parallel_loop3A_641 = arith.constant 80 : index
        %parallel_loop3A_642 = tpu.vector_load %arg18[%parallel_loop3A_640, %parallel_loop3A_641] {strides = array<i32>} : memref<40x128xf32, #tpu.memory_space<vmem>>, vector<16xf32>,
        %parallel_loop3A_643 = arith.mulf %parallel_loop3A_642, %parallel_loop3A_639 : vector<16xf32>
        %parallel_loop3A_644 = arith.index_cast %parallel_loop3A_634 : i32 to index
        %parallel_loop3A_645 = arith.constant 80 : index
        %parallel_loop3A_646 = tpu.vector_load %arg20[%parallel_loop3A_644, %parallel_loop3A_645] {strides = array<i32>} : memref<40x144xf32, #tpu.memory_space<vmem>>, vector<16xf32>,
        tpu.vector_store %arg20[%parallel_loop3A_644, %parallel_loop3A_645], %parallel_loop3A_643 {strides = array<i32>} : memref<40x144xf32, #tpu.memory_space<vmem>>, vector<16xf32>,
        %parallel_loop3A_647 = arith.constant 2 : i32
        %parallel_loop3A_648 = arith.muli %parallel_loop3A_647, %parallel_loop3A_532 : i32
        %parallel_loop3A_649 = arith.constant 0 : i32
        %parallel_loop3A_650 = arith.addi %parallel_loop3A_648, %parallel_loop3A_649 : i32
        %parallel_loop3A_651 = arith.constant 6 : i32
        %parallel_loop3A_652 = vector.broadcast %parallel_loop3A_651 : i32 to vector<16xi32>
        %parallel_loop3A_653 = vector.shape_cast %parallel_loop3A_652 : vector<16xi32> to vector<16x1xi32>
        %parallel_loop3A_654 = vector.shape_cast %parallel_loop3A_653 : vector<16x1xi32> to vector<16xi32>
        %parallel_loop3A_655 = tpu.dynamic_gather %parallel_loop3A_547[%parallel_loop3A_654] in [0] : vector<16xf32>, vector<16xi32> -> vector<16xf32>
        %parallel_loop3A_656 = arith.index_cast %parallel_loop3A_650 : i32 to index
        %parallel_loop3A_657 = arith.constant 96 : index
        %parallel_loop3A_658 = tpu.vector_load %arg18[%parallel_loop3A_656, %parallel_loop3A_657] {strides = array<i32>} : memref<40x128xf32, #tpu.memory_space<vmem>>, vector<16xf32>,
        %parallel_loop3A_659 = arith.mulf %parallel_loop3A_658, %parallel_loop3A_655 : vector<16xf32>
        %parallel_loop3A_660 = arith.index_cast %parallel_loop3A_650 : i32 to index
        %parallel_loop3A_661 = arith.constant 96 : index
        %parallel_loop3A_662 = tpu.vector_load %arg20[%parallel_loop3A_660, %parallel_loop3A_661] {strides = array<i32>} : memref<40x144xf32, #tpu.memory_space<vmem>>, vector<16xf32>,
        tpu.vector_store %arg20[%parallel_loop3A_660, %parallel_loop3A_661], %parallel_loop3A_659 {strides = array<i32>} : memref<40x144xf32, #tpu.memory_space<vmem>>, vector<16xf32>,
        %parallel_loop3A_663 = arith.constant 2 : i32
        %parallel_loop3A_664 = arith.muli %parallel_loop3A_663, %parallel_loop3A_532 : i32
        %parallel_loop3A_665 = arith.constant 0 : i32
        %parallel_loop3A_666 = arith.addi %parallel_loop3A_664, %parallel_loop3A_665 : i32
        %parallel_loop3A_667 = arith.constant 7 : i32
        %parallel_loop3A_668 = vector.broadcast %parallel_loop3A_667 : i32 to vector<16xi32>
        %parallel_loop3A_669 = vector.shape_cast %parallel_loop3A_668 : vector<16xi32> to vector<16x1xi32>
        %parallel_loop3A_670 = vector.shape_cast %parallel_loop3A_669 : vector<16x1xi32> to vector<16xi32>
        %parallel_loop3A_671 = tpu.dynamic_gather %parallel_loop3A_547[%parallel_loop3A_670] in [0] : vector<16xf32>, vector<16xi32> -> vector<16xf32>
        %parallel_loop3A_672 = arith.index_cast %parallel_loop3A_666 : i32 to index
        %parallel_loop3A_673 = arith.constant 112 : index
        %parallel_loop3A_674 = tpu.vector_load %arg18[%parallel_loop3A_672, %parallel_loop3A_673] {strides = array<i32>} : memref<40x128xf32, #tpu.memory_space<vmem>>, vector<16xf32>,
        %parallel_loop3A_675 = arith.mulf %parallel_loop3A_674, %parallel_loop3A_671 : vector<16xf32>
        %parallel_loop3A_676 = arith.index_cast %parallel_loop3A_666 : i32 to index
        %parallel_loop3A_677 = arith.constant 112 : index
        %parallel_loop3A_678 = tpu.vector_load %arg20[%parallel_loop3A_676, %parallel_loop3A_677] {strides = array<i32>} : memref<40x144xf32, #tpu.memory_space<vmem>>, vector<16xf32>,
        tpu.vector_store %arg20[%parallel_loop3A_676, %parallel_loop3A_677], %parallel_loop3A_675 {strides = array<i32>} : memref<40x144xf32, #tpu.memory_space<vmem>>, vector<16xf32>,
        %parallel_loop3A_679 = arith.constant 2 : i32
        %parallel_loop3A_680 = arith.muli %parallel_loop3A_679, %parallel_loop3A_532 : i32
        %parallel_loop3A_681 = arith.constant 1 : i32
        %parallel_loop3A_682 = arith.addi %parallel_loop3A_680, %parallel_loop3A_681 : i32
        %parallel_loop3A_683 = arith.constant 8 : i32
        %parallel_loop3A_684 = vector.broadcast %parallel_loop3A_683 : i32 to vector<16xi32>
        %parallel_loop3A_685 = vector.shape_cast %parallel_loop3A_684 : vector<16xi32> to vector<16x1xi32>
        %parallel_loop3A_686 = vector.shape_cast %parallel_loop3A_685 : vector<16x1xi32> to vector<16xi32>
        %parallel_loop3A_687 = tpu.dynamic_gather %parallel_loop3A_547[%parallel_loop3A_686] in [0] : vector<16xf32>, vector<16xi32> -> vector<16xf32>
        %parallel_loop3A_688 = arith.index_cast %parallel_loop3A_682 : i32 to index
        %parallel_loop3A_689 = arith.constant 0 : index
        %parallel_loop3A_690 = tpu.vector_load %arg18[%parallel_loop3A_688, %parallel_loop3A_689] {strides = array<i32>} : memref<40x128xf32, #tpu.memory_space<vmem>>, vector<16xf32>,
        %parallel_loop3A_691 = arith.mulf %parallel_loop3A_690, %parallel_loop3A_687 : vector<16xf32>
        %parallel_loop3A_692 = arith.index_cast %parallel_loop3A_682 : i32 to index
        %parallel_loop3A_693 = arith.constant 0 : index
        %parallel_loop3A_694 = tpu.vector_load %arg20[%parallel_loop3A_692, %parallel_loop3A_693] {strides = array<i32>} : memref<40x144xf32, #tpu.memory_space<vmem>>, vector<16xf32>,
        tpu.vector_store %arg20[%parallel_loop3A_692, %parallel_loop3A_693], %parallel_loop3A_691 {strides = array<i32>} : memref<40x144xf32, #tpu.memory_space<vmem>>, vector<16xf32>,
        %parallel_loop3A_695 = arith.constant 2 : i32
        %parallel_loop3A_696 = arith.muli %parallel_loop3A_695, %parallel_loop3A_532 : i32
        %parallel_loop3A_697 = arith.constant 1 : i32
        %parallel_loop3A_698 = arith.addi %parallel_loop3A_696, %parallel_loop3A_697 : i32
        %parallel_loop3A_699 = arith.constant 9 : i32
        %parallel_loop3A_700 = vector.broadcast %parallel_loop3A_699 : i32 to vector<16xi32>
        %parallel_loop3A_701 = vector.shape_cast %parallel_loop3A_700 : vector<16xi32> to vector<16x1xi32>
        %parallel_loop3A_702 = vector.shape_cast %parallel_loop3A_701 : vector<16x1xi32> to vector<16xi32>
        %parallel_loop3A_703 = tpu.dynamic_gather %parallel_loop3A_547[%parallel_loop3A_702] in [0] : vector<16xf32>, vector<16xi32> -> vector<16xf32>
        %parallel_loop3A_704 = arith.index_cast %parallel_loop3A_698 : i32 to index
        %parallel_loop3A_705 = arith.constant 16 : index
        %parallel_loop3A_706 = tpu.vector_load %arg18[%parallel_loop3A_704, %parallel_loop3A_705] {strides = array<i32>} : memref<40x128xf32, #tpu.memory_space<vmem>>, vector<16xf32>,
        %parallel_loop3A_707 = arith.mulf %parallel_loop3A_706, %parallel_loop3A_703 : vector<16xf32>
        %parallel_loop3A_708 = arith.index_cast %parallel_loop3A_698 : i32 to index
        %parallel_loop3A_709 = arith.constant 16 : index
        %parallel_loop3A_710 = tpu.vector_load %arg20[%parallel_loop3A_708, %parallel_loop3A_709] {strides = array<i32>} : memref<40x144xf32, #tpu.memory_space<vmem>>, vector<16xf32>,
        tpu.vector_store %arg20[%parallel_loop3A_708, %parallel_loop3A_709], %parallel_loop3A_707 {strides = array<i32>} : memref<40x144xf32, #tpu.memory_space<vmem>>, vector<16xf32>,
        %parallel_loop3A_711 = arith.constant 2 : i32
        %parallel_loop3A_712 = arith.muli %parallel_loop3A_711, %parallel_loop3A_532 : i32
        %parallel_loop3A_713 = arith.constant 1 : i32
        %parallel_loop3A_714 = arith.addi %parallel_loop3A_712, %parallel_loop3A_713 : i32
        %parallel_loop3A_715 = arith.constant 10 : i32
        %parallel_loop3A_716 = vector.broadcast %parallel_loop3A_715 : i32 to vector<16xi32>
        %parallel_loop3A_717 = vector.shape_cast %parallel_loop3A_716 : vector<16xi32> to vector<16x1xi32>
        %parallel_loop3A_718 = vector.shape_cast %parallel_loop3A_717 : vector<16x1xi32> to vector<16xi32>
        %parallel_loop3A_719 = tpu.dynamic_gather %parallel_loop3A_547[%parallel_loop3A_718] in [0] : vector<16xf32>, vector<16xi32> -> vector<16xf32>
        %parallel_loop3A_720 = arith.index_cast %parallel_loop3A_714 : i32 to index
        %parallel_loop3A_721 = arith.constant 32 : index
        %parallel_loop3A_722 = tpu.vector_load %arg18[%parallel_loop3A_720, %parallel_loop3A_721] {strides = array<i32>} : memref<40x128xf32, #tpu.memory_space<vmem>>, vector<16xf32>,
        %parallel_loop3A_723 = arith.mulf %parallel_loop3A_722, %parallel_loop3A_719 : vector<16xf32>
        %parallel_loop3A_724 = arith.index_cast %parallel_loop3A_714 : i32 to index
        %parallel_loop3A_725 = arith.constant 32 : index
        %parallel_loop3A_726 = tpu.vector_load %arg20[%parallel_loop3A_724, %parallel_loop3A_725] {strides = array<i32>} : memref<40x144xf32, #tpu.memory_space<vmem>>, vector<16xf32>,
        tpu.vector_store %arg20[%parallel_loop3A_724, %parallel_loop3A_725], %parallel_loop3A_723 {strides = array<i32>} : memref<40x144xf32, #tpu.memory_space<vmem>>, vector<16xf32>,
        %parallel_loop3A_727 = arith.constant 2 : i32
        %parallel_loop3A_728 = arith.muli %parallel_loop3A_727, %parallel_loop3A_532 : i32
        %parallel_loop3A_729 = arith.constant 1 : i32
        %parallel_loop3A_730 = arith.addi %parallel_loop3A_728, %parallel_loop3A_729 : i32
        %parallel_loop3A_731 = arith.constant 11 : i32
        %parallel_loop3A_732 = vector.broadcast %parallel_loop3A_731 : i32 to vector<16xi32>
        %parallel_loop3A_733 = vector.shape_cast %parallel_loop3A_732 : vector<16xi32> to vector<16x1xi32>
        %parallel_loop3A_734 = vector.shape_cast %parallel_loop3A_733 : vector<16x1xi32> to vector<16xi32>
        %parallel_loop3A_735 = tpu.dynamic_gather %parallel_loop3A_547[%parallel_loop3A_734] in [0] : vector<16xf32>, vector<16xi32> -> vector<16xf32>
        %parallel_loop3A_736 = arith.index_cast %parallel_loop3A_730 : i32 to index
        %parallel_loop3A_737 = arith.constant 48 : index
        %parallel_loop3A_738 = tpu.vector_load %arg18[%parallel_loop3A_736, %parallel_loop3A_737] {strides = array<i32>} : memref<40x128xf32, #tpu.memory_space<vmem>>, vector<16xf32>,
        %parallel_loop3A_739 = arith.mulf %parallel_loop3A_738, %parallel_loop3A_735 : vector<16xf32>
        %parallel_loop3A_740 = arith.index_cast %parallel_loop3A_730 : i32 to index
        %parallel_loop3A_741 = arith.constant 48 : index
        %parallel_loop3A_742 = tpu.vector_load %arg20[%parallel_loop3A_740, %parallel_loop3A_741] {strides = array<i32>} : memref<40x144xf32, #tpu.memory_space<vmem>>, vector<16xf32>,
        tpu.vector_store %arg20[%parallel_loop3A_740, %parallel_loop3A_741], %parallel_loop3A_739 {strides = array<i32>} : memref<40x144xf32, #tpu.memory_space<vmem>>, vector<16xf32>,
        %parallel_loop3A_743 = arith.constant 2 : i32
        %parallel_loop3A_744 = arith.muli %parallel_loop3A_743, %parallel_loop3A_532 : i32
        %parallel_loop3A_745 = arith.constant 1 : i32
        %parallel_loop3A_746 = arith.addi %parallel_loop3A_744, %parallel_loop3A_745 : i32
        %parallel_loop3A_747 = arith.constant 12 : i32
        %parallel_loop3A_748 = vector.broadcast %parallel_loop3A_747 : i32 to vector<16xi32>
        %parallel_loop3A_749 = vector.shape_cast %parallel_loop3A_748 : vector<16xi32> to vector<16x1xi32>
        %parallel_loop3A_750 = vector.shape_cast %parallel_loop3A_749 : vector<16x1xi32> to vector<16xi32>
        %parallel_loop3A_751 = tpu.dynamic_gather %parallel_loop3A_547[%parallel_loop3A_750] in [0] : vector<16xf32>, vector<16xi32> -> vector<16xf32>
        %parallel_loop3A_752 = arith.index_cast %parallel_loop3A_746 : i32 to index
        %parallel_loop3A_753 = arith.constant 64 : index
        %parallel_loop3A_754 = tpu.vector_load %arg18[%parallel_loop3A_752, %parallel_loop3A_753] {strides = array<i32>} : memref<40x128xf32, #tpu.memory_space<vmem>>, vector<16xf32>,
        %parallel_loop3A_755 = arith.mulf %parallel_loop3A_754, %parallel_loop3A_751 : vector<16xf32>
        %parallel_loop3A_756 = arith.index_cast %parallel_loop3A_746 : i32 to index
        %parallel_loop3A_757 = arith.constant 64 : index
        %parallel_loop3A_758 = tpu.vector_load %arg20[%parallel_loop3A_756, %parallel_loop3A_757] {strides = array<i32>} : memref<40x144xf32, #tpu.memory_space<vmem>>, vector<16xf32>,
        tpu.vector_store %arg20[%parallel_loop3A_756, %parallel_loop3A_757], %parallel_loop3A_755 {strides = array<i32>} : memref<40x144xf32, #tpu.memory_space<vmem>>, vector<16xf32>,
        %parallel_loop3A_759 = arith.constant 2 : i32
        %parallel_loop3A_760 = arith.muli %parallel_loop3A_759, %parallel_loop3A_532 : i32
        %parallel_loop3A_761 = arith.constant 1 : i32
        %parallel_loop3A_762 = arith.addi %parallel_loop3A_760, %parallel_loop3A_761 : i32
        %parallel_loop3A_763 = arith.constant 13 : i32
        %parallel_loop3A_764 = vector.broadcast %parallel_loop3A_763 : i32 to vector<16xi32>
        %parallel_loop3A_765 = vector.shape_cast %parallel_loop3A_764 : vector<16xi32> to vector<16x1xi32>
        %parallel_loop3A_766 = vector.shape_cast %parallel_loop3A_765 : vector<16x1xi32> to vector<16xi32>
        %parallel_loop3A_767 = tpu.dynamic_gather %parallel_loop3A_547[%parallel_loop3A_766] in [0] : vector<16xf32>, vector<16xi32> -> vector<16xf32>
        %parallel_loop3A_768 = arith.index_cast %parallel_loop3A_762 : i32 to index
        %parallel_loop3A_769 = arith.constant 80 : index
        %parallel_loop3A_770 = tpu.vector_load %arg18[%parallel_loop3A_768, %parallel_loop3A_769] {strides = array<i32>} : memref<40x128xf32, #tpu.memory_space<vmem>>, vector<16xf32>,
        %parallel_loop3A_771 = arith.mulf %parallel_loop3A_770, %parallel_loop3A_767 : vector<16xf32>
        %parallel_loop3A_772 = arith.index_cast %parallel_loop3A_762 : i32 to index
        %parallel_loop3A_773 = arith.constant 80 : index
        %parallel_loop3A_774 = tpu.vector_load %arg20[%parallel_loop3A_772, %parallel_loop3A_773] {strides = array<i32>} : memref<40x144xf32, #tpu.memory_space<vmem>>, vector<16xf32>,
        tpu.vector_store %arg20[%parallel_loop3A_772, %parallel_loop3A_773], %parallel_loop3A_771 {strides = array<i32>} : memref<40x144xf32, #tpu.memory_space<vmem>>, vector<16xf32>,
        %parallel_loop3A_775 = arith.constant 2 : i32
        %parallel_loop3A_776 = arith.muli %parallel_loop3A_775, %parallel_loop3A_532 : i32
        %parallel_loop3A_777 = arith.constant 1 : i32
        %parallel_loop3A_778 = arith.addi %parallel_loop3A_776, %parallel_loop3A_777 : i32
        %parallel_loop3A_779 = arith.constant 14 : i32
        %parallel_loop3A_780 = vector.broadcast %parallel_loop3A_779 : i32 to vector<16xi32>
        %parallel_loop3A_781 = vector.shape_cast %parallel_loop3A_780 : vector<16xi32> to vector<16x1xi32>
        %parallel_loop3A_782 = vector.shape_cast %parallel_loop3A_781 : vector<16x1xi32> to vector<16xi32>
        %parallel_loop3A_783 = tpu.dynamic_gather %parallel_loop3A_547[%parallel_loop3A_782] in [0] : vector<16xf32>, vector<16xi32> -> vector<16xf32>
        %parallel_loop3A_784 = arith.index_cast %parallel_loop3A_778 : i32 to index
        %parallel_loop3A_785 = arith.constant 96 : index
        %parallel_loop3A_786 = tpu.vector_load %arg18[%parallel_loop3A_784, %parallel_loop3A_785] {strides = array<i32>} : memref<40x128xf32, #tpu.memory_space<vmem>>, vector<16xf32>,
        %parallel_loop3A_787 = arith.mulf %parallel_loop3A_786, %parallel_loop3A_783 : vector<16xf32>
        %parallel_loop3A_788 = arith.index_cast %parallel_loop3A_778 : i32 to index
        %parallel_loop3A_789 = arith.constant 96 : index
        %parallel_loop3A_790 = tpu.vector_load %arg20[%parallel_loop3A_788, %parallel_loop3A_789] {strides = array<i32>} : memref<40x144xf32, #tpu.memory_space<vmem>>, vector<16xf32>,
        tpu.vector_store %arg20[%parallel_loop3A_788, %parallel_loop3A_789], %parallel_loop3A_787 {strides = array<i32>} : memref<40x144xf32, #tpu.memory_space<vmem>>, vector<16xf32>,
        %parallel_loop3A_791 = arith.constant 2 : i32
        %parallel_loop3A_792 = arith.muli %parallel_loop3A_791, %parallel_loop3A_532 : i32
        %parallel_loop3A_793 = arith.constant 1 : i32
        %parallel_loop3A_794 = arith.addi %parallel_loop3A_792, %parallel_loop3A_793 : i32
        %parallel_loop3A_795 = arith.constant 15 : i32
        %parallel_loop3A_796 = vector.broadcast %parallel_loop3A_795 : i32 to vector<16xi32>
        %parallel_loop3A_797 = vector.shape_cast %parallel_loop3A_796 : vector<16xi32> to vector<16x1xi32>
        %parallel_loop3A_798 = vector.shape_cast %parallel_loop3A_797 : vector<16x1xi32> to vector<16xi32>
        %parallel_loop3A_799 = tpu.dynamic_gather %parallel_loop3A_547[%parallel_loop3A_798] in [0] : vector<16xf32>, vector<16xi32> -> vector<16xf32>
        %parallel_loop3A_800 = arith.index_cast %parallel_loop3A_794 : i32 to index
        %parallel_loop3A_801 = arith.constant 112 : index
        %parallel_loop3A_802 = tpu.vector_load %arg18[%parallel_loop3A_800, %parallel_loop3A_801] {strides = array<i32>} : memref<40x128xf32, #tpu.memory_space<vmem>>, vector<16xf32>,
        %parallel_loop3A_803 = arith.mulf %parallel_loop3A_802, %parallel_loop3A_799 : vector<16xf32>
        %parallel_loop3A_804 = arith.index_cast %parallel_loop3A_794 : i32 to index
        %parallel_loop3A_805 = arith.constant 112 : index
        %parallel_loop3A_806 = tpu.vector_load %arg20[%parallel_loop3A_804, %parallel_loop3A_805] {strides = array<i32>} : memref<40x144xf32, #tpu.memory_space<vmem>>, vector<16xf32>,
        tpu.vector_store %arg20[%parallel_loop3A_804, %parallel_loop3A_805], %parallel_loop3A_803 {strides = array<i32>} : memref<40x144xf32, #tpu.memory_space<vmem>>, vector<16xf32>,
      } {sc.loop_unroll_factor = 2 : i64, sc.parallel_access}
      %dma_wait3A_469 = arith.constant 0 : i32
      %dma_wait3A_470 = tpu.memref_slice %arg3[%dma_wait3A_469] : memref<320000xi32, #tpu.memory_space<hbm>> -> memref<40xi32, #tpu.memory_space<hbm>>
      %dma_wait3A_471 = arith.constant 0 : i32
      %dma_wait3A_472 = tpu.memref_slice %arg3[%dma_wait3A_471] : memref<320000xi32, #tpu.memory_space<hbm>> -> memref<40xi32, #tpu.memory_space<hbm>>
      tpu.wait_dma2 semaphore(%arg25 : memref<!tpu.dma_semaphore, #tpu.memory_space<semaphore_mem>>) src(%dma_wait3A_472 : memref<40xi32, #tpu.memory_space<hbm>>) dst(%arg12 : memref<40xi32, #tpu.memory_space<vmem>>)
      %dma_start3A_473 = arith.constant 0 : i32
      %dma_start3A_474 = arith.constant 0 : i32
      %dma_start3A_475 = tpu.memref_slice %arg22[%dma_start3A_473, %dma_start3A_474] : memref<10240x144xf32, #tpu.memory_space<vmem_shared>> -> memref<10240x144xf32, #tpu.memory_space<vmem_shared>>
      tpu.enqueue_indirect_dma source(%arg20 : memref<40x144xf32, #tpu.memory_space<vmem>>) target(%dma_start3A_475 : memref<10240x144xf32, #tpu.memory_space<vmem_shared>>) offsets(%arg12 : memref<40xi32, #tpu.memory_space<vmem>>) semaphore(%arg29 : memref<!tpu.dma_semaphore, #tpu.memory_space<semaphore_mem>>) {add = true}
      %mul3A_476 = arith.constant 2 : i32
      %mul3A_477 = arith.muli %mul3A_476, %scan3A_423 : i32
      %add3A_478 = arith.constant 1 : i32
      %add3A_479 = arith.addi %mul3A_477, %add3A_478 : i32
      %add3A_480 = arith.constant 1 : i32
      %add3A_481 = arith.addi %add3A_479, %add3A_480 : i32
      %lt3A_482 = arith.constant 250 : i32
      %lt3A_483 = arith.cmpi slt, %add3A_481, %lt3A_482 : i32
      %convert_element_type3A_484 = arith.extui %lt3A_483 : i1 to i32
      %cond3A_485 = arith.constant 0 : i32
      %cond3A_486 = arith.cmpi ne, %convert_element_type3A_484, %cond3A_485 : i32
      scf.if %cond3A_486 {
        %dma_wait3A_532 = arith.constant 0 : i32
        %dma_wait3A_533 = tpu.memref_slice %arg2[%dma_wait3A_532] : memref<320000xi32, #tpu.memory_space<hbm>> -> memref<40xi32, #tpu.memory_space<hbm>>
        %dma_wait3A_534 = arith.constant 0 : i32
        %dma_wait3A_535 = tpu.memref_slice %arg2[%dma_wait3A_534] : memref<320000xi32, #tpu.memory_space<hbm>> -> memref<40xi32, #tpu.memory_space<hbm>>
        tpu.wait_dma2 semaphore(%arg23 : memref<!tpu.dma_semaphore, #tpu.memory_space<semaphore_mem>>) src(%dma_wait3A_535 : memref<40xi32, #tpu.memory_space<hbm>>) dst(%arg8 : memref<40xi32, #tpu.memory_space<vmem>>)
        %dma_wait3A_536 = arith.constant 0 : i32
        %dma_wait3A_537 = tpu.memref_slice %arg3[%dma_wait3A_536] : memref<320000xi32, #tpu.memory_space<hbm>> -> memref<40xi32, #tpu.memory_space<hbm>>
        %dma_wait3A_538 = arith.constant 0 : i32
        %dma_wait3A_539 = tpu.memref_slice %arg3[%dma_wait3A_538] : memref<320000xi32, #tpu.memory_space<hbm>> -> memref<40xi32, #tpu.memory_space<hbm>>
        tpu.wait_dma2 semaphore(%arg23 : memref<!tpu.dma_semaphore, #tpu.memory_space<semaphore_mem>>) src(%dma_wait3A_539 : memref<40xi32, #tpu.memory_space<hbm>>) dst(%arg10 : memref<40xi32, #tpu.memory_space<vmem>>)
        %dma_start3A_540 = arith.constant 0 : i32
        %dma_start3A_541 = arith.constant 0 : i32
        %dma_start3A_542 = tpu.memref_slice %arg5[%dma_start3A_540, %dma_start3A_541] : memref<10000x16xf32, #tpu.memory_space<hbm>> -> memref<10000x16xf32, #tpu.memory_space<hbm>>
        tpu.enqueue_indirect_dma source(%dma_start3A_542 : memref<10000x16xf32, #tpu.memory_space<hbm>>) target(%arg14 : memref<40x16xf32, #tpu.memory_space<vmem>>) offsets(%arg8 : memref<40xi32, #tpu.memory_space<vmem>>) semaphore(%arg27 : memref<!tpu.dma_semaphore, #tpu.memory_space<semaphore_mem>>)
        %dma_start3A_543 = arith.constant 0 : i32
        %dma_start3A_544 = arith.constant 0 : i32
        %dma_start3A_545 = tpu.memref_slice %arg5[%dma_start3A_543, %dma_start3A_544] : memref<10000x16xf32, #tpu.memory_space<hbm>> -> memref<10000x16xf32, #tpu.memory_space<hbm>>
        tpu.enqueue_indirect_dma source(%dma_start3A_545 : memref<10000x16xf32, #tpu.memory_space<hbm>>) target(%arg16 : memref<40x16xf32, #tpu.memory_space<vmem>>) offsets(%arg10 : memref<40xi32, #tpu.memory_space<vmem>>) semaphore(%arg27 : memref<!tpu.dma_semaphore, #tpu.memory_space<semaphore_mem>>)
        %dma_start3A_546 = arith.constant 0 : i32
        %dma_start3A_547 = arith.constant 0 : i32
        %dma_start3A_548 = tpu.memref_slice %arg4[%dma_start3A_546, %dma_start3A_547] : memref<10000x128xf32, #tpu.memory_space<hbm>> -> memref<10000x128xf32, #tpu.memory_space<hbm>>
        tpu.enqueue_indirect_dma source(%dma_start3A_548 : memref<10000x128xf32, #tpu.memory_space<hbm>>) target(%arg18 : memref<40x128xf32, #tpu.memory_space<vmem>>) offsets(%arg8 : memref<40xi32, #tpu.memory_space<vmem>>) semaphore(%arg27 : memref<!tpu.dma_semaphore, #tpu.memory_space<semaphore_mem>>)
      } else {
      }
      %dma_wait3A_487 = arith.constant 0 : i32
      %dma_wait3A_488 = arith.constant 0 : i32
      %dma_wait3A_489 = tpu.memref_slice %arg5[%dma_wait3A_487, %dma_wait3A_488] : memref<10000x16xf32, #tpu.memory_space<hbm>> -> memref<40x16xf32, #tpu.memory_space<hbm>>
      %dma_wait3A_490 = arith.constant 0 : i32
      %dma_wait3A_491 = arith.constant 0 : i32
      %dma_wait3A_492 = tpu.memref_slice %arg5[%dma_wait3A_490, %dma_wait3A_491] : memref<10000x16xf32, #tpu.memory_space<hbm>> -> memref<40x16xf32, #tpu.memory_space<hbm>>
      tpu.wait_dma2 semaphore(%arg28 : memref<!tpu.dma_semaphore, #tpu.memory_space<semaphore_mem>>) src(%dma_wait3A_492 : memref<40x16xf32, #tpu.memory_space<hbm>>) dst(%arg15 : memref<40x16xf32, #tpu.memory_space<vmem>>)
      %dma_wait3A_493 = arith.constant 0 : i32
      %dma_wait3A_494 = arith.constant 0 : i32
      %dma_wait3A_495 = tpu.memref_slice %arg5[%dma_wait3A_493, %dma_wait3A_494] : memref<10000x16xf32, #tpu.memory_space<hbm>> -> memref<40x16xf32, #tpu.memory_space<hbm>>
      %dma_wait3A_496 = arith.constant 0 : i32
      %dma_wait3A_497 = arith.constant 0 : i32
      %dma_wait3A_498 = tpu.memref_slice %arg5[%dma_wait3A_496, %dma_wait3A_497] : memref<10000x16xf32, #tpu.memory_space<hbm>> -> memref<40x16xf32, #tpu.memory_space<hbm>>
      tpu.wait_dma2 semaphore(%arg28 : memref<!tpu.dma_semaphore, #tpu.memory_space<semaphore_mem>>) src(%dma_wait3A_498 : memref<40x16xf32, #tpu.memory_space<hbm>>) dst(%arg17 : memref<40x16xf32, #tpu.memory_space<vmem>>)
      %dma_wait3A_499 = arith.constant 0 : i32
      %dma_wait3A_500 = arith.constant 0 : i32
      %dma_wait3A_501 = tpu.memref_slice %arg4[%dma_wait3A_499, %dma_wait3A_500] : memref<10000x128xf32, #tpu.memory_space<hbm>> -> memref<40x128xf32, #tpu.memory_space<hbm>>
      %dma_wait3A_502 = arith.constant 0 : i32
      %dma_wait3A_503 = arith.constant 0 : i32
      %dma_wait3A_504 = tpu.memref_slice %arg4[%dma_wait3A_502, %dma_wait3A_503] : memref<10000x128xf32, #tpu.memory_space<hbm>> -> memref<40x128xf32, #tpu.memory_space<hbm>>
      tpu.wait_dma2 semaphore(%arg28 : memref<!tpu.dma_semaphore, #tpu.memory_space<semaphore_mem>>) src(%dma_wait3A_504 : memref<40x128xf32, #tpu.memory_space<hbm>>) dst(%arg19 : memref<40x128xf32, #tpu.memory_space<vmem>>)
      %add3A_505 = arith.constant 2 : i32
      %add3A_506 = arith.addi %add3A_479, %add3A_505 : i32
      %lt3A_507 = arith.constant 250 : i32
      %lt3A_508 = arith.cmpi slt, %add3A_506, %lt3A_507 : i32
      %convert_element_type3A_509 = arith.extui %lt3A_508 : i1 to i32
      %cond3A_510 = arith.constant 0 : i32
      %cond3A_511 = arith.cmpi ne, %convert_element_type3A_509, %cond3A_510 : i32
      scf.if %cond3A_511 {
        %add3A_532 = arith.constant 2 : i32
        %add3A_533 = arith.addi %add3A_479, %add3A_532 : i32
        %mul3A_534 = arith.constant 40 : i32
        %mul3A_535 = arith.muli %add3A_533, %mul3A_534 : i32
        %add3A_536 = arith.addi %mul3A_326, %mul3A_535 : i32
        %dma_start3A_537 = tpu.memref_slice %arg2[%add3A_536] : memref<320000xi32, #tpu.memory_space<hbm>> -> memref<40xi32, #tpu.memory_space<hbm>>
        %dma_start3A_538 = tpu.memref_slice %arg2[%add3A_536] : memref<320000xi32, #tpu.memory_space<hbm>> -> memref<40xi32, #tpu.memory_space<hbm>>
        tpu.enqueue_dma source(%dma_start3A_538 : memref<40xi32, #tpu.memory_space<hbm>>) target(%arg9 : memref<40xi32, #tpu.memory_space<vmem>>) target_semaphore(%arg24 : memref<!tpu.dma_semaphore, #tpu.memory_space<semaphore_mem>>)
        %mul3A_539 = arith.constant 40 : i32
        %mul3A_540 = arith.muli %add3A_533, %mul3A_539 : i32
        %add3A_541 = arith.addi %mul3A_326, %mul3A_540 : i32
        %dma_start3A_542 = tpu.memref_slice %arg3[%add3A_541] : memref<320000xi32, #tpu.memory_space<hbm>> -> memref<40xi32, #tpu.memory_space<hbm>>
        %dma_start3A_543 = tpu.memref_slice %arg3[%add3A_541] : memref<320000xi32, #tpu.memory_space<hbm>> -> memref<40xi32, #tpu.memory_space<hbm>>
        tpu.enqueue_dma source(%dma_start3A_543 : memref<40xi32, #tpu.memory_space<hbm>>) target(%arg11 : memref<40xi32, #tpu.memory_space<vmem>>) target_semaphore(%arg24 : memref<!tpu.dma_semaphore, #tpu.memory_space<semaphore_mem>>)
      } else {
      }
      %ge3A_512 = arith.constant 2 : i32
      %ge3A_513 = arith.cmpi sge, %add3A_479, %ge3A_512 : i32
      %convert_element_type3A_514 = arith.extui %ge3A_513 : i1 to i32
      %cond3A_515 = arith.constant 0 : i32
      %cond3A_516 = arith.cmpi ne, %convert_element_type3A_514, %cond3A_515 : i32
      scf.if %cond3A_516 {
        %dma_wait3A_532 = arith.constant 0 : i32
        %dma_wait3A_533 = arith.constant 0 : i32
        %dma_wait3A_534 = tpu.memref_slice %arg6[%dma_wait3A_532, %dma_wait3A_533] : memref<10240x144xf32, #tpu.memory_space<hbm>> -> memref<40x144xf32, #tpu.memory_space<hbm>>
        %dma_wait3A_535 = arith.constant 0 : i32
        %dma_wait3A_536 = arith.constant 0 : i32
        %dma_wait3A_537 = tpu.memref_slice %arg6[%dma_wait3A_535, %dma_wait3A_536] : memref<10240x144xf32, #tpu.memory_space<hbm>> -> memref<40x144xf32, #tpu.memory_space<hbm>>
        tpu.wait_dma2 semaphore(%arg30 : memref<!tpu.dma_semaphore, #tpu.memory_space<semaphore_mem>>) src(%dma_wait3A_537 : memref<40x144xf32, #tpu.memory_space<hbm>>) dst(%arg21 : memref<40x144xf32, #tpu.memory_space<vmem>>)
      } else {
      }
      %mul3A_517 = arith.constant 40 : i32
      %mul3A_518 = arith.muli %add3A_479, %mul3A_517 : i32
      %add3A_519 = arith.addi %mul3A_326, %mul3A_518 : i32
      %dma_start3A_520 = tpu.memref_slice %arg3[%add3A_519] : memref<320000xi32, #tpu.memory_space<hbm>> -> memref<40xi32, #tpu.memory_space<hbm>>
      %dma_start3A_521 = tpu.memref_slice %arg3[%add3A_519] : memref<320000xi32, #tpu.memory_space<hbm>> -> memref<40xi32, #tpu.memory_space<hbm>>
      tpu.enqueue_dma source(%dma_start3A_521 : memref<40xi32, #tpu.memory_space<hbm>>) target(%arg13 : memref<40xi32, #tpu.memory_space<vmem>>) target_semaphore(%arg26 : memref<!tpu.dma_semaphore, #tpu.memory_space<semaphore_mem>>)
      %parallel_loop3A_522 = arith.constant 0 : i32
      %parallel_loop3A_523 = arith.constant 20 : i32
      %parallel_loop3A_524 = arith.constant 1 : i32
      scf.for %parallel_loop3A_532 = %parallel_loop3A_522 to %parallel_loop3A_523 step %parallel_loop3A_524  : i32 {
        %parallel_loop3A_533 = arith.constant 2 : i32
        %parallel_loop3A_534 = arith.muli %parallel_loop3A_533, %parallel_loop3A_532 : i32
        %parallel_loop3A_535 = vector.broadcast %parallel_loop3A_534 : i32 to vector<16xi32>
        %parallel_loop3A_536 = arith.addi %select_n3A, %parallel_loop3A_535 : vector<16xi32>
        %parallel_loop3A_537 = tpu.vector_load_idx %arg15[%parallel_loop3A_536, %select_n3A_369] : memref<40x16xf32, #tpu.memory_space<vmem>>[vector<16xi32>, vector<16xi32>], vector<16xf32>,
        %parallel_loop3A_538 = arith.constant 8 : i32
        %parallel_loop3A_539 = vector.broadcast %parallel_loop3A_538 : i32 to vector<16xi32>
        %parallel_loop3A_540 = arith.addi %select_n3A_369, %parallel_loop3A_539 : vector<16xi32>
        %parallel_loop3A_541 = tpu.vector_load_idx %arg17[%parallel_loop3A_536, %parallel_loop3A_540] : memref<40x16xf32, #tpu.memory_space<vmem>>[vector<16xi32>, vector<16xi32>], vector<16xf32>,
        %parallel_loop3A_542 = arith.addf %parallel_loop3A_537, %parallel_loop3A_541 : vector<16xf32>
        %parallel_loop3A_543 = arith.constant 2.000000e-01 : f32
        %parallel_loop3A_544 = vector.broadcast %parallel_loop3A_543 : f32 to vector<16xf32>
        %parallel_loop3A_545 = arith.mulf %parallel_loop3A_544, %parallel_loop3A_542 : vector<16xf32>
        %parallel_loop3A_546 = arith.maximumf %parallel_loop3A_542, %parallel_loop3A_545 : vector<16xf32>
        %parallel_loop3A_547 = math.exp %parallel_loop3A_546 : vector<16xf32>
        %parallel_loop3A_548 = arith.constant 128 : i32
        %parallel_loop3A_549 = vector.broadcast %parallel_loop3A_548 : i32 to vector<16xi32>
        %parallel_loop3A_550 = arith.addi %select_n3A_369, %parallel_loop3A_549 : vector<16xi32>
        tpu.vector_store_idx %arg21[%parallel_loop3A_536, %parallel_loop3A_550], %parallel_loop3A_547 : memref<40x144xf32, #tpu.memory_space<vmem>>[vector<16xi32>, vector<16xi32>], vector<16xf32>,
        %parallel_loop3A_551 = arith.constant 2 : i32
        %parallel_loop3A_552 = arith.muli %parallel_loop3A_551, %parallel_loop3A_532 : i32
        %parallel_loop3A_553 = arith.constant 0 : i32
        %parallel_loop3A_554 = arith.addi %parallel_loop3A_552, %parallel_loop3A_553 : i32
        %parallel_loop3A_555 = arith.constant 0 : i32
        %parallel_loop3A_556 = vector.broadcast %parallel_loop3A_555 : i32 to vector<16xi32>
        %parallel_loop3A_557 = vector.shape_cast %parallel_loop3A_556 : vector<16xi32> to vector<16x1xi32>
        %parallel_loop3A_558 = vector.shape_cast %parallel_loop3A_557 : vector<16x1xi32> to vector<16xi32>
        %parallel_loop3A_559 = tpu.dynamic_gather %parallel_loop3A_547[%parallel_loop3A_558] in [0] : vector<16xf32>, vector<16xi32> -> vector<16xf32>
        %parallel_loop3A_560 = arith.index_cast %parallel_loop3A_554 : i32 to index
        %parallel_loop3A_561 = arith.constant 0 : index
        %parallel_loop3A_562 = tpu.vector_load %arg19[%parallel_loop3A_560, %parallel_loop3A_561] {strides = array<i32>} : memref<40x128xf32, #tpu.memory_space<vmem>>, vector<16xf32>,
        %parallel_loop3A_563 = arith.mulf %parallel_loop3A_562, %parallel_loop3A_559 : vector<16xf32>
        %parallel_loop3A_564 = arith.index_cast %parallel_loop3A_554 : i32 to index
        %parallel_loop3A_565 = arith.constant 0 : index
        %parallel_loop3A_566 = tpu.vector_load %arg21[%parallel_loop3A_564, %parallel_loop3A_565] {strides = array<i32>} : memref<40x144xf32, #tpu.memory_space<vmem>>, vector<16xf32>,
        tpu.vector_store %arg21[%parallel_loop3A_564, %parallel_loop3A_565], %parallel_loop3A_563 {strides = array<i32>} : memref<40x144xf32, #tpu.memory_space<vmem>>, vector<16xf32>,
        %parallel_loop3A_567 = arith.constant 2 : i32
        %parallel_loop3A_568 = arith.muli %parallel_loop3A_567, %parallel_loop3A_532 : i32
        %parallel_loop3A_569 = arith.constant 0 : i32
        %parallel_loop3A_570 = arith.addi %parallel_loop3A_568, %parallel_loop3A_569 : i32
        %parallel_loop3A_571 = arith.constant 1 : i32
        %parallel_loop3A_572 = vector.broadcast %parallel_loop3A_571 : i32 to vector<16xi32>
        %parallel_loop3A_573 = vector.shape_cast %parallel_loop3A_572 : vector<16xi32> to vector<16x1xi32>
        %parallel_loop3A_574 = vector.shape_cast %parallel_loop3A_573 : vector<16x1xi32> to vector<16xi32>
        %parallel_loop3A_575 = tpu.dynamic_gather %parallel_loop3A_547[%parallel_loop3A_574] in [0] : vector<16xf32>, vector<16xi32> -> vector<16xf32>
        %parallel_loop3A_576 = arith.index_cast %parallel_loop3A_570 : i32 to index
        %parallel_loop3A_577 = arith.constant 16 : index
        %parallel_loop3A_578 = tpu.vector_load %arg19[%parallel_loop3A_576, %parallel_loop3A_577] {strides = array<i32>} : memref<40x128xf32, #tpu.memory_space<vmem>>, vector<16xf32>,
        %parallel_loop3A_579 = arith.mulf %parallel_loop3A_578, %parallel_loop3A_575 : vector<16xf32>
        %parallel_loop3A_580 = arith.index_cast %parallel_loop3A_570 : i32 to index
        %parallel_loop3A_581 = arith.constant 16 : index
        %parallel_loop3A_582 = tpu.vector_load %arg21[%parallel_loop3A_580, %parallel_loop3A_581] {strides = array<i32>} : memref<40x144xf32, #tpu.memory_space<vmem>>, vector<16xf32>,
        tpu.vector_store %arg21[%parallel_loop3A_580, %parallel_loop3A_581], %parallel_loop3A_579 {strides = array<i32>} : memref<40x144xf32, #tpu.memory_space<vmem>>, vector<16xf32>,
        %parallel_loop3A_583 = arith.constant 2 : i32
        %parallel_loop3A_584 = arith.muli %parallel_loop3A_583, %parallel_loop3A_532 : i32
        %parallel_loop3A_585 = arith.constant 0 : i32
        %parallel_loop3A_586 = arith.addi %parallel_loop3A_584, %parallel_loop3A_585 : i32
        %parallel_loop3A_587 = arith.constant 2 : i32
        %parallel_loop3A_588 = vector.broadcast %parallel_loop3A_587 : i32 to vector<16xi32>
        %parallel_loop3A_589 = vector.shape_cast %parallel_loop3A_588 : vector<16xi32> to vector<16x1xi32>
        %parallel_loop3A_590 = vector.shape_cast %parallel_loop3A_589 : vector<16x1xi32> to vector<16xi32>
        %parallel_loop3A_591 = tpu.dynamic_gather %parallel_loop3A_547[%parallel_loop3A_590] in [0] : vector<16xf32>, vector<16xi32> -> vector<16xf32>
        %parallel_loop3A_592 = arith.index_cast %parallel_loop3A_586 : i32 to index
        %parallel_loop3A_593 = arith.constant 32 : index
        %parallel_loop3A_594 = tpu.vector_load %arg19[%parallel_loop3A_592, %parallel_loop3A_593] {strides = array<i32>} : memref<40x128xf32, #tpu.memory_space<vmem>>, vector<16xf32>,
        %parallel_loop3A_595 = arith.mulf %parallel_loop3A_594, %parallel_loop3A_591 : vector<16xf32>
        %parallel_loop3A_596 = arith.index_cast %parallel_loop3A_586 : i32 to index
        %parallel_loop3A_597 = arith.constant 32 : index
        %parallel_loop3A_598 = tpu.vector_load %arg21[%parallel_loop3A_596, %parallel_loop3A_597] {strides = array<i32>} : memref<40x144xf32, #tpu.memory_space<vmem>>, vector<16xf32>,
        tpu.vector_store %arg21[%parallel_loop3A_596, %parallel_loop3A_597], %parallel_loop3A_595 {strides = array<i32>} : memref<40x144xf32, #tpu.memory_space<vmem>>, vector<16xf32>,
        %parallel_loop3A_599 = arith.constant 2 : i32
        %parallel_loop3A_600 = arith.muli %parallel_loop3A_599, %parallel_loop3A_532 : i32
        %parallel_loop3A_601 = arith.constant 0 : i32
        %parallel_loop3A_602 = arith.addi %parallel_loop3A_600, %parallel_loop3A_601 : i32
        %parallel_loop3A_603 = arith.constant 3 : i32
        %parallel_loop3A_604 = vector.broadcast %parallel_loop3A_603 : i32 to vector<16xi32>
        %parallel_loop3A_605 = vector.shape_cast %parallel_loop3A_604 : vector<16xi32> to vector<16x1xi32>
        %parallel_loop3A_606 = vector.shape_cast %parallel_loop3A_605 : vector<16x1xi32> to vector<16xi32>
        %parallel_loop3A_607 = tpu.dynamic_gather %parallel_loop3A_547[%parallel_loop3A_606] in [0] : vector<16xf32>, vector<16xi32> -> vector<16xf32>
        %parallel_loop3A_608 = arith.index_cast %parallel_loop3A_602 : i32 to index
        %parallel_loop3A_609 = arith.constant 48 : index
        %parallel_loop3A_610 = tpu.vector_load %arg19[%parallel_loop3A_608, %parallel_loop3A_609] {strides = array<i32>} : memref<40x128xf32, #tpu.memory_space<vmem>>, vector<16xf32>,
        %parallel_loop3A_611 = arith.mulf %parallel_loop3A_610, %parallel_loop3A_607 : vector<16xf32>
        %parallel_loop3A_612 = arith.index_cast %parallel_loop3A_602 : i32 to index
        %parallel_loop3A_613 = arith.constant 48 : index
        %parallel_loop3A_614 = tpu.vector_load %arg21[%parallel_loop3A_612, %parallel_loop3A_613] {strides = array<i32>} : memref<40x144xf32, #tpu.memory_space<vmem>>, vector<16xf32>,
        tpu.vector_store %arg21[%parallel_loop3A_612, %parallel_loop3A_613], %parallel_loop3A_611 {strides = array<i32>} : memref<40x144xf32, #tpu.memory_space<vmem>>, vector<16xf32>,
        %parallel_loop3A_615 = arith.constant 2 : i32
        %parallel_loop3A_616 = arith.muli %parallel_loop3A_615, %parallel_loop3A_532 : i32
        %parallel_loop3A_617 = arith.constant 0 : i32
        %parallel_loop3A_618 = arith.addi %parallel_loop3A_616, %parallel_loop3A_617 : i32
        %parallel_loop3A_619 = arith.constant 4 : i32
        %parallel_loop3A_620 = vector.broadcast %parallel_loop3A_619 : i32 to vector<16xi32>
        %parallel_loop3A_621 = vector.shape_cast %parallel_loop3A_620 : vector<16xi32> to vector<16x1xi32>
        %parallel_loop3A_622 = vector.shape_cast %parallel_loop3A_621 : vector<16x1xi32> to vector<16xi32>
        %parallel_loop3A_623 = tpu.dynamic_gather %parallel_loop3A_547[%parallel_loop3A_622] in [0] : vector<16xf32>, vector<16xi32> -> vector<16xf32>
        %parallel_loop3A_624 = arith.index_cast %parallel_loop3A_618 : i32 to index
        %parallel_loop3A_625 = arith.constant 64 : index
        %parallel_loop3A_626 = tpu.vector_load %arg19[%parallel_loop3A_624, %parallel_loop3A_625] {strides = array<i32>} : memref<40x128xf32, #tpu.memory_space<vmem>>, vector<16xf32>,
        %parallel_loop3A_627 = arith.mulf %parallel_loop3A_626, %parallel_loop3A_623 : vector<16xf32>
        %parallel_loop3A_628 = arith.index_cast %parallel_loop3A_618 : i32 to index
        %parallel_loop3A_629 = arith.constant 64 : index
        %parallel_loop3A_630 = tpu.vector_load %arg21[%parallel_loop3A_628, %parallel_loop3A_629] {strides = array<i32>} : memref<40x144xf32, #tpu.memory_space<vmem>>, vector<16xf32>,
        tpu.vector_store %arg21[%parallel_loop3A_628, %parallel_loop3A_629], %parallel_loop3A_627 {strides = array<i32>} : memref<40x144xf32, #tpu.memory_space<vmem>>, vector<16xf32>,
        %parallel_loop3A_631 = arith.constant 2 : i32
        %parallel_loop3A_632 = arith.muli %parallel_loop3A_631, %parallel_loop3A_532 : i32
        %parallel_loop3A_633 = arith.constant 0 : i32
        %parallel_loop3A_634 = arith.addi %parallel_loop3A_632, %parallel_loop3A_633 : i32
        %parallel_loop3A_635 = arith.constant 5 : i32
        %parallel_loop3A_636 = vector.broadcast %parallel_loop3A_635 : i32 to vector<16xi32>
        %parallel_loop3A_637 = vector.shape_cast %parallel_loop3A_636 : vector<16xi32> to vector<16x1xi32>
        %parallel_loop3A_638 = vector.shape_cast %parallel_loop3A_637 : vector<16x1xi32> to vector<16xi32>
        %parallel_loop3A_639 = tpu.dynamic_gather %parallel_loop3A_547[%parallel_loop3A_638] in [0] : vector<16xf32>, vector<16xi32> -> vector<16xf32>
        %parallel_loop3A_640 = arith.index_cast %parallel_loop3A_634 : i32 to index
        %parallel_loop3A_641 = arith.constant 80 : index
        %parallel_loop3A_642 = tpu.vector_load %arg19[%parallel_loop3A_640, %parallel_loop3A_641] {strides = array<i32>} : memref<40x128xf32, #tpu.memory_space<vmem>>, vector<16xf32>,
        %parallel_loop3A_643 = arith.mulf %parallel_loop3A_642, %parallel_loop3A_639 : vector<16xf32>
        %parallel_loop3A_644 = arith.index_cast %parallel_loop3A_634 : i32 to index
        %parallel_loop3A_645 = arith.constant 80 : index
        %parallel_loop3A_646 = tpu.vector_load %arg21[%parallel_loop3A_644, %parallel_loop3A_645] {strides = array<i32>} : memref<40x144xf32, #tpu.memory_space<vmem>>, vector<16xf32>,
        tpu.vector_store %arg21[%parallel_loop3A_644, %parallel_loop3A_645], %parallel_loop3A_643 {strides = array<i32>} : memref<40x144xf32, #tpu.memory_space<vmem>>, vector<16xf32>,
        %parallel_loop3A_647 = arith.constant 2 : i32
        %parallel_loop3A_648 = arith.muli %parallel_loop3A_647, %parallel_loop3A_532 : i32
        %parallel_loop3A_649 = arith.constant 0 : i32
        %parallel_loop3A_650 = arith.addi %parallel_loop3A_648, %parallel_loop3A_649 : i32
        %parallel_loop3A_651 = arith.constant 6 : i32
        %parallel_loop3A_652 = vector.broadcast %parallel_loop3A_651 : i32 to vector<16xi32>
        %parallel_loop3A_653 = vector.shape_cast %parallel_loop3A_652 : vector<16xi32> to vector<16x1xi32>
        %parallel_loop3A_654 = vector.shape_cast %parallel_loop3A_653 : vector<16x1xi32> to vector<16xi32>
        %parallel_loop3A_655 = tpu.dynamic_gather %parallel_loop3A_547[%parallel_loop3A_654] in [0] : vector<16xf32>, vector<16xi32> -> vector<16xf32>
        %parallel_loop3A_656 = arith.index_cast %parallel_loop3A_650 : i32 to index
        %parallel_loop3A_657 = arith.constant 96 : index
        %parallel_loop3A_658 = tpu.vector_load %arg19[%parallel_loop3A_656, %parallel_loop3A_657] {strides = array<i32>} : memref<40x128xf32, #tpu.memory_space<vmem>>, vector<16xf32>,
        %parallel_loop3A_659 = arith.mulf %parallel_loop3A_658, %parallel_loop3A_655 : vector<16xf32>
        %parallel_loop3A_660 = arith.index_cast %parallel_loop3A_650 : i32 to index
        %parallel_loop3A_661 = arith.constant 96 : index
        %parallel_loop3A_662 = tpu.vector_load %arg21[%parallel_loop3A_660, %parallel_loop3A_661] {strides = array<i32>} : memref<40x144xf32, #tpu.memory_space<vmem>>, vector<16xf32>,
        tpu.vector_store %arg21[%parallel_loop3A_660, %parallel_loop3A_661], %parallel_loop3A_659 {strides = array<i32>} : memref<40x144xf32, #tpu.memory_space<vmem>>, vector<16xf32>,
        %parallel_loop3A_663 = arith.constant 2 : i32
        %parallel_loop3A_664 = arith.muli %parallel_loop3A_663, %parallel_loop3A_532 : i32
        %parallel_loop3A_665 = arith.constant 0 : i32
        %parallel_loop3A_666 = arith.addi %parallel_loop3A_664, %parallel_loop3A_665 : i32
        %parallel_loop3A_667 = arith.constant 7 : i32
        %parallel_loop3A_668 = vector.broadcast %parallel_loop3A_667 : i32 to vector<16xi32>
        %parallel_loop3A_669 = vector.shape_cast %parallel_loop3A_668 : vector<16xi32> to vector<16x1xi32>
        %parallel_loop3A_670 = vector.shape_cast %parallel_loop3A_669 : vector<16x1xi32> to vector<16xi32>
        %parallel_loop3A_671 = tpu.dynamic_gather %parallel_loop3A_547[%parallel_loop3A_670] in [0] : vector<16xf32>, vector<16xi32> -> vector<16xf32>
        %parallel_loop3A_672 = arith.index_cast %parallel_loop3A_666 : i32 to index
        %parallel_loop3A_673 = arith.constant 112 : index
        %parallel_loop3A_674 = tpu.vector_load %arg19[%parallel_loop3A_672, %parallel_loop3A_673] {strides = array<i32>} : memref<40x128xf32, #tpu.memory_space<vmem>>, vector<16xf32>,
        %parallel_loop3A_675 = arith.mulf %parallel_loop3A_674, %parallel_loop3A_671 : vector<16xf32>
        %parallel_loop3A_676 = arith.index_cast %parallel_loop3A_666 : i32 to index
        %parallel_loop3A_677 = arith.constant 112 : index
        %parallel_loop3A_678 = tpu.vector_load %arg21[%parallel_loop3A_676, %parallel_loop3A_677] {strides = array<i32>} : memref<40x144xf32, #tpu.memory_space<vmem>>, vector<16xf32>,
        tpu.vector_store %arg21[%parallel_loop3A_676, %parallel_loop3A_677], %parallel_loop3A_675 {strides = array<i32>} : memref<40x144xf32, #tpu.memory_space<vmem>>, vector<16xf32>,
        %parallel_loop3A_679 = arith.constant 2 : i32
        %parallel_loop3A_680 = arith.muli %parallel_loop3A_679, %parallel_loop3A_532 : i32
        %parallel_loop3A_681 = arith.constant 1 : i32
        %parallel_loop3A_682 = arith.addi %parallel_loop3A_680, %parallel_loop3A_681 : i32
        %parallel_loop3A_683 = arith.constant 8 : i32
        %parallel_loop3A_684 = vector.broadcast %parallel_loop3A_683 : i32 to vector<16xi32>
        %parallel_loop3A_685 = vector.shape_cast %parallel_loop3A_684 : vector<16xi32> to vector<16x1xi32>
        %parallel_loop3A_686 = vector.shape_cast %parallel_loop3A_685 : vector<16x1xi32> to vector<16xi32>
        %parallel_loop3A_687 = tpu.dynamic_gather %parallel_loop3A_547[%parallel_loop3A_686] in [0] : vector<16xf32>, vector<16xi32> -> vector<16xf32>
        %parallel_loop3A_688 = arith.index_cast %parallel_loop3A_682 : i32 to index
        %parallel_loop3A_689 = arith.constant 0 : index
        %parallel_loop3A_690 = tpu.vector_load %arg19[%parallel_loop3A_688, %parallel_loop3A_689] {strides = array<i32>} : memref<40x128xf32, #tpu.memory_space<vmem>>, vector<16xf32>,
        %parallel_loop3A_691 = arith.mulf %parallel_loop3A_690, %parallel_loop3A_687 : vector<16xf32>
        %parallel_loop3A_692 = arith.index_cast %parallel_loop3A_682 : i32 to index
        %parallel_loop3A_693 = arith.constant 0 : index
        %parallel_loop3A_694 = tpu.vector_load %arg21[%parallel_loop3A_692, %parallel_loop3A_693] {strides = array<i32>} : memref<40x144xf32, #tpu.memory_space<vmem>>, vector<16xf32>,
        tpu.vector_store %arg21[%parallel_loop3A_692, %parallel_loop3A_693], %parallel_loop3A_691 {strides = array<i32>} : memref<40x144xf32, #tpu.memory_space<vmem>>, vector<16xf32>,
        %parallel_loop3A_695 = arith.constant 2 : i32
        %parallel_loop3A_696 = arith.muli %parallel_loop3A_695, %parallel_loop3A_532 : i32
        %parallel_loop3A_697 = arith.constant 1 : i32
        %parallel_loop3A_698 = arith.addi %parallel_loop3A_696, %parallel_loop3A_697 : i32
        %parallel_loop3A_699 = arith.constant 9 : i32
        %parallel_loop3A_700 = vector.broadcast %parallel_loop3A_699 : i32 to vector<16xi32>
        %parallel_loop3A_701 = vector.shape_cast %parallel_loop3A_700 : vector<16xi32> to vector<16x1xi32>
        %parallel_loop3A_702 = vector.shape_cast %parallel_loop3A_701 : vector<16x1xi32> to vector<16xi32>
        %parallel_loop3A_703 = tpu.dynamic_gather %parallel_loop3A_547[%parallel_loop3A_702] in [0] : vector<16xf32>, vector<16xi32> -> vector<16xf32>
        %parallel_loop3A_704 = arith.index_cast %parallel_loop3A_698 : i32 to index
        %parallel_loop3A_705 = arith.constant 16 : index
        %parallel_loop3A_706 = tpu.vector_load %arg19[%parallel_loop3A_704, %parallel_loop3A_705] {strides = array<i32>} : memref<40x128xf32, #tpu.memory_space<vmem>>, vector<16xf32>,
        %parallel_loop3A_707 = arith.mulf %parallel_loop3A_706, %parallel_loop3A_703 : vector<16xf32>
        %parallel_loop3A_708 = arith.index_cast %parallel_loop3A_698 : i32 to index
        %parallel_loop3A_709 = arith.constant 16 : index
        %parallel_loop3A_710 = tpu.vector_load %arg21[%parallel_loop3A_708, %parallel_loop3A_709] {strides = array<i32>} : memref<40x144xf32, #tpu.memory_space<vmem>>, vector<16xf32>,
        tpu.vector_store %arg21[%parallel_loop3A_708, %parallel_loop3A_709], %parallel_loop3A_707 {strides = array<i32>} : memref<40x144xf32, #tpu.memory_space<vmem>>, vector<16xf32>,
        %parallel_loop3A_711 = arith.constant 2 : i32
        %parallel_loop3A_712 = arith.muli %parallel_loop3A_711, %parallel_loop3A_532 : i32
        %parallel_loop3A_713 = arith.constant 1 : i32
        %parallel_loop3A_714 = arith.addi %parallel_loop3A_712, %parallel_loop3A_713 : i32
        %parallel_loop3A_715 = arith.constant 10 : i32
        %parallel_loop3A_716 = vector.broadcast %parallel_loop3A_715 : i32 to vector<16xi32>
        %parallel_loop3A_717 = vector.shape_cast %parallel_loop3A_716 : vector<16xi32> to vector<16x1xi32>
        %parallel_loop3A_718 = vector.shape_cast %parallel_loop3A_717 : vector<16x1xi32> to vector<16xi32>
        %parallel_loop3A_719 = tpu.dynamic_gather %parallel_loop3A_547[%parallel_loop3A_718] in [0] : vector<16xf32>, vector<16xi32> -> vector<16xf32>
        %parallel_loop3A_720 = arith.index_cast %parallel_loop3A_714 : i32 to index
        %parallel_loop3A_721 = arith.constant 32 : index
        %parallel_loop3A_722 = tpu.vector_load %arg19[%parallel_loop3A_720, %parallel_loop3A_721] {strides = array<i32>} : memref<40x128xf32, #tpu.memory_space<vmem>>, vector<16xf32>,
        %parallel_loop3A_723 = arith.mulf %parallel_loop3A_722, %parallel_loop3A_719 : vector<16xf32>
        %parallel_loop3A_724 = arith.index_cast %parallel_loop3A_714 : i32 to index
        %parallel_loop3A_725 = arith.constant 32 : index
        %parallel_loop3A_726 = tpu.vector_load %arg21[%parallel_loop3A_724, %parallel_loop3A_725] {strides = array<i32>} : memref<40x144xf32, #tpu.memory_space<vmem>>, vector<16xf32>,
        tpu.vector_store %arg21[%parallel_loop3A_724, %parallel_loop3A_725], %parallel_loop3A_723 {strides = array<i32>} : memref<40x144xf32, #tpu.memory_space<vmem>>, vector<16xf32>,
        %parallel_loop3A_727 = arith.constant 2 : i32
        %parallel_loop3A_728 = arith.muli %parallel_loop3A_727, %parallel_loop3A_532 : i32
        %parallel_loop3A_729 = arith.constant 1 : i32
        %parallel_loop3A_730 = arith.addi %parallel_loop3A_728, %parallel_loop3A_729 : i32
        %parallel_loop3A_731 = arith.constant 11 : i32
        %parallel_loop3A_732 = vector.broadcast %parallel_loop3A_731 : i32 to vector<16xi32>
        %parallel_loop3A_733 = vector.shape_cast %parallel_loop3A_732 : vector<16xi32> to vector<16x1xi32>
        %parallel_loop3A_734 = vector.shape_cast %parallel_loop3A_733 : vector<16x1xi32> to vector<16xi32>
        %parallel_loop3A_735 = tpu.dynamic_gather %parallel_loop3A_547[%parallel_loop3A_734] in [0] : vector<16xf32>, vector<16xi32> -> vector<16xf32>
        %parallel_loop3A_736 = arith.index_cast %parallel_loop3A_730 : i32 to index
        %parallel_loop3A_737 = arith.constant 48 : index
        %parallel_loop3A_738 = tpu.vector_load %arg19[%parallel_loop3A_736, %parallel_loop3A_737] {strides = array<i32>} : memref<40x128xf32, #tpu.memory_space<vmem>>, vector<16xf32>,
        %parallel_loop3A_739 = arith.mulf %parallel_loop3A_738, %parallel_loop3A_735 : vector<16xf32>
        %parallel_loop3A_740 = arith.index_cast %parallel_loop3A_730 : i32 to index
        %parallel_loop3A_741 = arith.constant 48 : index
        %parallel_loop3A_742 = tpu.vector_load %arg21[%parallel_loop3A_740, %parallel_loop3A_741] {strides = array<i32>} : memref<40x144xf32, #tpu.memory_space<vmem>>, vector<16xf32>,
        tpu.vector_store %arg21[%parallel_loop3A_740, %parallel_loop3A_741], %parallel_loop3A_739 {strides = array<i32>} : memref<40x144xf32, #tpu.memory_space<vmem>>, vector<16xf32>,
        %parallel_loop3A_743 = arith.constant 2 : i32
        %parallel_loop3A_744 = arith.muli %parallel_loop3A_743, %parallel_loop3A_532 : i32
        %parallel_loop3A_745 = arith.constant 1 : i32
        %parallel_loop3A_746 = arith.addi %parallel_loop3A_744, %parallel_loop3A_745 : i32
        %parallel_loop3A_747 = arith.constant 12 : i32
        %parallel_loop3A_748 = vector.broadcast %parallel_loop3A_747 : i32 to vector<16xi32>
        %parallel_loop3A_749 = vector.shape_cast %parallel_loop3A_748 : vector<16xi32> to vector<16x1xi32>
        %parallel_loop3A_750 = vector.shape_cast %parallel_loop3A_749 : vector<16x1xi32> to vector<16xi32>
        %parallel_loop3A_751 = tpu.dynamic_gather %parallel_loop3A_547[%parallel_loop3A_750] in [0] : vector<16xf32>, vector<16xi32> -> vector<16xf32>
        %parallel_loop3A_752 = arith.index_cast %parallel_loop3A_746 : i32 to index
        %parallel_loop3A_753 = arith.constant 64 : index
        %parallel_loop3A_754 = tpu.vector_load %arg19[%parallel_loop3A_752, %parallel_loop3A_753] {strides = array<i32>} : memref<40x128xf32, #tpu.memory_space<vmem>>, vector<16xf32>,
        %parallel_loop3A_755 = arith.mulf %parallel_loop3A_754, %parallel_loop3A_751 : vector<16xf32>
        %parallel_loop3A_756 = arith.index_cast %parallel_loop3A_746 : i32 to index
        %parallel_loop3A_757 = arith.constant 64 : index
        %parallel_loop3A_758 = tpu.vector_load %arg21[%parallel_loop3A_756, %parallel_loop3A_757] {strides = array<i32>} : memref<40x144xf32, #tpu.memory_space<vmem>>, vector<16xf32>,
        tpu.vector_store %arg21[%parallel_loop3A_756, %parallel_loop3A_757], %parallel_loop3A_755 {strides = array<i32>} : memref<40x144xf32, #tpu.memory_space<vmem>>, vector<16xf32>,
        %parallel_loop3A_759 = arith.constant 2 : i32
        %parallel_loop3A_760 = arith.muli %parallel_loop3A_759, %parallel_loop3A_532 : i32
        %parallel_loop3A_761 = arith.constant 1 : i32
        %parallel_loop3A_762 = arith.addi %parallel_loop3A_760, %parallel_loop3A_761 : i32
        %parallel_loop3A_763 = arith.constant 13 : i32
        %parallel_loop3A_764 = vector.broadcast %parallel_loop3A_763 : i32 to vector<16xi32>
        %parallel_loop3A_765 = vector.shape_cast %parallel_loop3A_764 : vector<16xi32> to vector<16x1xi32>
        %parallel_loop3A_766 = vector.shape_cast %parallel_loop3A_765 : vector<16x1xi32> to vector<16xi32>
        %parallel_loop3A_767 = tpu.dynamic_gather %parallel_loop3A_547[%parallel_loop3A_766] in [0] : vector<16xf32>, vector<16xi32> -> vector<16xf32>
        %parallel_loop3A_768 = arith.index_cast %parallel_loop3A_762 : i32 to index
        %parallel_loop3A_769 = arith.constant 80 : index
        %parallel_loop3A_770 = tpu.vector_load %arg19[%parallel_loop3A_768, %parallel_loop3A_769] {strides = array<i32>} : memref<40x128xf32, #tpu.memory_space<vmem>>, vector<16xf32>,
        %parallel_loop3A_771 = arith.mulf %parallel_loop3A_770, %parallel_loop3A_767 : vector<16xf32>
        %parallel_loop3A_772 = arith.index_cast %parallel_loop3A_762 : i32 to index
        %parallel_loop3A_773 = arith.constant 80 : index
        %parallel_loop3A_774 = tpu.vector_load %arg21[%parallel_loop3A_772, %parallel_loop3A_773] {strides = array<i32>} : memref<40x144xf32, #tpu.memory_space<vmem>>, vector<16xf32>,
        tpu.vector_store %arg21[%parallel_loop3A_772, %parallel_loop3A_773], %parallel_loop3A_771 {strides = array<i32>} : memref<40x144xf32, #tpu.memory_space<vmem>>, vector<16xf32>,
        %parallel_loop3A_775 = arith.constant 2 : i32
        %parallel_loop3A_776 = arith.muli %parallel_loop3A_775, %parallel_loop3A_532 : i32
        %parallel_loop3A_777 = arith.constant 1 : i32
        %parallel_loop3A_778 = arith.addi %parallel_loop3A_776, %parallel_loop3A_777 : i32
        %parallel_loop3A_779 = arith.constant 14 : i32
        %parallel_loop3A_780 = vector.broadcast %parallel_loop3A_779 : i32 to vector<16xi32>
        %parallel_loop3A_781 = vector.shape_cast %parallel_loop3A_780 : vector<16xi32> to vector<16x1xi32>
        %parallel_loop3A_782 = vector.shape_cast %parallel_loop3A_781 : vector<16x1xi32> to vector<16xi32>
        %parallel_loop3A_783 = tpu.dynamic_gather %parallel_loop3A_547[%parallel_loop3A_782] in [0] : vector<16xf32>, vector<16xi32> -> vector<16xf32>
        %parallel_loop3A_784 = arith.index_cast %parallel_loop3A_778 : i32 to index
        %parallel_loop3A_785 = arith.constant 96 : index
        %parallel_loop3A_786 = tpu.vector_load %arg19[%parallel_loop3A_784, %parallel_loop3A_785] {strides = array<i32>} : memref<40x128xf32, #tpu.memory_space<vmem>>, vector<16xf32>,
        %parallel_loop3A_787 = arith.mulf %parallel_loop3A_786, %parallel_loop3A_783 : vector<16xf32>
        %parallel_loop3A_788 = arith.index_cast %parallel_loop3A_778 : i32 to index
        %parallel_loop3A_789 = arith.constant 96 : index
        %parallel_loop3A_790 = tpu.vector_load %arg21[%parallel_loop3A_788, %parallel_loop3A_789] {strides = array<i32>} : memref<40x144xf32, #tpu.memory_space<vmem>>, vector<16xf32>,
        tpu.vector_store %arg21[%parallel_loop3A_788, %parallel_loop3A_789], %parallel_loop3A_787 {strides = array<i32>} : memref<40x144xf32, #tpu.memory_space<vmem>>, vector<16xf32>,
        %parallel_loop3A_791 = arith.constant 2 : i32
        %parallel_loop3A_792 = arith.muli %parallel_loop3A_791, %parallel_loop3A_532 : i32
        %parallel_loop3A_793 = arith.constant 1 : i32
        %parallel_loop3A_794 = arith.addi %parallel_loop3A_792, %parallel_loop3A_793 : i32
        %parallel_loop3A_795 = arith.constant 15 : i32
        %parallel_loop3A_796 = vector.broadcast %parallel_loop3A_795 : i32 to vector<16xi32>
        %parallel_loop3A_797 = vector.shape_cast %parallel_loop3A_796 : vector<16xi32> to vector<16x1xi32>
        %parallel_loop3A_798 = vector.shape_cast %parallel_loop3A_797 : vector<16x1xi32> to vector<16xi32>
        %parallel_loop3A_799 = tpu.dynamic_gather %parallel_loop3A_547[%parallel_loop3A_798] in [0] : vector<16xf32>, vector<16xi32> -> vector<16xf32>
        %parallel_loop3A_800 = arith.index_cast %parallel_loop3A_794 : i32 to index
        %parallel_loop3A_801 = arith.constant 112 : index
        %parallel_loop3A_802 = tpu.vector_load %arg19[%parallel_loop3A_800, %parallel_loop3A_801] {strides = array<i32>} : memref<40x128xf32, #tpu.memory_space<vmem>>, vector<16xf32>,
        %parallel_loop3A_803 = arith.mulf %parallel_loop3A_802, %parallel_loop3A_799 : vector<16xf32>
        %parallel_loop3A_804 = arith.index_cast %parallel_loop3A_794 : i32 to index
        %parallel_loop3A_805 = arith.constant 112 : index
        %parallel_loop3A_806 = tpu.vector_load %arg21[%parallel_loop3A_804, %parallel_loop3A_805] {strides = array<i32>} : memref<40x144xf32, #tpu.memory_space<vmem>>, vector<16xf32>,
        tpu.vector_store %arg21[%parallel_loop3A_804, %parallel_loop3A_805], %parallel_loop3A_803 {strides = array<i32>} : memref<40x144xf32, #tpu.memory_space<vmem>>, vector<16xf32>,
      } {sc.loop_unroll_factor = 2 : i64, sc.parallel_access}
      %dma_wait3A_525 = arith.constant 0 : i32
      %dma_wait3A_526 = tpu.memref_slice %arg3[%dma_wait3A_525] : memref<320000xi32, #tpu.memory_space<hbm>> -> memref<40xi32, #tpu.memory_space<hbm>>
      %dma_wait3A_527 = arith.constant 0 : i32
      %dma_wait3A_528 = tpu.memref_slice %arg3[%dma_wait3A_527] : memref<320000xi32, #tpu.memory_space<hbm>> -> memref<40xi32, #tpu.memory_space<hbm>>
      tpu.wait_dma2 semaphore(%arg26 : memref<!tpu.dma_semaphore, #tpu.memory_space<semaphore_mem>>) src(%dma_wait3A_528 : memref<40xi32, #tpu.memory_space<hbm>>) dst(%arg13 : memref<40xi32, #tpu.memory_space<vmem>>)
      %dma_start3A_529 = arith.constant 0 : i32
      %dma_start3A_530 = arith.constant 0 : i32
      %dma_start3A_531 = tpu.memref_slice %arg22[%dma_start3A_529, %dma_start3A_530] : memref<10240x144xf32, #tpu.memory_space<vmem_shared>> -> memref<10240x144xf32, #tpu.memory_space<vmem_shared>>
      tpu.enqueue_indirect_dma source(%arg21 : memref<40x144xf32, #tpu.memory_space<vmem>>) target(%dma_start3A_531 : memref<10240x144xf32, #tpu.memory_space<vmem_shared>>) offsets(%arg13 : memref<40xi32, #tpu.memory_space<vmem>>) semaphore(%arg30 : memref<!tpu.dma_semaphore, #tpu.memory_space<semaphore_mem>>) {add = true}
    }
    %scan3A_405 = arith.constant 125 : i32
    %dma_wait3A_406 = arith.constant 0 : i32
    %dma_wait3A_407 = arith.constant 0 : i32
    %dma_wait3A_408 = tpu.memref_slice %arg6[%dma_wait3A_406, %dma_wait3A_407] : memref<10240x144xf32, #tpu.memory_space<hbm>> -> memref<40x144xf32, #tpu.memory_space<hbm>>
    %dma_wait3A_409 = arith.constant 0 : i32
    %dma_wait3A_410 = arith.constant 0 : i32
    %dma_wait3A_411 = tpu.memref_slice %arg6[%dma_wait3A_409, %dma_wait3A_410] : memref<10240x144xf32, #tpu.memory_space<hbm>> -> memref<40x144xf32, #tpu.memory_space<hbm>>
    tpu.wait_dma2 semaphore(%arg29 : memref<!tpu.dma_semaphore, #tpu.memory_space<semaphore_mem>>) src(%dma_wait3A_411 : memref<40x144xf32, #tpu.memory_space<hbm>>) dst(%arg20 : memref<40x144xf32, #tpu.memory_space<vmem>>)
    %dma_wait3A_412 = arith.constant 0 : i32
    %dma_wait3A_413 = arith.constant 0 : i32
    %dma_wait3A_414 = tpu.memref_slice %arg6[%dma_wait3A_412, %dma_wait3A_413] : memref<10240x144xf32, #tpu.memory_space<hbm>> -> memref<40x144xf32, #tpu.memory_space<hbm>>
    %dma_wait3A_415 = arith.constant 0 : i32
    %dma_wait3A_416 = arith.constant 0 : i32
    %dma_wait3A_417 = tpu.memref_slice %arg6[%dma_wait3A_415, %dma_wait3A_416] : memref<10240x144xf32, #tpu.memory_space<hbm>> -> memref<40x144xf32, #tpu.memory_space<hbm>>
    tpu.wait_dma2 semaphore(%arg30 : memref<!tpu.dma_semaphore, #tpu.memory_space<semaphore_mem>>) src(%dma_wait3A_417 : memref<40x144xf32, #tpu.memory_space<hbm>>) dst(%arg21 : memref<40x144xf32, #tpu.memory_space<vmem>>)
    %barrier3A_418 = arith.constant 0 : index
    tpu.barrier barrier_id(%barrier3A_418)
    %mul3A_419 = arith.constant 640 : i32
    %mul3A_420 = arith.muli %arg1, %mul3A_419 : i32
    %mul3A_421 = arith.constant 640 : i32
    %mul3A_422 = arith.muli %arg1, %mul3A_421 : i32
    "tpu.region"() ({
      %run_scoped3A = tpu.sem_alloc : memref<!tpu.dma_semaphore, #tpu.memory_space<semaphore_mem>>
      %dma_start3A_423 = arith.constant 0 : i32
      %dma_start3A_424 = tpu.memref_slice %arg7[%arg0, %mul3A_422, %dma_start3A_423] : memref<2x10240x144xf32, #tpu.memory_space<hbm>> -> memref<1x640x144xf32, #tpu.memory_space<hbm>>
      %dma_start3A_425 = tpu.memref_squeeze %dma_start3A_424 : memref<1x640x144xf32, #tpu.memory_space<hbm>> -> memref<640x144xf32, #tpu.memory_space<hbm>>
      %dma_start3A_426 = arith.constant 0 : i32
      %dma_start3A_427 = tpu.memref_slice %arg22[%mul3A_420, %dma_start3A_426] : memref<10240x144xf32, #tpu.memory_space<vmem_shared>> -> memref<640x144xf32, #tpu.memory_space<vmem_shared>>
      tpu.enqueue_dma source(%dma_start3A_427 : memref<640x144xf32, #tpu.memory_space<vmem_shared>>) target(%dma_start3A_425 : memref<640x144xf32, #tpu.memory_space<hbm>>) target_semaphore(%run_scoped3A : memref<!tpu.dma_semaphore, #tpu.memory_space<semaphore_mem>>)
      %dma_wait3A_428 = arith.constant 0 : i32
      %dma_wait3A_429 = tpu.memref_slice %arg7[%arg0, %mul3A_422, %dma_wait3A_428] : memref<2x10240x144xf32, #tpu.memory_space<hbm>> -> memref<1x640x144xf32, #tpu.memory_space<hbm>>
      %dma_wait3A_430 = tpu.memref_squeeze %dma_wait3A_429 : memref<1x640x144xf32, #tpu.memory_space<hbm>> -> memref<640x144xf32, #tpu.memory_space<hbm>>
      %dma_wait3A_431 = arith.constant 0 : i32
      %dma_wait3A_432 = tpu.memref_slice %arg22[%mul3A_420, %dma_wait3A_431] : memref<10240x144xf32, #tpu.memory_space<vmem_shared>> -> memref<640x144xf32, #tpu.memory_space<vmem_shared>>
      tpu.wait_dma2 semaphore(%run_scoped3A : memref<!tpu.dma_semaphore, #tpu.memory_space<semaphore_mem>>) src(%dma_wait3A_432 : memref<640x144xf32, #tpu.memory_space<vmem_shared>>) dst(%dma_wait3A_430 : memref<640x144xf32, #tpu.memory_space<hbm>>)
      tpu.yield
    }) : () -> ()
    return
  }
}

module attributes {stable_mosaic.version = 14 : i64} {
  func.func @_tc1_body(%arg0: i32, %arg1: memref<1000x128xf32, #tpu.memory_space<vmem>>, %arg2: memref<128x128xf32, #tpu.memory_space<vmem>>, %arg3: memref<128x16xf32, #tpu.memory_space<vmem>>, %arg4: memref<1000x128xf32, #tpu.memory_space<vmem>>, %arg5: memref<1000x16xf32, #tpu.memory_space<vmem>>) attributes {dimension_semantics = [#tpu.dimension_semantics<arbitrary>], iteration_bounds = array<i64: 10>, scalar_prefetch = 0 : i64, scratch_operands = 0 : i64, tpu.core_type = #tpu.core_type<tc>, window_params = [{transform_indices = @transform_0, window_bounds = array<i64: 1000, 128>}, {pipeline_mode = #tpu.pipeline_mode<synchronous>, transform_indices = @transform_1, window_bounds = array<i64: 128, 128>}, {pipeline_mode = #tpu.pipeline_mode<synchronous>, transform_indices = @transform_2, window_bounds = array<i64: 128, 16>}, {transform_indices = @transform_3, window_bounds = array<i64: 1000, 128>}, {transform_indices = @transform_4, window_bounds = array<i64: 1000, 16>}]} {
    %get3A = arith.constant 0 : index
    %get3A_0 = arith.constant 0 : index
    %get3A_1 = vector.load %arg1[%get3A, %get3A_0] : memref<1000x128xf32, #tpu.memory_space<vmem>>, vector<1000x128xf32>
    %get3A_2 = arith.constant 0 : index
    %get3A_3 = arith.constant 0 : index
    %get3A_4 = vector.load %arg2[%get3A_2, %get3A_3] : memref<128x128xf32, #tpu.memory_space<vmem>>, vector<128x128xf32>
    %dot_general3A = arith.constant dense<0.000000e+00> : vector<1000x128xf32>
    %dot_general3A_5 = tpu.matmul %get3A_1, %get3A_4, %dot_general3A {dimension_numbers = #tpu.dot_dimension_numbers<[1], [0], [0], [1], [0, 0, 1, 1], [], []>, transpose_lhs_hint = false} : vector<1000x128xf32>, vector<128x128xf32>, vector<1000x128xf32> -> vector<1000x128xf32>
    %swap3A = arith.constant 0 : index
    %swap3A_6 = arith.constant 0 : index
    %swap3A_7 = vector.load %arg4[%swap3A, %swap3A_6] : memref<1000x128xf32, #tpu.memory_space<vmem>>, vector<1000x128xf32>
    tpu.vector_store %arg4[%swap3A, %swap3A_6], %dot_general3A_5 {strides = array<i32>} : memref<1000x128xf32, #tpu.memory_space<vmem>>, vector<1000x128xf32>,
    %get3A_8 = arith.constant 0 : index
    %get3A_9 = arith.constant 0 : index
    %get3A_10 = vector.load %arg3[%get3A_8, %get3A_9] : memref<128x16xf32, #tpu.memory_space<vmem>>, vector<128x16xf32>
    %dot_general3A_11 = arith.constant dense<0.000000e+00> : vector<1000x16xf32>
    %dot_general3A_12 = tpu.matmul %dot_general3A_5, %get3A_10, %dot_general3A_11 {dimension_numbers = #tpu.dot_dimension_numbers<[1], [0], [0], [1], [0, 0, 1, 1], [], []>, transpose_lhs_hint = false} : vector<1000x128xf32>, vector<128x16xf32>, vector<1000x16xf32> -> vector<1000x16xf32>
    %swap3A_13 = arith.constant 0 : index
    %swap3A_14 = arith.constant 0 : index
    %swap3A_15 = vector.load %arg5[%swap3A_13, %swap3A_14] : memref<1000x16xf32, #tpu.memory_space<vmem>>, vector<1000x16xf32>
    tpu.vector_store %arg5[%swap3A_13, %swap3A_14], %dot_general3A_12 {strides = array<i32>} : memref<1000x16xf32, #tpu.memory_space<vmem>>, vector<1000x16xf32>,
    return
  }
  func.func @transform_0(%arg0: i32) -> (i32, i32) {
    %c0_i32 = arith.constant 0 : i32
    %c0_i32_0 = arith.constant 0 : i32
    return %arg0, %c0_i32 : i32, i32
  }
  func.func @transform_1(%arg0: i32) -> (i32, i32) {
    %c0_i32 = arith.constant 0 : i32
    %c0_i32_0 = arith.constant 0 : i32
    %c0_i32_1 = arith.constant 0 : i32
    return %c0_i32, %c0_i32_0 : i32, i32
  }
  func.func @transform_2(%arg0: i32) -> (i32, i32) {
    %c0_i32 = arith.constant 0 : i32
    %c0_i32_0 = arith.constant 0 : i32
    %c0_i32_1 = arith.constant 0 : i32
    return %c0_i32, %c0_i32_0 : i32, i32
  }
  func.func @transform_3(%arg0: i32) -> (i32, i32) {
    %c0_i32 = arith.constant 0 : i32
    %c0_i32_0 = arith.constant 0 : i32
    return %arg0, %c0_i32 : i32, i32
  }
  func.func @transform_4(%arg0: i32) -> (i32, i32) {
    %c0_i32 = arith.constant 0 : i32
    %c0_i32_0 = arith.constant 0 : i32
    return %arg0, %c0_i32 : i32, i32
  }
}

module attributes {stable_mosaic.version = 14 : i64} {
  func.func @_tc2_body(%arg0: i32, %arg1: memref<1000x144xf32, #tpu.memory_space<vmem>>, %arg2: memref<1000x144xf32, #tpu.memory_space<vmem>>, %arg3: memref<1000x128xf32, #tpu.memory_space<vmem>>, %arg4: memref<128x8xf32, #tpu.memory_space<vmem>>, %arg5: memref<8x128xf32, #tpu.memory_space<vmem>>, %arg6: memref<144x128xf32, #tpu.memory_space<vmem>>, %arg7: memref<1x128xf32, #tpu.memory_space<vmem>>, %arg8: memref<1x128xf32, #tpu.memory_space<vmem>>, %arg9: memref<1x128xf32, #tpu.memory_space<vmem>>, %arg10: memref<1000x128xf32, #tpu.memory_space<vmem>>) attributes {dimension_semantics = [#tpu.dimension_semantics<arbitrary>], iteration_bounds = array<i64: 10>, scalar_prefetch = 0 : i64, scratch_operands = 0 : i64, tpu.core_type = #tpu.core_type<tc>, window_params = [{transform_indices = @transform_0, window_bounds = array<i64: 1000, 144>}, {transform_indices = @transform_1, window_bounds = array<i64: 1000, 144>}, {transform_indices = @transform_2, window_bounds = array<i64: 1000, 128>}, {pipeline_mode = #tpu.pipeline_mode<synchronous>, transform_indices = @transform_3, window_bounds = array<i64: 128, 8>}, {pipeline_mode = #tpu.pipeline_mode<synchronous>, transform_indices = @transform_4, window_bounds = array<i64: 8, 128>}, {pipeline_mode = #tpu.pipeline_mode<synchronous>, transform_indices = @transform_5, window_bounds = array<i64: 144, 128>}, {pipeline_mode = #tpu.pipeline_mode<synchronous>, transform_indices = @transform_6, window_bounds = array<i64: 1, 128>}, {pipeline_mode = #tpu.pipeline_mode<synchronous>, transform_indices = @transform_7, window_bounds = array<i64: 1, 128>}, {pipeline_mode = #tpu.pipeline_mode<synchronous>, transform_indices = @transform_8, window_bounds = array<i64: 1, 128>}, {transform_indices = @transform_9, window_bounds = array<i64: 1000, 128>}]} {
    %get3A = arith.constant 0 : index
    %get3A_0 = arith.constant 0 : index
    %get3A_1 = vector.load %arg1[%get3A, %get3A_0] : memref<1000x144xf32, #tpu.memory_space<vmem>>, vector<1000x144xf32>
    %get3A_2 = arith.constant 0 : index
    %get3A_3 = arith.constant 0 : index
    %get3A_4 = vector.load %arg2[%get3A_2, %get3A_3] : memref<1000x144xf32, #tpu.memory_space<vmem>>, vector<1000x144xf32>
    %add3A = arith.addf %get3A_1, %get3A_4 : vector<1000x144xf32>
    %get3A_5 = arith.constant 0 : index
    %get3A_6 = arith.constant 0 : index
    %get3A_7 = vector.load %arg3[%get3A_5, %get3A_6] : memref<1000x128xf32, #tpu.memory_space<vmem>>, vector<1000x128xf32>
    %slice3A = vector.extract_strided_slice %add3A {offsets = [0, 0], sizes = [1000, 128], strides = [1, 1]} : vector<1000x144xf32> to vector<1000x128xf32>
    %get3A_8 = arith.constant 0 : index
    %get3A_9 = arith.constant 0 : index
    %get3A_10 = vector.load %arg4[%get3A_8, %get3A_9] : memref<128x8xf32, #tpu.memory_space<vmem>>, vector<128x8xf32>
    %dot_general3A = arith.constant dense<0.000000e+00> : vector<1000x8xf32>
    %dot_general3A_11 = tpu.matmul %get3A_7, %get3A_10, %dot_general3A {dimension_numbers = #tpu.dot_dimension_numbers<[1], [0], [0], [1], [0, 0, 1, 1], [], []>, transpose_lhs_hint = false} : vector<1000x128xf32>, vector<128x8xf32>, vector<1000x8xf32> -> vector<1000x8xf32>
    %mul3A = arith.constant 2.000000e-01 : f32
    %mul3A_12 = vector.broadcast %mul3A : f32 to vector<1000x8xf32>
    %mul3A_13 = arith.mulf %mul3A_12, %dot_general3A_11 : vector<1000x8xf32>
    %max3A = arith.maximumf %dot_general3A_11, %mul3A_13 : vector<1000x8xf32>
    %exp3A = math.exp %max3A : vector<1000x8xf32>
    %get3A_14 = arith.constant 0 : index
    %get3A_15 = arith.constant 0 : index
    %get3A_16 = vector.load %arg5[%get3A_14, %get3A_15] : memref<8x128xf32, #tpu.memory_space<vmem>>, vector<8x128xf32>
    %dot_general3A_17 = arith.constant dense<0.000000e+00> : vector<1000x128xf32>
    %dot_general3A_18 = tpu.matmul %exp3A, %get3A_16, %dot_general3A_17 {dimension_numbers = #tpu.dot_dimension_numbers<[1], [0], [0], [1], [0, 0, 1, 1], [], []>, transpose_lhs_hint = false} : vector<1000x8xf32>, vector<8x128xf32>, vector<1000x128xf32> -> vector<1000x128xf32>
    %get3A_19 = arith.constant 0 : index
    %get3A_20 = arith.constant 0 : index
    %get3A_21 = vector.load %arg6[%get3A_19, %get3A_20] : memref<144x128xf32, #tpu.memory_space<vmem>>, vector<144x128xf32>
    %dot_general3A_22 = arith.constant dense<0.000000e+00> : vector<1000x128xf32>
    %dot_general3A_23 = tpu.matmul %add3A, %get3A_21, %dot_general3A_22 {dimension_numbers = #tpu.dot_dimension_numbers<[1], [0], [0], [1], [0, 0, 1, 1], [], []>, transpose_lhs_hint = false} : vector<1000x144xf32>, vector<144x128xf32>, vector<1000x128xf32> -> vector<1000x128xf32>
    %add3A_24 = arith.addf %dot_general3A_23, %dot_general3A_18 : vector<1000x128xf32>
    %add3A_25 = arith.constant 1.000000e-16 : f32
    %add3A_26 = vector.broadcast %add3A_25 : f32 to vector<1000x128xf32>
    %add3A_27 = arith.addf %add3A_24, %add3A_26 : vector<1000x128xf32>
    %mul3A_28 = arith.mulf %get3A_7, %dot_general3A_18 : vector<1000x128xf32>
    %add3A_29 = arith.addf %slice3A, %mul3A_28 : vector<1000x128xf32>
    %div3A = arith.divf %add3A_29, %add3A_27 : vector<1000x128xf32>
    %get3A_30 = arith.constant 0 : index
    %get3A_31 = arith.constant 0 : index
    %get3A_32 = vector.load %arg7[%get3A_30, %get3A_31] : memref<1x128xf32, #tpu.memory_space<vmem>>, vector<1x128xf32>
    %add3A_33 = vector.broadcast %get3A_32 : vector<1x128xf32> to vector<1000x128xf32>
    %add3A_34 = arith.addf %div3A, %add3A_33 : vector<1000x128xf32>
    %reduce_sum3A = arith.constant dense<0.000000e+00> : vector<1000xf32>
    %reduce_sum3A_35 = vector.multi_reduction <add>, %add3A_34, %reduce_sum3A [1] : vector<1000x128xf32> to vector<1000xf32>
    %broadcast_in_dim3A = vector.shape_cast %reduce_sum3A_35 : vector<1000xf32> to vector<1000x1xf32>
    %div3A_36 = arith.constant 1.280000e+02 : f32
    %div3A_37 = vector.broadcast %div3A_36 : f32 to vector<1000x1xf32>
    %div3A_38 = arith.divf %broadcast_in_dim3A, %div3A_37 : vector<1000x1xf32>
    %sub3A = vector.broadcast %div3A_38 : vector<1000x1xf32> to vector<1000x128xf32>
    %sub3A_39 = arith.subf %add3A_34, %sub3A : vector<1000x128xf32>
    %integer_pow3A = arith.mulf %sub3A_39, %sub3A_39 : vector<1000x128xf32>
    %reduce_sum3A_40 = arith.constant dense<0.000000e+00> : vector<1000xf32>
    %reduce_sum3A_41 = vector.multi_reduction <add>, %integer_pow3A, %reduce_sum3A_40 [1] : vector<1000x128xf32> to vector<1000xf32>
    %broadcast_in_dim3A_42 = vector.shape_cast %reduce_sum3A_41 : vector<1000xf32> to vector<1000x1xf32>
    %div3A_43 = arith.constant 1.280000e+02 : f32
    %div3A_44 = vector.broadcast %div3A_43 : f32 to vector<1000x1xf32>
    %div3A_45 = arith.divf %broadcast_in_dim3A_42, %div3A_44 : vector<1000x1xf32>
    %sub3A_46 = vector.broadcast %div3A_38 : vector<1000x1xf32> to vector<1000x128xf32>
    %sub3A_47 = arith.subf %add3A_34, %sub3A_46 : vector<1000x128xf32>
    %add3A_48 = arith.constant 9.99999974E-6 : f32
    %add3A_49 = vector.broadcast %add3A_48 : f32 to vector<1000x1xf32>
    %add3A_50 = arith.addf %div3A_45, %add3A_49 : vector<1000x1xf32>
    %rsqrt3A = math.rsqrt %add3A_50 : vector<1000x1xf32>
    %mul3A_51 = vector.broadcast %rsqrt3A : vector<1000x1xf32> to vector<1000x128xf32>
    %mul3A_52 = arith.mulf %sub3A_47, %mul3A_51 : vector<1000x128xf32>
    %get3A_53 = arith.constant 0 : index
    %get3A_54 = arith.constant 0 : index
    %get3A_55 = vector.load %arg8[%get3A_53, %get3A_54] : memref<1x128xf32, #tpu.memory_space<vmem>>, vector<1x128xf32>
    %mul3A_56 = vector.broadcast %get3A_55 : vector<1x128xf32> to vector<1000x128xf32>
    %mul3A_57 = arith.mulf %mul3A_52, %mul3A_56 : vector<1000x128xf32>
    %get3A_58 = arith.constant 0 : index
    %get3A_59 = arith.constant 0 : index
    %get3A_60 = vector.load %arg9[%get3A_58, %get3A_59] : memref<1x128xf32, #tpu.memory_space<vmem>>, vector<1x128xf32>
    %add3A_61 = vector.broadcast %get3A_60 : vector<1x128xf32> to vector<1000x128xf32>
    %add3A_62 = arith.addf %mul3A_57, %add3A_61 : vector<1000x128xf32>
    %swap3A = arith.constant 0 : index
    %swap3A_63 = arith.constant 0 : index
    %swap3A_64 = vector.load %arg10[%swap3A, %swap3A_63] : memref<1000x128xf32, #tpu.memory_space<vmem>>, vector<1000x128xf32>
    tpu.vector_store %arg10[%swap3A, %swap3A_63], %add3A_62 {strides = array<i32>} : memref<1000x128xf32, #tpu.memory_space<vmem>>, vector<1000x128xf32>,
    return
  }
  func.func @transform_0(%arg0: i32) -> (i32, i32) {
    %c0_i32 = arith.constant 0 : i32
    %c0_i32_0 = arith.constant 0 : i32
    return %arg0, %c0_i32 : i32, i32
  }
  func.func @transform_1(%arg0: i32) -> (i32, i32) {
    %c0_i32 = arith.constant 0 : i32
    %c0_i32_0 = arith.constant 0 : i32
    return %arg0, %c0_i32 : i32, i32
  }
  func.func @transform_2(%arg0: i32) -> (i32, i32) {
    %c0_i32 = arith.constant 0 : i32
    %c0_i32_0 = arith.constant 0 : i32
    return %arg0, %c0_i32 : i32, i32
  }
  func.func @transform_3(%arg0: i32) -> (i32, i32) {
    %c0_i32 = arith.constant 0 : i32
    %c0_i32_0 = arith.constant 0 : i32
    %c0_i32_1 = arith.constant 0 : i32
    return %c0_i32, %c0_i32_0 : i32, i32
  }
  func.func @transform_4(%arg0: i32) -> (i32, i32) {
    %c0_i32 = arith.constant 0 : i32
    %c0_i32_0 = arith.constant 0 : i32
    %c0_i32_1 = arith.constant 0 : i32
    return %c0_i32, %c0_i32_0 : i32, i32
  }
  func.func @transform_5(%arg0: i32) -> (i32, i32) {
    %c0_i32 = arith.constant 0 : i32
    %c0_i32_0 = arith.constant 0 : i32
    %c0_i32_1 = arith.constant 0 : i32
    return %c0_i32, %c0_i32_0 : i32, i32
  }
  func.func @transform_6(%arg0: i32) -> (i32, i32) {
    %c0_i32 = arith.constant 0 : i32
    %c0_i32_0 = arith.constant 0 : i32
    %c0_i32_1 = arith.constant 0 : i32
    return %c0_i32, %c0_i32_0 : i32, i32
  }
  func.func @transform_7(%arg0: i32) -> (i32, i32) {
    %c0_i32 = arith.constant 0 : i32
    %c0_i32_0 = arith.constant 0 : i32
    %c0_i32_1 = arith.constant 0 : i32
    return %c0_i32, %c0_i32_0 : i32, i32
  }
  func.func @transform_8(%arg0: i32) -> (i32, i32) {
    %c0_i32 = arith.constant 0 : i32
    %c0_i32_0 = arith.constant 0 : i32
    %c0_i32_1 = arith.constant 0 : i32
    return %c0_i32, %c0_i32_0 : i32, i32
  }
  func.func @transform_9(%arg0: i32) -> (i32, i32) {
    %c0_i32 = arith.constant 0 : i32
    %c0_i32_0 = arith.constant 0 : i32
    return %arg0, %c0_i32 : i32, i32
  }
}

</mosaic_0001>

<sc_bundles>
// kernel: kernel.5.cloned.1.call-start
scs
__scs_entry_jumppad:
0x0: {  	(pc) =	sbr.rel $0x88, $3  }
0x1: {  	(tag) =	ssettag $0x0;
	lr =	simm.s32 $0x1  }
0x2: {  	[smem:$0x3F99] =	sst lr;
	_ =	strace $0xD0000000  }
0x3: {  	_ = 	snop  }
0x4: {  	_ = 	snop  }
0x5: {  	_ = 	snop  }
0x6: {  	_ = 	snop  }
0x7: {  	_ = 	snop  }
__scs_overlays_trampoline_lowered:
0x8: {  	[smem:$0x3FA8] =	sst s0  }
0x9: {  	[smem:$0x3FA9] =	sst s1  }
0xa: {  	[smem:$0x3FAA] =	sst s2  }
0xb: {  	[smem:$0x3FAB] =	sst s3  }
0xc: {  	[smem:$0x3FAC] =	sst s4  }
0xd: {  	[smem:$0x3FAD] =	sst s5  }
0xe: {  	[smem:$0x3FAE] =	sst s6  }
0xf: {  	[smem:$0x3FAF] =	sst s7  }
0x10: {  	[smem:$0x3FB0] =	sst s8  }
0x11: {  	[smem:$0x3FB1] =	sst s9;
	s0 =	simm.s32 @!p0 $0x0  }
0x12: {  	s1 =	sld [smem:$0x3F97];
	s0 =	simm.s32 @p0 $0x1  }
0x13: {  	[smem:$0x3FB2] =	sst s0;
	s0 =	simm.s32 @!p1 $0x0  }
0x14: {  	s2 =	sld [smem:$0x3F96];
	s0 =	simm.s32 @p1 $0x1  }
0x15: {  	[smem:$0x3FB3] =	sst s0;
	s0 =	simm.s32 @!p2 $0x0  }
0x16: {  	s3 =	sld [smem:$0x3FDB];
	s0 =	simm.s32 @p2 $0x1  }
0x17: {  	s4 =	simm.s32 $0x1BF5;
	[smem:$0x3FB5] =	sst s0  }
0x18: {  	s0 =	sld [smem:$0x3F98];
	_ =	swait.ge [sflag:s4], $0x0  }
0x19: {  	s7 =	sld [smem:$0x3F99]  }
0x1a: {  	s8 =	sadd.s32 $0xFFFFE003, lr  }
0x1b: {  	s9 =	sadd.s32 $0xFFFFFEF7, lr;
	s5 =	simm.s32 $0xFFFFFFFF;
	p2 =	slt.u32 s8, $0xFFFFF086  }
0x1c: {  	p1 =	slt.u32 s9, $0xF7A;
	s5 =	simm.s32 @!p2 $0x0  }
0x1d: {  	s5 =	simm.s32 @p1 $0x1;
	p0 =	seq.s32 s7, s2  }
0x1e: {  	s7 =	smul.u32 @!p0 $0xF7A, s2;
	p2 =	seq.s32 @!p0 s5, $0x0  }
0x1f: {  	s9 =	smul.u32 $0xF7A, s1;
	s8 =	simm.s32 @!p0 $0x1BF5;
	p2 =	por !p2, p0  }
0x20: {  	[sflag:s8] =	ssyncset.s32 @!p0 $0xFFFFF086;
	s6 =	sadd.s32 @!p0 s3, s7;
	s7 =	simm.s32 @!p0 $0x108  }
0x21: {  	s3 =	sadd.s32 s3, s9;
	s6 =	sadd.s32 @!p0 $0x88, s6;
	s7 =	simm.s32 @p2 $0x1082  }
0x22: {  	[simem:s7], [sflag:s8] =	dma.local @!p0 [hbm:s6], $0xF7A  }
0x23: {  	s9 =	sor.u32 $0xD0000000, s2;
	s6 =	simm.s32 $0x108;
	_ =	swait.ge @!p0 [sflag:s8], $0x0  }
0x24: {  	s3 =	sadd.s32 $0x88, s3;
	s6 =	simm.s32 @!p1 $0x1082;
	[sflag:s4] =	ssyncset.s32 $0xFFFFF086  }
0x25: {  	[simem:s6], [sflag:s4] =	dma.local [hbm:s3], $0xF7A  }
0x26: {  	[smem:$0x3F99] =	sst s1;
	(tag) =	ssettag s2;
	_ =	strace s9  }
0x27: {  	s1 =	sld [smem:$0x3FA9]  }
0x28: {  	s2 =	sld [smem:$0x3FAA]  }
0x29: {  	s4 =	sld [smem:$0x3FAC]  }
0x2a: {  	p0 =	seq.s32 s5, $0x0;
	s5 =	sld [smem:$0x3FAD]  }
0x2b: {  	s6 =	sld [smem:$0x3FAE]  }
0x2c: {  	s7 =	sld [smem:$0x3FAF]  }
0x2d: {  	s3 =	simm.s32 $0x108;
	s8 =	sld [smem:$0x3FB0]  }
0x2e: {  	s3 =	simm.s32 @!p0 $0x1082;
	s9 =	sld [smem:$0x3FB1]  }
0x2f: {  	lr =	sadd.s32 s0, s3;
	s0 =	sld [smem:$0x3FA8]  }
0x30: {  	s3 =	sld [smem:$0x3FAB]  }
0x31: {  	[smem:$0x3FB4] =	sst s10  }
0x32: {  	s10 =	sld [smem:$0x3FB2];
	_ =	sdelay $0x3  }
0x33: {  	p0 =	seq.s32 s10, $0x1;
	s10 =	sld [smem:$0x3FB4];
	_ =	sdelay $0x3  }
0x34: {  	[smem:$0x3FB4] =	sst s10  }
0x35: {  	s10 =	sld [smem:$0x3FB3];
	_ =	sdelay $0x3  }
0x36: {  	p1 =	seq.s32 s10, $0x1;
	s10 =	sld [smem:$0x3FB4];
	_ =	sdelay $0x3  }
0x37: {  	[smem:$0x3FB4] =	sst s10  }
0x38: {  	s10 =	sld [smem:$0x3FB5]  }
0x39: {  	_ = 	snop;
	(pc) =	sbr.ind lr, $3  }
0x3a: {  	_ = 	snop  }
0x3b: {  	_ = 	snop  }
0x3c: {  	p2 =	seq.s32 s10, $0x1;
	s10 =	sld [smem:$0x3FB4]  }
0x3d: {  	_ =	shalt  }
0x3e: {  	_ =	shalt  }
0x3f: {  	_ =	shalt  }
0x40: {  	_ =	shalt  }
0x41: {  	_ =	shalt  }
0x42: {  	_ =	shalt  }
0x43: {  	_ =	shalt  }
0x44: {  	_ =	shalt  }
0x45: {  	_ =	shalt  }
0x46: {  	_ =	shalt  }
0x47: {  	_ =	shalt  }
0x48: {  	_ =	shalt  }
0x49: {  	_ =	shalt  }
0x4a: {  	_ =	shalt  }
0x4b: {  	_ =	shalt  }
0x4c: {  	_ =	shalt  }
0x4d: {  	_ =	shalt  }
0x4e: {  	_ =	shalt  }
0x4f: {  	_ =	shalt  }
0x50: {  	_ =	shalt  }
0x51: {  	_ =	shalt  }
0x52: {  	_ =	shalt  }
0x53: {  	_ =	shalt  }
0x54: {  	_ =	shalt  }
0x55: {  	_ =	shalt  }
0x56: {  	_ =	shalt  }
0x57: {  	_ =	shalt  }
0x58: {  	_ =	shalt  }
0x59: {  	_ =	shalt  }
0x5a: {  	_ =	shalt  }
0x5b: {  	_ =	shalt  }
0x5c: {  	_ =	shalt  }
0x5d: {  	_ =	shalt  }
0x5e: {  	_ =	shalt  }
0x5f: {  	_ =	shalt  }
0x60: {  	_ =	shalt  }
0x61: {  	_ =	shalt  }
0x62: {  	_ =	shalt  }
0x63: {  	_ =	shalt  }
0x64: {  	_ =	shalt  }
0x65: {  	_ =	shalt  }
0x66: {  	_ =	shalt  }
0x67: {  	_ =	shalt  }
0x68: {  	_ =	shalt  }
0x69: {  	_ =	shalt  }
0x6a: {  	_ =	shalt  }
0x6b: {  	_ =	shalt  }
0x6c: {  	_ =	shalt  }
0x6d: {  	_ =	shalt  }
0x6e: {  	_ =	shalt  }
0x6f: {  	_ =	shalt  }
0x70: {  	_ =	shalt  }
0x71: {  	_ =	shalt  }
0x72: {  	_ =	shalt  }
0x73: {  	_ =	shalt  }
0x74: {  	_ =	shalt  }
0x75: {  	_ =	shalt  }
0x76: {  	_ =	shalt  }
0x77: {  	_ =	shalt  }
0x78: {  	_ =	shalt  }
0x79: {  	_ =	shalt  }
0x7a: {  	_ =	shalt  }
0x7b: {  	_ =	shalt  }
0x7c: {  	_ =	shalt  }
0x7d: {  	_ =	shalt  }
0x7e: {  	_ =	shalt  }
0x7f: {  	_ =	shalt  }
0x80: {  	_ =	shalt  }
0x81: {  	_ =	shalt  }
0x82: {  	_ =	shalt  }
0x83: {  	_ =	shalt  }
0x84: {  	_ =	shalt  }
0x85: {  	_ =	shalt  }
0x86: {  	_ =	shalt  }
0x87: {  	_ =	shalt  }
.Lfunc_end0:
.L_simem_size_0:
called_computation_lowered:
.L_overlay_start_0:
0x88: {  	s2 =	sld [smem:$0x3FD9]  }
0x89: {  	s3 =	sld [smem:$0x3FFE];
	_ =	sdelay $0x1  }
0x8a: {  	s1 =	srdreg.scid  }
0x8b: {  	s0 =	sand.u32 $0x1, s1  }
0x8c: {  	s17 =	sshll.u32 s0, $0xA;
	s2 =	sadd.s32 s3, s2  }
0x8d: {  	s2 =	sadd.s32 s2, s17  }
0x8e: {  	[smem:$0x3FC0] =	sst s2  }
0x8f: {  	_ = 	snop  }
0x90: {  	s2 =	sld [smem:$0x3FD0];
	(tm) =	ssettm $0x1  }
0x91: {  	s18 =	sld [smem:$0x3FFB];
	_ =	sdelay $0x3  }
0x92: {  	_ =	strace s18  }
0x93: {  	s3 =	sld [smem:$0x3FFC];
	_ =	sdelay $0x3  }
0x94: {  	_ =	strace s3  }
0x95: {  	s3 =	sld [smem:$0x3FFD];
	_ =	sdelay $0x3  }
0x96: {  	_ =	strace s3  }
0x97: {  	_ =	strace $0x8FFFFFFF  }
0x98: {  	s19 =	sld [smem:$0x3FDB];
	_ =	sdelay $0x1  }
0x99: {  	s4 =	simm.s32 $_scs_section_size  }
0x9a: {  	s5 =	simm.s32 $_size__tile_overlayer_lowered;
	s6 =	simm.s32 $_tile_overlayer_lowered  }
0x9b: {  	s22 =	simm.s32 $0x1BFF;
	s21 =	sshll.u32 s6, $0x1;
	s3 =	sadd.s32 s4, s19  }
0x9c: {  	s7 =	simm.s32 $0x0;
	s20 =	sshll.u32 s5, $0x1;
	s5 =	sadd.s32 s21, s3  }
0x9d: {  	[timem:s7], [sflag:s22] =	dma.local [hbm:s5], s20  }
0x9e: {  	_ =	swait.ge [sflag:s22], s20  }
0x9f: {  	s4 =	ssub.s32 $0x0, s20;
	[sflag:s22] =	ssyncset.done $0x0  }
0xa0: {  	[sflag:s22] =	ssyncadd.s32 s4;
	_ =	sdelay $0x1  }
0xa1: {  	s23 =	simm.s32 $0x1B8B  }
0xa2: {  	_ =	swait.ge [sflag:s23], $0x1  }
0xa3: {  	[sflag:s23] =	ssyncset.done $0x0  }
0xa4: {  	s25 =	simm.s32 $0x1B8E;
	s24 =	sld [smem:$0x3FFE];
	[sflag:s23] =	ssyncadd.s32 $0xFFFFFFFF  }
0xa5: {  	s26 =	simm.s32 $execute0_lowered;
	[smem:$0x3FD2] =	sst s25  }
0xa6: {  	s5 =	sshll.u32 s26, $0x1;
	_ =	strace $0x80000046;
	[dreg:$0x1] =	wrdreg $0xFFFFFFFF  }
0xa7: {  	s28 =	simm.s32 $_size_execute0_lowered;
	s3 =	sadd.s32 s3, s5;
	[dreg:$0x0] =	wrdreg $0x0  }
0xa8: {  	s5 =	sshll.u32 s28, $0x1;
	[dreg:$0x2] =	wrdreg s3  }
0xa9: {  	[dreg:$0x3] =	wrdreg s5  }
0xaa: {  	[dreg:$0x4] =	wrdreg $0xC0  }
0xab: {  	_ =	task [dreg:s7], $0x5FFFF  }
0xac: {  	[dreg:$0x1] =	wrdreg $0xFFFFFFFF  }
0xad: {  	[dreg:$0x0] =	wrdreg $0x60  }
0xae: {  	[dreg:$0x2] =	wrdreg s24  }
0xaf: {  	[dreg:$0x3] =	wrdreg s2  }
0xb0: {  	[dreg:$0x4] =	wrdreg $0x5FF00  }
0xb1: {  	[dreg:$0x5] =	wrdreg $0x9  }
0xb2: {  	_ =	task.clear_ibuf [dreg:s7], $0x6FFFF;
	_ =	strace $0x90000046  }
0xb3: {  	s29 =	simm.s32 $0x9;
	_ =	strace $0x80000048  }
0xb4: {  	_ =	swait.ge [sflag:s29], $0x1  }
0xb5: {  	[sflag:s29] =	ssyncadd.s32 $0xFFFFFFFF  }
0xb6: {  	_ =	strace $0x90000048  }
0xb7: {  	_ =	sfence  }
0xb8: {  	s30 =	sld [smem:$0x0];
	_ =	sdelay $0x2  }
0xb9: {  	s31 =	sshll.u32 s1, $0xD;
	s1 =	sshrl.u32 s1, $0x2  }
0xba: {  	s3 =	sand.u32 $0x4000, s31;
	s1 =	sadd.s32 s1, s30  }
0xbb: {  	s0 =	sor.u32 s3, s0;
	s1 =	sshll.u32 s1, $0x11  }
0xbc: {  	s0 =	sor.u32 s1, s0  }
0xbd: {  	s0 =	sadd.s32 $0x8F2B, s0  }
0xbe: {  	[sflag:s0] =	ssyncadd.remote.s32 $0x1  }
0xbf: {  	_ =	sfence.sel $0xFFFF  }
0xc0: {  	[dreg:$0x0] =	wrdreg $0xFFFFFFFF;
	(pc) =	sbr.abs _section_cstart, $3  }
0xc1: {  	[dreg:$0x1] =	wrdreg $0xFFFFFFFF  }
0xc2: {  	_ =	task.clear_ibuf [dreg:s7], $0x2FFFF;
	_ =	strace $0x9FFFFFFF  }
0xc3: {  	(tm) =	ssettm $0x7FFFFFFF  }
tec
execute0_lowered:
.L_overlay_start_1:
0x0: {  	(tag) =	ssettag $0x1  }
0x1: {  	s0 =	rddreg [dreg:$0x0]  }
0x2: {  	s10 =	rddreg [dreg:$0x2];
	s1 =	simm.s32 $0x0  }
0x3: {  	s9 =	stileid.u32;
	s2 =	srdreg.scid;
	s28 =	simm.s32 $0x5F0  }
0x4: {  	s30 =	simm.s32 $0x2;
	s31 =	simm.s32 $0x370;
	s13 =	simm.s32 $0x32F0  }
0x5: {  	s15 =	simm.s32 $0x6;
	[smem:$0x7FF] =	sst s1;
	s16 =	smul.u32 $0x16800, s9  }
0x6: {  	s2 =	sand.u32 $0x1, s2;
	s11 =	sadd.s32 $0x10600, s0;
	s6 =	sadd.s32 $0x6800, s0  }
0x7: {  	s7 =	sadd.s32 $0x1800, s0;
	_ =	strace $0x80000047;
	s4 =	smul.u32 $0x168000, s2  }
0x8: {  	s5 =	ssub.s32 $0x2, s2;
	s2 =	sshll.u32 s2, $0x4;
	s3 =	sshrl.u32 s16, $0x3  }
0x9: {  	[dreg:$0x4] =	wrdreg s11;
	s2 =	sor.u32 s9, s2;
	s3 =	sadd.s32 s3, s0  }
0xa: {  	s8 =	sshrl.u32 s5, $0x1;
	s18 =	smul.u32 $0x2710, s2;
	s19 =	sadd.s32 $0x1A400, s3  }
0xb: {  	s20 =	sshll.u32 s9, $0x6;
	s17 =	ssub.s32 s5, s8;
	[dreg:$0x6] =	wrdreg s19  }
0xc: {  	s1 =	sadd.s32 s16, s10;
	s29 =	smax.u32 s17, $0x1;
	[dreg:$0x5] =	wrdreg s18  }
0xd: {  	s9 =	simm.s32 $0x5;
	s3 =	sor.u32 $0x1C09, s20;
	[dreg:$0x10] =	wrdreg s29  }
0xe: {  	s10 =	simm.s32 $0x4970;
	s22 =	sadd.s32 $0x28, s18;
	[dreg:$0x7] =	wrdreg s3  }
0xf: {  	s4 =	sadd.s32 s16, s4;
	s25 =	sadd.s32 $0x50, s18;
	[dreg:$0x8] =	wrdreg s22  }
0x10: {  	s21 =	sshrl.u32 s18, $0x3;
	s26 =	sadd.s32 $0x78, s18;
	[dreg:$0xd] =	wrdreg s25  }
0x11: {  	v0 =	vlaneseq.u32;
	v3 =	vimm.s32 $0x4;
	s4 =	sshrl.u32 s4, $0x3;
	s23 =	sadd.s32 s11, s21;
	[dreg:$0xe] =	wrdreg s26  }
0x12: {  	v6 =	vimm.s32 $0x0;
	v7 =	vimm.s32 $0x1;
	v8 =	vimm.s32 $0x2;
	s0 =	sadd.s32 s4, s0;
	s2 =	sadd.s32 s6, s21;
	[dreg:$0x9] =	wrdreg s23  }
0x13: {  	v9 =	vimm.s32 $0x3;
	v10 =	vimm.s32 $0x5;
	v1 =	vshrl.u32 v0, $0x3;
	s24 =	sshrl.u32 s22, $0x3;
	s0 =	sadd.s32 $0x47400, s0;
	[dreg:$0xa] =	wrdreg s2  }
0x14: {  	v11 =	vimm.s32 $0x6;
	v12 =	vimm.s32 $0x7;
	v0 =	vand.u32 $0x7, v0;
	[tilespmem:$0x1FFC0] =	vst v1;
	s5 =	simm.s32 $0x0;
	s8 =	sadd.s32 s11, s24;
	[dreg:$0xf] =	wrdreg s0  }
0x15: {  	v18 =	vimm.s32 $0x9;
	[tilespmem:$0x1FFD0] =	vst v0;
	v5 =	vor.u32 $0x8, v0;
	v0 =	vor.u32 $0x80, v0;
	s4 =	simm.s32 $0x9;
	s2 =	sadd.s32 s6, s24;
	[dreg:$0xb] =	wrdreg s8  }
0x16: {  	v15 =	vimm.s32 $0xA;
	v16 =	vimm.s32 $0xB;
	v17 =	vimm.s32 $0xC;
	[tilespmem:$0x1FFE0] =	vst v0;
	s26 =	simm.s32 $0xF0;
	[dreg:$0xc] =	wrdreg s2;
	s2 =	sshrl.u32 s1, $0x3  }
0x17: {  	v62 =	vimm.s32 $0xD;
	v40 =	vimm.s32 $0xE;
	v1 =	vimm.s32 $0x8;
	[tilespmem:$0x1FFF0] =	vst v5;
	s23 =	simm.s32 $0x28;
	s0 =	simm.s32 $0x870;
	[dreg:$0x11] =	wrdreg s2  }
.LBB2_1:
0x18: {  	[dreg:$0x12] =	wrdreg s5  }
0x19: {  	s1 =	rddreg [dreg:$0x6]  }
0x1a: {  	[spmem:s2], [sflag:s3] =	dma.local [hbm:s1], $0x2D00  }
0x1b: {  	_ =	swait.ge [sflag:s4], $0x2D00  }
0x1c: {  	[sflag:s4] =	ssyncset.done $0x0  }
0x1d: {  	v0 =	vimm.f32 $0.0e+00;
	[sflag:s4] =	ssyncadd.s32 $0xFFFFD300  }
0x1e: {  	[tilespmem:$0x3370] =	vst v0  }
0x1f: {  	[tilespmem:$0x49F0] =	vst v0  }
0x20: {  	[tilespmem:$0x3400] =	vst v0  }
0x21: {  	[tilespmem:$0x4A80] =	vst v0  }
0x22: {  	[tilespmem:$0x3490] =	vst v0  }
0x23: {  	[tilespmem:$0x4B10] =	vst v0  }
0x24: {  	[tilespmem:$0x3520] =	vst v0  }
0x25: {  	[tilespmem:$0x4BA0] =	vst v0  }
0x26: {  	[tilespmem:$0x35B0] =	vst v0  }
0x27: {  	[tilespmem:$0x4C30] =	vst v0  }
0x28: {  	[tilespmem:$0x3640] =	vst v0  }
0x29: {  	[tilespmem:$0x4CC0] =	vst v0  }
0x2a: {  	[tilespmem:$0x36D0] =	vst v0  }
0x2b: {  	[tilespmem:$0x4D50] =	vst v0  }
0x2c: {  	[tilespmem:$0x3760] =	vst v0  }
0x2d: {  	[tilespmem:$0x4DE0] =	vst v0  }
0x2e: {  	[tilespmem:$0x37F0] =	vst v0  }
0x2f: {  	[tilespmem:$0x4E70] =	vst v0  }
0x30: {  	[tilespmem:$0x3880] =	vst v0  }
0x31: {  	[tilespmem:$0x4F00] =	vst v0  }
0x32: {  	[tilespmem:$0x3910] =	vst v0  }
0x33: {  	[tilespmem:$0x4F90] =	vst v0  }
0x34: {  	[tilespmem:$0x39A0] =	vst v0  }
0x35: {  	[tilespmem:$0x5020] =	vst v0  }
0x36: {  	[tilespmem:$0x3A30] =	vst v0  }
0x37: {  	[tilespmem:$0x50B0] =	vst v0  }
0x38: {  	[tilespmem:$0x3AC0] =	vst v0  }
0x39: {  	[tilespmem:$0x5140] =	vst v0  }
0x3a: {  	[tilespmem:$0x3B50] =	vst v0  }
0x3b: {  	[tilespmem:$0x51D0] =	vst v0  }
0x3c: {  	[tilespmem:$0x3BE0] =	vst v0  }
0x3d: {  	[tilespmem:$0x5260] =	vst v0  }
0x3e: {  	[tilespmem:$0x3C70] =	vst v0  }
0x3f: {  	[tilespmem:$0x52F0] =	vst v0  }
0x40: {  	[tilespmem:$0x3D00] =	vst v0  }
0x41: {  	[tilespmem:$0x5380] =	vst v0  }
0x42: {  	[tilespmem:$0x3D90] =	vst v0  }
0x43: {  	[tilespmem:$0x5410] =	vst v0  }
0x44: {  	[tilespmem:$0x3E20] =	vst v0  }
0x45: {  	[tilespmem:$0x54A0] =	vst v0  }
0x46: {  	[tilespmem:$0x3EB0] =	vst v0  }
0x47: {  	[tilespmem:$0x5530] =	vst v0  }
0x48: {  	[tilespmem:$0x3F40] =	vst v0  }
0x49: {  	[tilespmem:$0x55C0] =	vst v0  }
0x4a: {  	[tilespmem:$0x3FD0] =	vst v0  }
0x4b: {  	[tilespmem:$0x5650] =	vst v0  }
0x4c: {  	[tilespmem:$0x4060] =	vst v0  }
0x4d: {  	[tilespmem:$0x56E0] =	vst v0  }
0x4e: {  	[tilespmem:$0x40F0] =	vst v0  }
0x4f: {  	[tilespmem:$0x5770] =	vst v0  }
0x50: {  	[tilespmem:$0x4180] =	vst v0  }
0x51: {  	[tilespmem:$0x5800] =	vst v0  }
0x52: {  	[tilespmem:$0x4210] =	vst v0  }
0x53: {  	[tilespmem:$0x5890] =	vst v0  }
0x54: {  	[tilespmem:$0x42A0] =	vst v0  }
0x55: {  	[tilespmem:$0x5920] =	vst v0  }
0x56: {  	[tilespmem:$0x4330] =	vst v0  }
0x57: {  	[tilespmem:$0x59B0] =	vst v0  }
0x58: {  	[tilespmem:$0x43C0] =	vst v0  }
0x59: {  	[tilespmem:$0x5A40] =	vst v0  }
0x5a: {  	[tilespmem:$0x4450] =	vst v0  }
0x5b: {  	[tilespmem:$0x5AD0] =	vst v0  }
0x5c: {  	[tilespmem:$0x44E0] =	vst v0  }
0x5d: {  	[tilespmem:$0x5B60] =	vst v0  }
0x5e: {  	[tilespmem:$0x4570] =	vst v0  }
0x5f: {  	[tilespmem:$0x5BF0] =	vst v0  }
0x60: {  	[tilespmem:$0x4600] =	vst v0  }
0x61: {  	[tilespmem:$0x5C80] =	vst v0  }
0x62: {  	[tilespmem:$0x4690] =	vst v0  }
0x63: {  	[tilespmem:$0x5D10] =	vst v0  }
0x64: {  	[tilespmem:$0x4720] =	vst v0  }
0x65: {  	[tilespmem:$0x5DA0] =	vst v0  }
0x66: {  	[tilespmem:$0x47B0] =	vst v0  }
0x67: {  	[tilespmem:$0x5E30] =	vst v0  }
0x68: {  	[tilespmem:$0x4840] =	vst v0  }
0x69: {  	[tilespmem:$0x5EC0] =	vst v0  }
0x6a: {  	[tilespmem:$0x48D0] =	vst v0  }
0x6b: {  	[tilespmem:$0x5F50] =	vst v0  }
0x6c: {  	[tilespmem:$0x4960] =	vst v0  }
0x6d: {  	[tilespmem:$0x5FE0] =	vst v0  }
0x6e: {  	[bflag:$0x0] =	sbarrier.arrive $0xFFFF  }
0x6f: {  	s16 =	simm.s32 $0x0;
	s17 =	rddreg [dreg:$0x9]  }
0x70: {  	[tilespmem:s16], [sflag:$0x1] =	stream.linear.gather [hbm4b:s17+s16], $0x28, $0x38;
	[tilespmem:$0x1C7F0] =	vst v63  }
0x71: {  	s19 =	simm.s32 $0x50;
	s18 =	rddreg [dreg:$0xa]  }
0x72: {  	[tilespmem:s19], [sflag:$0x1] =	stream.linear.gather [hbm4b:s18+s16], $0x28, $0x38;
	[tilespmem:$0x1C7F0] =	vst v63  }
0x73: {  	s20 =	rddreg [dreg:$0xb]  }
0x74: {  	[tilespmem:s23], [sflag:$0x2] =	stream.linear.gather [hbm4b:s20+s16], $0x28, $0x38;
	[tilespmem:$0x1C7F0] =	vst v63  }
0x75: {  	s22 =	simm.s32 $0x78;
	s24 =	simm.s32 $0x1;
	s21 =	rddreg [dreg:$0xc]  }
0x76: {  	[tilespmem:s22], [sflag:$0x2] =	stream.linear.gather [hbm4b:s21+s16], $0x28, $0x38;
	[tilespmem:$0x1C7F0] =	vst v63  }
0x77: {  	_ =	swait.ge [sflag:s24], $0x28  }
0x78: {  	[sflag:s24] =	ssyncset.done $0x0  }
0x79: {  	[sflag:s24] =	ssyncadd.s32 $0xFFFFFFD8  }
0x7a: {  	_ =	swait.ge [sflag:s24], $0x28  }
0x7b: {  	[sflag:s24] =	ssyncset.done $0x0  }
0x7c: {  	[sflag:s24] =	ssyncadd.s32 $0xFFFFFFD8  }
0x7d: {  	[tilespmem:s26], [sflag:$0x5] =	stream.indirect.gather [hbm4b:s7+s23], $0x10, s16, s23, $0xb8;
	[tilespmem:$0x1C7F0] =	vst v63  }
0x7e: {  	_ = 	snop  }
0x7f: {  	[tilespmem:s28], [sflag:$0x5] =	stream.indirect.gather [hbm4b:s7+s23], $0x10, s19, s23, $0xb8;
	[tilespmem:$0x1C7F0] =	vst v63  }
0x80: {  	s25 =	simm.s32 $0xAF0;
	s29 =	simm.s32 $0x0;
	s1 =	rddreg [dreg:$0x1]  }
0x81: {  	[tilespmem:s25], [sflag:$0x5] =	stream.indirect.gather [hbm4b:s1+s23], $0x80, s16, s23, $0xb8;
	[tilespmem:$0x1C7F0] =	vst v63  }
.LBB2_2:
0x82: {  	_ =	swait.ge [sflag:s30], $0x28  }
0x83: {  	[sflag:s30] =	ssyncset.done $0x0  }
0x84: {  	[sflag:s30] =	ssyncadd.s32 $0xFFFFFFD8  }
0x85: {  	_ =	swait.ge [sflag:s30], $0x28  }
0x86: {  	[sflag:s30] =	ssyncset.done $0x0  }
0x87: {  	[sflag:s30] =	ssyncadd.s32 $0xFFFFFFD8  }
0x88: {  	[tilespmem:s31], [sflag:$0x6] =	stream.indirect.gather [hbm4b:s7+s23], $0x10, s23, s23, $0xb8;
	[tilespmem:$0x1C7F0] =	vst v63  }
0x89: {  	s1 =	simm.s32 $0x78  }
0x8a: {  	[tilespmem:s0], [sflag:$0x6] =	stream.indirect.gather [hbm4b:s7+s23], $0x10, s1, s23, $0xb8;
	[tilespmem:$0x1C7F0] =	vst v63  }
0x8b: {  	s2 =	simm.s32 $0x1EF0;
	s25 =	rddreg [dreg:$0x1]  }
0x8c: {  	[tilespmem:s2], [sflag:$0x6] =	stream.indirect.gather [hbm4b:s25+s23], $0x80, s23, s23, $0xb8;
	[tilespmem:$0x1C7F0] =	vst v63  }
0x8d: {  	_ =	swait.ge [sflag:s9], $0x280  }
0x8e: {  	[sflag:s9] =	ssyncset.done $0x0  }
0x8f: {  	[sflag:s9] =	ssyncadd.s32 $0xFFFFFD80  }
0x90: {  	_ =	swait.ge [sflag:s9], $0x280  }
0x91: {  	[sflag:s9] =	ssyncset.done $0x0  }
0x92: {  	p1 =	seq.s32 s29, $0x7C;
	[sflag:s9] =	ssyncadd.s32 $0xFFFFFD80  }
0x93: {  	s1 =	smul.u32 @!p1 $0x50, s29;
	_ =	swait.ge [sflag:s9], $0x1400  }
0x94: {  	p0 =	seq.s32 @!p1 s29, $0x0;
	s2 =	rddreg [dreg:$0xd]  }
0x95: {  	p0 =	por p1, !p0;
	[sflag:s9] =	ssyncset.done $0x0;
	s2 =	sadd.s32 @!p1 s1, s2  }
.Ltmp0:
0x96: {  	s3 =	rddreg [dreg:$0x4];
	s2 =	sshrl.u32 @!p1 s2, $0x3;
	(pc) =	sbr.rel @!p0 .LBB2_3-.Ltmp0, $4  }
0x97: {  	s22 =	simm.s32 @!p1 $0x0;
	[sflag:s9] =	ssyncadd.s32 $0xFFFFEC00;
	s3 =	sadd.s32 @!p1 s3, s2  }
0x98: {  	[tilespmem:s22], [sflag:$0x1] =	stream.linear.gather @!p1 [hbm4b:s3+s22], $0x28, $0x38;
	[tilespmem:$0x1C7F0] =	vst v63  }
0x99: {  	s2 =	sadd.s32 @!p1 s6, s2;
	s3 =	simm.s32 @!p1 $0x50  }
0x9a: {  	[tilespmem:s3], [sflag:$0x1] =	stream.linear.gather @!p1 [hbm4b:s2+s22], $0x28, $0x38;
	[tilespmem:$0x1C7F0] =	vst v63  }
.Ltmp1:
0x9b: {  	(pc) =	sbr.rel .LBB2_5-.Ltmp1, $4  }
0x9c: {  	s2 =	simm.s32 $0x7  }
0x9d: {  	_ =	swait.ge [sflag:s2], $0x1680  }
0x9e: {  	s1 =	simm.s32 @p1 $0x26C0;
	[sflag:s2] =	ssyncset.done $0x0  }
0x9f: {  	p0 =	por $0x0, $0x0;
	s22 =	smov.u32 s1;
	[sflag:s2] =	ssyncadd.s32 $0xFFFFE980  }
.LBB2_3:
0xa0: {  	p0 =	por @!p1 $0x1, $0x1  }
.LBB2_5:
0xa1: {  	v2 =	vld [tilespmem:$0x1FFC0];
	_ =	sdelay $0x2  }
0xa2: {  	v4 =	vld [tilespmem:$0x1FFD0]  }
0xa3: {  	s1 =	simm.s32 $0x2  }
0xa4: {  	v0 =	vor.u32 s1, v2  }
0xa5: {  	s25 =	simm.s32 $0x0;
	v21 =	vshll.u32 v0, $0x4  }
0xa6: {  	s2 =	rddreg [dreg:$0x5];
	v23 =	vor.u32 s25, v2;
	v22 =	vor.u32 v5, v21  }
0xa7: {  	s2 =	sadd.s32 s2, s22;
	v24 =	vshll.u32 v23, $0x4;
	v21 =	vor.u32 v4, v21  }
0xa8: {  	s2 =	sshrl.u32 s2, $0x3;
	v25 =	vor.u32 v5, v24  }
0xa9: {  	s3 =	simm.s32 $0xA0;
	s2 =	sadd.s32 s6, s2;
	v24 =	vor.u32 v4, v24  }
0xaa: {  	[tilespmem:s3], [sflag:$0x3] =	stream.linear.gather [hbm4b:s2+s25], $0x28, $0x38;
	[tilespmem:$0x1C7F0] =	vst v63  }
0xab: {  	v22 =	vld.idx.msk [tilespmem:v22+s28+$0x0], $0xffff  }
0xac: {  	v21 =	vld.idx.msk [tilespmem:v21+s26+$0x0], $0xffff  }
0xad: {  	v25 =	vld.idx.msk [tilespmem:v25+s28+$0x0], $0xffff  }
0xae: {  	v24 =	vld.idx.msk [tilespmem:v24+s26+$0x0], $0xffff;
	_ =	sdelay $0x3  }
0xaf: {  	v21 =	vadd.f32 v22, v21  }
0xb0: {  	v22 =	vadd.f32 v25, v24  }
0xb1: {  	v24 =	vmul.f32 $2.000000030e-01, v21  }
0xb2: {  	v25 =	vmul.f32 $2.000000030e-01, v22  }
0xb3: {  	v21 =	vmax.f32 v21, v24  }
0xb4: {  	v22 =	vmax.f32 v22, v25;
	v21 =	vmul.f32 $1.442695020e+00, v21  }
0xb5: {  	v22 =	vmul.f32 $1.442695020e+00, v22  }
0xb6: {  	(erf) = vpow2.f32 v21  }
0xb7: {  	v13 =	vld [tilespmem:$0x1FFE0];
	(erf) = vpow2.f32 v22;
	_ =	sdelay $0x2  }
0xb8: {  	v21 =	vmul.u32 $0x90, v23;
	_ =	sdelay $0x1  }
0xb9: {  	v21 =	vadd.s32 v13, v21;
	_ =	sdelay $0x1  }
0xba: {  	s3 =	simm.s32 $0x6  }
0xbb: {  	v22 =	vor.u32 s3, v2;
	v20 =	vpop (erf)  }
0xbc: {  	s4 =	simm.s32 $0x4;
	v23 =	vshll.u32 v22, $0x4;
	v14 =	vpop (erf)  }
0xbd: {  	s19 =	simm.s32 $0xBF0;
	v25 =	vor.u32 s4, v2;
	v24 =	vor.u32 v5, v23;
	[tilespmem:v21+s13+$0x0] =	vst.idx.msk $0xffff, v14  }
0xbe: {  	v21 =	vor.u32 v4, v23;
	v23 =	vshll.u32 v25, $0x4;
	v26 =	vld [tilespmem:s19+$0xFFFFFF00]  }
0xbf: {  	v27 =	vor.u32 v5, v23  }
0xc0: {  	v23 =	vor.u32 v4, v23  }
0xc1: {  	v28 =	vperm.xlane v14, v6  }
0xc2: {  	v0 =	vmul.u32 $0x90, v0;
	v24 =	vld.idx.msk [tilespmem:v24+s28+$0x0], $0xffff  }
0xc3: {  	v21 =	vld.idx.msk [tilespmem:v21+s26+$0x0], $0xffff;
	v26 =	vmul.f32 v26, v28  }
0xc4: {  	s16 =	simm.s32 $0x3410;
	v0 =	vadd.s32 v13, v0;
	v27 =	vld.idx.msk [tilespmem:v27+s28+$0x0], $0xffff  }
0xc5: {  	v23 =	vld.idx.msk [tilespmem:v23+s26+$0x0], $0xffff;
	[tilespmem:s16+$0xFFFFFEE0] =	vst v26  }
0xc6: {  	v26 =	vld [tilespmem:s19+$0xFFFFFF10];
	_ =	sdelay $0x2  }
0xc7: {  	[tilespmem:v0+s13+$0x0] =	vst.idx.msk $0xffff, v20;
	v0 =	vperm.xlane v14, v7;
	v21 =	vadd.f32 v24, v21  }
0xc8: {  	v24 =	vld [tilespmem:s19+$0x0];
	v23 =	vadd.f32 v27, v23  }
0xc9: {  	v27 =	vmul.f32 $2.000000030e-01, v21;
	v0 =	vmul.f32 v26, v0  }
0xca: {  	s5 =	simm.s32 $0xA;
	v26 =	vmul.f32 $2.000000030e-01, v23  }
0xcb: {  	v28 =	vperm.xlane v20, v6;
	v21 =	vmax.f32 v21, v27;
	v27 =	vor.u32 s5, v2;
	[tilespmem:s16+$0xFFFFFEF0] =	vst v0  }
0xcc: {  	v0 =	vmul.f32 $1.442695020e+00, v21;
	v21 =	vshll.u32 v27, $0x4;
	v23 =	vmax.f32 v23, v26;
	v26 =	vld [tilespmem:s19+$0xFFFFFF20]  }
0xcd: {  	v24 =	vmul.f32 v24, v28;
	v29 =	vor.u32 v5, v21;
	v23 =	vmul.f32 $1.442695020e+00, v23  }
0xce: {  	s8 =	simm.s32 $0x8;
	(erf) = vpow2.f32 v0;
	v0 =	vor.u32 v4, v21  }
0xcf: {  	[tilespmem:s16+$0x0] =	vst v24;
	v21 =	vperm.xlane v14, v8;
	(erf) = vpow2.f32 v23;
	v23 =	vor.u32 s8, v2  }
0xd0: {  	v24 =	vld [tilespmem:s19+$0x10];
	v28 =	vshll.u32 v23, $0x4  }
0xd1: {  	v30 =	vor.u32 v5, v28;
	v21 =	vmul.f32 v26, v21  }
0xd2: {  	v25 =	vmul.u32 $0x90, v25;
	v26 =	vld.idx.msk [tilespmem:v29+s28+$0x0], $0xffff;
	v29 =	vor.u32 v4, v28  }
0xd3: {  	v28 =	vperm.xlane v20, v7;
	v0 =	vld.idx.msk [tilespmem:v0+s26+$0x0], $0xffff;
	[tilespmem:s16+$0xFFFFFF00] =	vst v21  }
0xd4: {  	v21 =	vadd.s32 v13, v25;
	v25 =	vld [tilespmem:s19+$0xFFFFFF30]  }
0xd5: {  	v24 =	vmul.f32 v24, v28  }
0xd6: {  	v30 =	vld.idx.msk [tilespmem:v30+s28+$0x0], $0xffff  }
0xd7: {  	[tilespmem:s16+$0x10] =	vst v24;
	v28 =	vpop (erf);
	v24 =	vld.idx.msk [tilespmem:v29+s26+$0x0], $0xffff;
	v29 =	vperm.xlane v14, v9  }
0xd8: {  	v32 =	vpop (erf)  }
0xd9: {  	s8 =	simm.s32 $0xDF0;
	v31 =	vld [tilespmem:s19+$0x20];
	v0 =	vadd.f32 v26, v0;
	[tilespmem:v21+s13+$0x0] =	vst.idx.msk $0xffff, v32;
	v21 =	vmul.f32 v25, v29  }
0xda: {  	v22 =	vmul.u32 $0x90, v22;
	v25 =	vld [tilespmem:s8+$0xFFFFFF00]  }
0xdb: {  	v29 =	vmul.f32 $2.000000030e-01, v0;
	[tilespmem:s16+$0xFFFFFF10] =	vst v21  }
0xdc: {  	v26 =	vperm.xlane v20, v8;
	v21 =	vadd.s32 v13, v22;
	v22 =	vadd.f32 v30, v24;
	v24 =	vld [tilespmem:s19+$0xFFFFFF40]  }
0xdd: {  	s11 =	simm.s32 $0xE;
	v33 =	vperm.xlane v14, v3;
	v0 =	vmax.f32 v0, v29;
	v29 =	vperm.xlane v32, v6  }
0xde: {  	v26 =	vmul.f32 v31, v26;
	v30 =	vor.u32 s11, v2;
	v31 =	vmul.f32 $2.000000030e-01, v22  }
0xdf: {  	v0 =	vmul.f32 $1.442695020e+00, v0;
	v25 =	vmul.f32 v25, v29;
	v29 =	vshll.u32 v30, $0x4  }
0xe0: {  	s12 =	simm.s32 $0xC;
	[tilespmem:s16+$0x20] =	vst v26;
	v34 =	vor.u32 v4, v29;
	v29 =	vor.u32 v5, v29;
	v22 =	vmax.f32 v22, v31  }
0xe1: {  	s21 =	simm.s32 $0x3650;
	v26 =	vld [tilespmem:s19+$0x30];
	[tilespmem:v21+s13+$0x0] =	vst.idx.msk $0xffff, v28;
	v21 =	vmul.f32 $1.442695020e+00, v22;
	v22 =	vor.u32 s12, v2;
	v24 =	vmul.f32 v24, v33  }
0xe2: {  	(erf) = vpow2.f32 v0;
	[tilespmem:s21+$0xFFFFFEE0] =	vst v25;
	v0 =	vld [tilespmem:s8+$0x0];
	v25 =	vshll.u32 v22, $0x4  }
0xe3: {  	v31 =	vld [tilespmem:s8+$0xFFFFFF10];
	(erf) = vpow2.f32 v21;
	v21 =	vor.u32 v5, v25;
	[tilespmem:s16+$0xFFFFFF20] =	vst v24  }
0xe4: {  	v25 =	vor.u32 v4, v25;
	v59 =	vld [tilespmem:s19+$0xFFFFFF50]  }
0xe5: {  	v27 =	vmul.u32 $0x90, v27;
	v24 =	vperm.xlane v20, v9;
	v29 =	vld.idx.msk [tilespmem:v29+s28+$0x0], $0xffff  }
0xe6: {  	v35 =	vperm.xlane v32, v7;
	v34 =	vld.idx.msk [tilespmem:v34+s26+$0x0], $0xffff  }
0xe7: {  	v27 =	vadd.s32 v13, v27;
	v36 =	vperm.xlane v28, v6;
	v24 =	vmul.f32 v26, v24  }
0xe8: {  	v23 =	vmul.u32 $0x90, v23;
	v26 =	vperm.xlane v14, v10;
	v31 =	vmul.f32 v31, v35;
	v21 =	vld.idx.msk [tilespmem:v21+s28+$0x0], $0xffff  }
0xe9: {  	v0 =	vmul.f32 v0, v36;
	[tilespmem:s16+$0x30] =	vst v24;
	v25 =	vld.idx.msk [tilespmem:v25+s26+$0x0], $0xffff  }
0xea: {  	v60 =	vadd.s32 v13, v23;
	[tilespmem:s21+$0xFFFFFEF0] =	vst v31;
	v24 =	vmul.f32 v59, v26;
	v26 =	vld [tilespmem:s19+$0x40]  }
0xeb: {  	[tilespmem:s21+$0x0] =	vst v0;
	v29 =	vadd.f32 v29, v34;
	v31 =	vld [tilespmem:s8+$0xFFFFFF20]  }
0xec: {  	v63 =	vperm.xlane v20, v3;
	v61 =	vperm.xlane v28, v7;
	v23 =	vpop (erf);
	v37 =	vld [tilespmem:s8+$0x10];
	[tilespmem:s16+$0xFFFFFF30] =	vst v24  }
0xed: {  	s2 =	simm.s32 $0xFF0;
	v45 =	vperm.xlane v32, v8;
	[tilespmem:v27+s13+$0x0] =	vst.idx.msk $0xffff, v23;
	v39 =	vmul.f32 $2.000000030e-01, v29;
	v0 =	vld [tilespmem:s19+$0xFFFFFF60]  }
0xee: {  	v55 =	vperm.xlane v32, v3;
	v44 =	vperm.xlane v23, v6;
	v46 =	vld [tilespmem:s2+$0x0];
	v24 =	vpop (erf)  }
0xef: {  	v29 =	vmax.f32 v29, v39;
	[tilespmem:v60+s13+$0x0] =	vst.idx.msk $0xffff, v24;
	v26 =	vmul.f32 v26, v63  }
0xf0: {  	v27 =	vperm.xlane v14, v11;
	v21 =	vadd.f32 v21, v25;
	v29 =	vmul.f32 $1.442695020e+00, v29;
	v41 =	vld [tilespmem:s2+$0xFFFFFF00]  }
0xf1: {  	v25 =	vmul.f32 v31, v45;
	v33 =	vmul.f32 v37, v61;
	[tilespmem:s16+$0x40] =	vst v26  }
0xf2: {  	v47 =	vmul.f32 $2.000000030e-01, v21;
	v0 =	vmul.f32 v0, v27;
	v31 =	vld [tilespmem:s19+$0x50]  }
0xf3: {  	s14 =	simm.s32 $0x12;
	v22 =	vmul.u32 $0x90, v22;
	v50 =	vmul.f32 v46, v44;
	v26 =	vperm.xlane v24, v6;
	[tilespmem:s21+$0xFFFFFF00] =	vst v25  }
0xf4: {  	(erf) = vpow2.f32 v29;
	v21 =	vmax.f32 v21, v47;
	v27 =	vor.u32 s14, v2;
	[tilespmem:s16+$0xFFFFFF40] =	vst v0;
	v0 =	vld [tilespmem:s8+$0xFFFFFF30]  }
0xf5: {  	s1 =	simm.s32 $0x3890;
	v29 =	vperm.xlane v20, v10;
	[tilespmem:s21+$0x10] =	vst v33;
	v25 =	vmul.f32 v41, v26;
	v26 =	vshll.u32 v27, $0x4  }
0xf6: {  	v42 =	vadd.s32 v13, v22;
	[tilespmem:s1+$0x0] =	vst v50;
	v21 =	vmul.f32 $1.442695020e+00, v21;
	v48 =	vld [tilespmem:s19+$0xFFFFFF70];
	v49 =	vor.u32 v5, v26  }
0xf7: {  	v22 =	vmul.u32 $0x90, v30;
	v51 =	vld [tilespmem:s8+$0x20];
	[tilespmem:s1+$0xFFFFFEE0] =	vst v25;
	v25 =	vmul.f32 v31, v29;
	v29 =	vperm.xlane v32, v9  }
0xf8: {  	v30 =	vperm.xlane v28, v9;
	v53 =	vld [tilespmem:s2+$0x10];
	(erf) = vpow2.f32 v21;
	v26 =	vor.u32 v4, v26  }
0xf9: {  	v21 =	vperm.xlane v14, v12;
	v52 =	vld [tilespmem:s2+$0xFFFFFF10];
	[tilespmem:s16+$0x50] =	vst v25;
	v0 =	vmul.f32 v0, v29  }
0xfa: {  	v36 =	vperm.xlane v20, v40;
	v35 =	vperm.xlane v32, v10;
	v47 =	vadd.s32 v13, v22;
	v29 =	vld [tilespmem:s19+$0x60]  }
0xfb: {  	s17 =	simm.s32 $0x10;
	v25 =	vperm.xlane v28, v8;
	v21 =	vmul.f32 v48, v21;
	v37 =	vld.idx.msk [tilespmem:v49+s28+$0x0], $0xffff;
	[tilespmem:s21+$0xFFFFFF10] =	vst v0  }
0xfc: {  	v44 =	vor.u32 s17, v2;
	v56 =	vperm.xlane v24, v7;
	v33 =	vperm.xlane v28, v40;
	v54 =	vld [tilespmem:s8+$0xFFFFFF40]  }
0xfd: {  	v46 =	vshll.u32 v44, $0x4;
	v0 =	vperm.xlane v23, v7;
	v25 =	vmul.f32 v51, v25;
	v26 =	vld.idx.msk [tilespmem:v26+s26+$0x0], $0xffff;
	[tilespmem:s16+$0xFFFFFF50] =	vst v21  }
0xfe: {  	v57 =	vor.u32 v4, v46;
	v50 =	vperm.xlane v24, v8;
	v21 =	vperm.xlane v20, v11;
	v43 =	vld [tilespmem:s19+$0xFFFFFF80]  }
0xff: {  	v31 =	vperm.xlane v24, v10;
	v61 =	vpop (erf);
	v0 =	vmul.f32 v53, v0;
	[tilespmem:s21+$0x20] =	vst v25  }
0x100: {  	v51 =	vperm.xlane v23, v8;
	[tilespmem:v47+s13+$0x0] =	vst.idx.msk $0xffff, v61;
	v45 =	vld [tilespmem:s8+$0x30];
	v25 =	vmul.f32 v29, v21  }
0x101: {  	[tilespmem:s1+$0x10] =	vst v0;
	v0 =	vperm.xlane v14, v1;
	v34 =	vmul.f32 v54, v55  }
0x102: {  	v47 =	vperm.xlane v23, v9;
	v58 =	vmul.f32 v52, v56;
	v48 =	vld [tilespmem:s2+$0x20];
	[tilespmem:s16+$0x60] =	vst v25;
	v25 =	vor.u32 v5, v46  }
0x103: {  	v22 =	vpop (erf);
	v26 =	vadd.f32 v37, v26;
	v37 =	vld.idx.msk [tilespmem:v57+s26+$0x0], $0xffff;
	v0 =	vmul.f32 v43, v0;
	[tilespmem:s21+$0xFFFFFF20] =	vst v34  }
0x104: {  	s17 =	simm.s32 $0x11F0;
	v56 =	vperm.xlane v14, v18;
	[tilespmem:v42+s13+$0x0] =	vst.idx.msk $0xffff, v22;
	v42 =	vperm.xlane v61, v6;
	v59 =	vld [tilespmem:s8+$0xFFFFFF50]  }
0x105: {  	v57 =	vld [tilespmem:s17+$0x0];
	v60 =	vmul.f32 $2.000000030e-01, v26;
	[tilespmem:s16+$0xFFFFFF70] =	vst v0;
	v0 =	vmul.f32 v45, v30  }
0x106: {  	v39 =	vperm.xlane v22, v10;
	v29 =	vperm.xlane v23, v40;
	[tilespmem:s1+$0xFFFFFEF0] =	vst v58;
	v63 =	vld [tilespmem:s19+$0xFFFFFF90]  }
0x107: {  	v58 =	vperm.xlane v22, v6;
	v52 =	vld.idx.msk [tilespmem:v25+s28+$0x0], $0xffff;
	[tilespmem:s21+$0x30] =	vst v0;
	v25 =	vmax.f32 v26, v60  }
0x108: {  	v19 =	vmov v5;
	v5 =	vperm.xlane v61, v40;
	v26 =	vld [tilespmem:s8+$0x40];
	v25 =	vmul.f32 $1.442695020e+00, v25  }
0x109: {  	v55 =	vperm.xlane v14, v17;
	v35 =	vmul.f32 v59, v35;
	v59 =	vld [tilespmem:s2+$0xFFFFFF20]  }
0x10a: {  	s18 =	simm.s32 $0x16;
	v43 =	vld [tilespmem:s17+$0xFFFFFF00];
	v34 =	vperm.xlane v24, v9;
	(erf) = vpow2.f32 v25  }
0x10b: {  	v38 =	vor.u32 s18, v2;
	v49 =	vld [tilespmem:s19+$0x70];
	v25 =	vperm.xlane v28, v3;
	v46 =	vmul.f32 v63, v56;
	[tilespmem:s21+$0xFFFFFF30] =	vst v35  }
0x10c: {  	v30 =	vperm.xlane v61, v7;
	v42 =	vmul.f32 v57, v42;
	v60 =	vshll.u32 v38, $0x4;
	v53 =	vld [tilespmem:s8+$0xFFFFFF60];
	[tilespmem:$0x1FF90] =	vst v5  }
0x10d: {  	s24 =	simm.s32 $0x3AD0;
	v45 =	vmul.f32 v48, v51;
	v18 =	vor.u32 v4, v60;
	v26 =	vmul.f32 v26, v25;
	[tilespmem:s16+$0xFFFFFF80] =	vst v46  }
0x10e: {  	v63 =	vor.u32 v19, v60;
	v37 =	vadd.f32 v52, v37;
	[tilespmem:s24+$0x0] =	vst v42;
	v46 =	vld [tilespmem:s19+$0xFFFFFFA0];
	v35 =	vmul.f32 v59, v50  }
0x10f: {  	v41 =	vmul.f32 v43, v58;
	[tilespmem:s21+$0x40] =	vst v26;
	v26 =	vperm.xlane v32, v11;
	v58 =	vld [tilespmem:s17+$0x10]  }
0x110: {  	v57 =	vperm.xlane v14, v15;
	v52 =	vmul.f32 $2.000000030e-01, v37;
	v48 =	vld [tilespmem:s8+$0x50];
	[tilespmem:s1+$0xFFFFFF00] =	vst v35  }
0x111: {  	v51 =	vperm.xlane v32, v1;
	v53 =	vmul.f32 v53, v26;
	v15 =	vld [tilespmem:s2+$0xFFFFFF30]  }
0x112: {  	v0 =	vperm.xlane v20, v12;
	v18 =	vld.idx.msk [tilespmem:v18+s26+$0x0], $0xffff;
	v59 =	vperm.xlane v28, v10;
	v37 =	vmax.f32 v37, v52  }
0x113: {  	v43 =	vld.idx.msk [tilespmem:v63+s28+$0x0], $0xffff;
	v60 =	vmul.f32 $1.442695020e+00, v37;
	v63 =	vmul.f32 v46, v57;
	[tilespmem:s21+$0xFFFFFF40] =	vst v53  }
0x114: {  	v0 =	vmul.f32 v49, v0;
	v49 =	vperm.xlane v22, v8;
	[tilespmem:s24+$0xFFFFFEE0] =	vst v41;
	v53 =	vld [tilespmem:s8+$0xFFFFFF70]  }
0x115: {  	v56 =	vld [tilespmem:s17+$0xFFFFFF10];
	v26 =	vpop (erf);
	(erf) = vpow2.f32 v60;
	v48 =	vmul.f32 v48, v59;
	[tilespmem:s16+$0xFFFFFF90] =	vst v63  }
0x116: {  	[tilespmem:s16+$0x70] =	vst v0;
	v0 =	vmul.f32 v58, v30;
	v37 =	vld [tilespmem:s19+$0xFFFFFFB0];
	v30 =	vmul.f32 v15, v34  }
0x117: {  	v41 =	vperm.xlane v22, v7;
	v60 =	vld [tilespmem:s19+$0x80];
	v57 =	vperm.xlane v32, v12;
	[tilespmem:s21+$0x50] =	vst v48  }
0x118: {  	v35 =	vperm.xlane v24, v3;
	v46 =	vperm.xlane v26, v6;
	v54 =	vld [tilespmem:s8+$0x60];
	[tilespmem:s1+$0xFFFFFF10] =	vst v30  }
0x119: {  	v44 =	vmul.u32 $0x90, v44;
	v58 =	vperm.xlane v14, v16;
	[tilespmem:s24+$0x10] =	vst v0;
	v59 =	vmul.f32 v53, v57;
	v42 =	vld [tilespmem:s2+$0xFFFFFF40]  }
0x11a: {  	v27 =	vmul.u32 $0x90, v27;
	v16 =	vperm.xlane v28, v11;
	v63 =	vperm.xlane v20, v1;
	v53 =	vld [tilespmem:s17+$0x20]  }
0x11b: {  	s20 =	simm.s32 $0x14;
	v30 =	vadd.f32 v43, v18;
	v43 =	vadd.s32 v13, v44;
	[tilespmem:s21+$0xFFFFFF50] =	vst v59;
	v17 =	vmul.f32 v37, v58  }
0x11c: {  	[tilespmem:s1+$0x20] =	vst v45;
	v52 =	vmul.f32 v56, v41;
	v50 =	vmul.f32 v60, v63;
	v57 =	vor.u32 s20, v2;
	v44 =	vld [tilespmem:s8+$0xFFFFFF80]  }
0x11d: {  	v5 =	vmovc v19;
	v59 =	vshll.u32 v57, $0x4;
	v18 =	vmul.f32 v54, v16;
	v54 =	vperm.xlane v61, v8;
	[tilespmem:s16+$0xFFFFFFA0] =	vst v17  }
0x11e: {  	v41 =	vperm.xlane v26, v7;
	[tilespmem:s16+$0x90] =	vst v50;
	v56 =	vmul.f32 $2.000000030e-01, v30;
	v34 =	vor.u32 v5, v59;
	v58 =	vld [tilespmem:s19+$0xFFFFFFC0]  }
0x11f: {  	v48 =	vadd.s32 v13, v27;
	v27 =	vpop (erf);
	[tilespmem:s21+$0x60] =	vst v18;
	v42 =	vmul.f32 v42, v35;
	v35 =	vld [tilespmem:s2+$0x30];
	v7 =	vmul.f32 v53, v54  }
0x120: {  	v11 =	vimm.s32 $0x9;
	v1 =	vmovc v2;
	v2 =	vmov v4;
	v30 =	vmax.f32 v30, v56;
	[tilespmem:v43+s13+$0x0] =	vst.idx.msk $0xffff, v27;
	v60 =	vld [tilespmem:s8+$0x70]  }
0x121: {  	s3 =	simm.s32 $0x13F0;
	v56 =	vor.u32 v2, v59;
	v30 =	vmul.f32 $1.442695020e+00, v30;
	v59 =	vmul.f32 v44, v51;
	v51 =	vld [tilespmem:s19+$0x90];
	[tilespmem:$0x1FFA0] =	vst v7  }
0x122: {  	v0 =	vperm.xlane v28, v12;
	v63 =	vperm.xlane v20, v11;
	v53 =	vld [tilespmem:s3+$0xFFFFFF00]  }
0x123: {  	v3 =	vimm.s32 $0x0;
	v37 =	vperm.xlane v27, v10;
	(erf) = vpow2.f32 v30;
	[tilespmem:s1+$0xFFFFFF20] =	vst v42;
	v45 =	vld.idx.msk [tilespmem:v34+s28+$0x0], $0xffff  }
0x124: {  	v42 =	vperm.xlane v27, v3;
	v54 =	vld [tilespmem:s2+$0xFFFFFF50];
	[tilespmem:s21+$0xFFFFFF70] =	vst v59;
	v47 =	vmul.f32 v35, v47  }
0x125: {  	v15 =	vimm.s32 $0x3;
	[tilespmem:v48+s13+$0x0] =	vst.idx.msk $0xffff, v26;
	v43 =	vld [tilespmem:s8+$0xFFFFFF90];
	v35 =	vmul.f32 v60, v0;
	v0 =	vperm.xlane v20, v62  }
0x126: {  	v21 =	vmovc v61;
	v9 =	vimm.s32 $0xA;
	v44 =	vperm.xlane v61, v15;
	v56 =	vld.idx.msk [tilespmem:v56+s26+$0x0], $0xffff;
	[tilespmem:s1+$0x30] =	vst v47;
	v61 =	vmul.f32 v51, v63  }
0x127: {  	v19 =	vimm.s32 $0x1;
	v30 =	vperm.xlane v26, v40;
	v42 =	vmul.f32 v53, v42;
	v53 =	vld [tilespmem:s3+$0x0];
	[tilespmem:$0x1FFB0] =	vst v0  }
0x128: {  	v8 =	vimm.s32 $0xB;
	v55 =	vmul.f32 v58, v55;
	v63 =	vperm.xlane v32, v11;
	[tilespmem:s16+$0xA0] =	vst v61  }
0x129: {  	s11 =	simm.s32 $0x3D10;
	v16 =	vimm.s32 $0x4;
	v58 =	vperm.xlane v20, v9;
	v31 =	vmul.f32 v54, v31;
	v47 =	vld [tilespmem:s2+$0x40];
	[tilespmem:s24+$0xFFFFFEF0] =	vst v52  }
0x12a: {  	s4 =	simm.s32 $0x1A;
	v17 =	vimm.s32 $0x6;
	v59 =	vperm.xlane v20, v8;
	[tilespmem:s11+$0xFFFFFEE0] =	vst v42;
	v34 =	vmul.f32 v43, v63;
	v43 =	vld [tilespmem:s19+$0xA0]  }
0x12b: {  	v60 =	vperm.xlane v14, v40;
	v56 =	vadd.f32 v45, v56;
	v54 =	vor.u32 s4, v1;
	v50 =	vld [tilespmem:s3+$0xFFFFFF10];
	[tilespmem:s1+$0xFFFFFF30] =	vst v31  }
0x12c: {  	v62 =	vperm.xlane v27, v19;
	[tilespmem:s16+$0xFFFFFFB0] =	vst v55;
	v42 =	vperm.xlane v23, v16;
	v31 =	vshll.u32 v54, $0x4;
	v61 =	vld [tilespmem:s2+$0xFFFFFF60]  }
0x12d: {  	v0 =	vmul.f32 $2.000000030e-01, v56;
	[tilespmem:s21+$0xFFFFFF80] =	vst v34;
	v55 =	vor.u32 v2, v31;
	v34 =	vmul.f32 v53, v46;
	v53 =	vld [tilespmem:s17+$0xFFFFFF20]  }
0x12e: {  	v7 =	vimm.s32 $0xD;
	v52 =	vperm.xlane v24, v17;
	v63 =	vld [tilespmem:s8+$0xFFFFFFA0];
	v42 =	vmul.f32 v47, v42  }
0x12f: {  	v0 =	vmax.f32 v56, v0;
	v56 =	vperm.xlane v14, v7;
	v46 =	vor.u32 v5, v31;
	[tilespmem:s11+$0x0] =	vst v34;
	v34 =	vld [tilespmem:s19+$0xFFFFFFD0]  }
0x130: {  	v0 =	vmul.f32 $1.442695020e+00, v0;
	v43 =	vmul.f32 v43, v58;
	[tilespmem:s1+$0x40] =	vst v42;
	v42 =	vld [tilespmem:s3+$0x10]  }
0x131: {  	v58 =	vperm.xlane v32, v9;
	v40 =	vmul.f32 v61, v52;
	v52 =	vld [tilespmem:s2+$0x50]  }
0x132: {  	v31 =	vpop (erf);
	(erf) = vpow2.f32 v0;
	[tilespmem:s16+$0xB0] =	vst v43;
	v0 =	vld.idx.msk [tilespmem:v55+s26+$0x0], $0xffff;
	v53 =	vmul.f32 v53, v49  }
0x133: {  	v12 =	vimm.s32 $0x7;
	v47 =	vmul.f32 v50, v62;
	v9 =	vld [tilespmem:s19+$0xB0];
	v58 =	vmul.f32 v63, v58;
	[tilespmem:s1+$0xFFFFFF40] =	vst v40  }
0x134: {  	v4 =	vmovc v13;
	v13 =	vimm.s32 $0x5;
	v43 =	vperm.xlane v31, v19;
	v62 =	vld.idx.msk [tilespmem:v46+s28+$0x0], $0xffff;
	[tilespmem:s24+$0xFFFFFF00] =	vst v53;
	v34 =	vmul.f32 v34, v56  }
0x135: {  	v18 =	vimm.s32 $0x2;
	v63 =	vperm.xlane v23, v13;
	[tilespmem:s21+$0xFFFFFF90] =	vst v58;
	v41 =	vmul.f32 v42, v41;
	v50 =	vld [tilespmem:s17+$0xFFFFFF30]  }
0x136: {  	v19 =	vperm.xlane v24, v12;
	v46 =	vperm.xlane v27, v18;
	v42 =	vld [tilespmem:s2+$0xFFFFFF70];
	[tilespmem:s16+$0xFFFFFFC0] =	vst v34  }
0x137: {  	v40 =	vperm.xlane v22, v15;
	v49 =	vmul.f32 v52, v63;
	[tilespmem:s11+$0x10] =	vst v41;
	v41 =	vld [tilespmem:s8+$0xFFFFFFB0]  }
0x138: {  	[tilespmem:s21+$0x70] =	vst v35;
	v52 =	vperm.xlane v23, v12;
	v9 =	vmul.f32 v9, v59;
	v58 =	vld [tilespmem:s19+$0xFFFFFFE0]  }
0x139: {  	v0 =	vadd.f32 v62, v0;
	v62 =	vperm.xlane v26, v18;
	v18 =	vmul.u32 $0x90, v57;
	[tilespmem:s1+$0x50] =	vst v49  }
0x13a: {  	v59 =	vld [tilespmem:s2+$0x60];
	[tilespmem:s16+$0xC0] =	vst v9;
	v9 =	vperm.xlane v32, v8;
	v50 =	vmul.f32 v50, v40  }
0x13b: {  	v8 =	vmul.u32 $0x90, v38;
	v38 =	vld [tilespmem:s8+$0x80];
	v35 =	vadd.s32 v4, v18;
	v42 =	vmul.f32 v42, v19  }
0x13c: {  	v12 =	vmul.f32 $2.000000030e-01, v0;
	v61 =	vld [tilespmem:s19+$0xC0];
	v9 =	vmul.f32 v41, v9;
	[tilespmem:s24+$0xFFFFFF10] =	vst v50  }
0x13d: {  	v10 =	vimm.s32 $0x8;
	v19 =	vperm.xlane v23, v17;
	[tilespmem:s1+$0xFFFFFF50] =	vst v42;
	v40 =	vmul.f32 v58, v60  }
0x13e: {  	v6 =	vimm.s32 $0xC;
	v53 =	vperm.xlane v28, v10;
	[tilespmem:s21+$0xFFFFFFA0] =	vst v9  }
0x13f: {  	v48 =	vperm.xlane v20, v6;
	v34 =	vpop (erf);
	v0 =	vmax.f32 v0, v12;
	v17 =	vld [tilespmem:s17+$0xFFFFFF40];
	v49 =	vmul.f32 v59, v19;
	[tilespmem:s16+$0xFFFFFFD0] =	vst v40  }
0x140: {  	v0 =	vmul.f32 $1.442695020e+00, v0;
	v38 =	vmul.f32 v38, v53;
	[tilespmem:v35+s13+$0x0] =	vst.idx.msk $0xffff, v34  }
0x141: {  	s25 =	simm.s32 $0x18;
	v18 =	vld [tilespmem:s2+$0xFFFFFF80];
	v48 =	vmul.f32 v61, v48;
	[tilespmem:s1+$0x60] =	vst v49  }
0x142: {  	v9 =	vperm.xlane v22, v16;
	(erf) = vpow2.f32 v0;
	v0 =	vor.u32 s25, v1;
	[tilespmem:s21+$0x90] =	vst v38  }
0x143: {  	v50 =	vadd.s32 v4, v8;
	v8 =	vperm.xlane v24, v10;
	v49 =	vmul.u32 $0x90, v0;
	[tilespmem:s16+$0xD0] =	vst v48  }
0x144: {  	v48 =	vperm.xlane v26, v15;
	v15 =	vmul.f32 v17, v9;
	v17 =	vshll.u32 v0, $0x4;
	v0 =	vld [tilespmem:$0x1FFA0]  }
0x145: {  	v56 =	vld [tilespmem:s3+$0x20]  }
0x146: {  	v19 =	vld [tilespmem:s8+$0xFFFFFFC0];
	v57 =	vmul.f32 v18, v8  }
0x147: {  	v16 =	vld [tilespmem:s19+$0xFFFFFFF0];
	[tilespmem:s24+$0xFFFFFF20] =	vst v15  }
0x148: {  	v10 =	vld [tilespmem:s2+$0x70];
	[tilespmem:s1+$0xFFFFFF70] =	vst v57  }
0x149: {  	v51 =	vperm.xlane v28, v11;
	v41 =	vperm.xlane v34, v13;
	v13 =	vld [tilespmem:s19+$0xD0];
	[tilespmem:s24+$0x20] =	vst v0  }
0x14a: {  	s12 =	simm.s32 $0x15F0;
	v45 =	vperm.xlane v31, v3;
	v55 =	vperm.xlane v32, v6;
	v0 =	vld [tilespmem:$0x1FFB0]  }
0x14b: {  	v25 =	vimm.s32 $0xE;
	v42 =	vmul.f32 v56, v62;
	v56 =	vperm.xlane v34, v3;
	v58 =	vld [tilespmem:s12+$0xFFFFFF00]  }
0x14c: {  	v3 =	vimm.s32 $0xF;
	v59 =	vld [tilespmem:s8+$0x90];
	v61 =	vor.u32 v5, v17;
	v62 =	vmul.f32 v19, v55  }
0x14d: {  	v12 =	vmul.u32 $0x90, v54;
	v19 =	vperm.xlane v14, v3;
	v54 =	vld [tilespmem:s17+$0xFFFFFF50];
	v18 =	vmul.f32 v10, v52  }
0x14e: {  	s18 =	simm.s32 $0x17F0;
	s5 =	simm.s32 $0x3F50;
	v35 =	vperm.xlane v31, v25;
	v53 =	vperm.xlane v20, v3;
	v55 =	vor.u32 v2, v17;
	v60 =	vld [tilespmem:s17+$0x30]  }
0x14f: {  	s14 =	simm.s32 $0xC;
	s20 =	simm.s32 $0x1C;
	s4 =	simm.s32 $0x3F50;
	v63 =	vld [tilespmem:s2+$0xFFFFFF90];
	v52 =	vadd.s32 v4, v12;
	v57 =	vmul.f32 v16, v19;
	[tilespmem:s1+$0x70] =	vst v18;
	v0 =	vmul.f32 v13, v0  }
.LBB2_6:
0x150: {  	v17 =	vimm.s32 $0x9  }
0x151: {  	s25 =	sadd.s32 $0x2, s20;
	v61 =	vld.idx.msk [tilespmem:v61+s28+$0x0], $0xffff;
	v18 =	vimm.s32 $0xD;
	v3 =	vperm.xlane v24, v17;
	[tilespmem:s16+$0xE0] =	vst v0  }
0x152: {  	v0 =	vor.u32 s25, v1;
	[tilespmem:s21+$0xFFFFFFB0] =	vst v62;
	v56 =	vmul.f32 v58, v56;
	v14 =	vmul.f32 v59, v51;
	v59 =	vld [tilespmem:s19+$0xE0]  }
0x153: {  	v8 =	vshll.u32 v0, $0x4;
	v51 =	vmul.u32 $0x90, v0;
	v0 =	vld.idx.msk [tilespmem:v55+s26+$0x0], $0xffff;
	[tilespmem:v50+s13+$0x0] =	vst.idx.msk $0xffff, v31;
	v44 =	vmul.f32 v60, v44  }
0x154: {  	v38 =	vmovc v21;
	v9 =	vimm.s32 $0xA;
	v40 =	vperm.xlane v28, v18;
	v18 =	vperm.xlane v32, v18;
	[tilespmem:s5+$0xFFFFFEE0] =	vst v56;
	v6 =	vld [tilespmem:s12+$0x0]  }
0x155: {  	v21 =	vmovc v26;
	v26 =	vmov v31;
	v58 =	vperm.xlane v28, v9;
	v10 =	vmul.f32 v54, v39;
	v7 =	vld [tilespmem:s12+$0xFFFFFF10];
	[tilespmem:s24+$0x30] =	vst v44  }
0x156: {  	v25 =	vimm.s32 $0x0;
	v62 =	vor.u32 v5, v8;
	v54 =	vmovc v22;
	v22 =	vmovc v27;
	v3 =	vmul.f32 v63, v3;
	v50 =	vld [tilespmem:s17+$0x40];
	[tilespmem:s21+$0xA0] =	vst v14  }
0x157: {  	v27 =	vmov v34;
	v39 =	vmov v37;
	v60 =	vor.u32 v2, v8;
	v15 =	vpop (erf);
	[tilespmem:s24+$0xFFFFFF30] =	vst v10;
	v8 =	vld [tilespmem:s8+$0xA0]  }
0x158: {  	v37 =	vmovc v41;
	v31 =	vmovc v15;
	v15 =	vimm.s32 $0x4;
	v14 =	vimm.s32 $0x1;
	v11 =	vmul.f32 v59, v36;
	v59 =	vld [tilespmem:s17+$0xFFFFFF60];
	[tilespmem:s1+$0xFFFFFF80] =	vst v3  }
0x159: {  	v41 =	vperm.xlane v31, v25;
	v34 =	vperm.xlane v27, v14;
	v0 =	vadd.f32 v61, v0;
	v61 =	vld [tilespmem:s2+$0xFFFFFFA0];
	[tilespmem:s11+$0xFFFFFEF0] =	vst v47  }
0x15a: {  	v44 =	vmov v48;
	v48 =	vperm.xlane v38, v15;
	v3 =	vperm.xlane v24, v9;
	[tilespmem:s16+$0xF0] =	vst v11;
	v12 =	vld [tilespmem:s3+$0xFFFFFF20]  }
0x15b: {  	v16 =	vimm.s32 $0x6;
	v6 =	vmul.f32 v6, v45;
	v11 =	vmul.f32 $2.000000030e-01, v0;
	[tilespmem:s16+$0xFFFFFFE0] =	vst v57;
	v57 =	vmovc v30;
	v10 =	vld [tilespmem:s19+$0xF0]  }
0x15c: {  	v9 =	vperm.xlane v54, v16;
	s19 =	smov.u32 s8;
	s8 =	smov.u32 s2;
	v48 =	vmul.f32 v50, v48;
	v50 =	vld [tilespmem:$0x1FF90];
	[tilespmem:$0x1FF90] =	vst v57  }
0x15d: {  	v47 =	vmul.f32 v7, v34;
	s2 =	smov.u32 s17;
	s17 =	smov.u32 s3;
	s3 =	smov.u32 s12;
	[tilespmem:s4+$0x0] =	vst v6;
	v6 =	vld [tilespmem:s19+$0xFFFFFFD0];
	v7 =	vmul.f32 v8, v58;
	v0 =	vmax.f32 v0, v11  }
0x15e: {  	v19 =	vimm.s32 $0xC;
	v8 =	vld [tilespmem:s3+$0x10];
	v9 =	vmul.f32 v59, v9;
	[tilespmem:s24+$0x40] =	vst v48;
	v0 =	vmul.f32 $1.442695020e+00, v0  }
0x15f: {  	v55 =	vperm.xlane v28, v19;
	v45 =	vmov v41;
	v41 =	vld [tilespmem:s2+$0x50];
	v3 =	vmul.f32 v61, v3;
	[tilespmem:s21+$0xB0] =	vst v7  }
0x160: {  	v13 =	vimm.s32 $0xB;
	[tilespmem:s24+$0xFFFFFF40] =	vst v9;
	v58 =	vld [tilespmem:s19+$0xB0];
	(erf) = vpow2.f32 v0;
	v0 =	vmul.f32 v12, v46  }
0x161: {  	v63 =	vperm.xlane v28, v13;
	v30 =	vmovc v35;
	v59 =	vimm.s32 $0x5;
	v35 =	vld.idx.msk [tilespmem:v62+s28+$0x0], $0xffff;
	v10 =	vmul.f32 v10, v53;
	[tilespmem:s1+$0xFFFFFF90] =	vst v3  }
0x162: {  	v20 =	vimm.s32 $0xE;
	v7 =	vperm.xlane v38, v59;
	v3 =	vld.idx.msk [tilespmem:v60+s26+$0x0], $0xffff;
	v6 =	vmul.f32 v6, v18;
	[tilespmem:s11+$0xFFFFFF00] =	vst v0  }
0x163: {  	v56 =	vperm.xlane v32, v20;
	v8 =	vmul.f32 v8, v43;
	[tilespmem:s16+$0x100] =	vst v10;
	s16 =	smov.u32 s21;
	s21 =	smov.u32 s1;
	v0 =	vld [tilespmem:s2+$0xFFFFFF70]  }
0x164: {  	v15 =	vperm.xlane v22, v15;
	s1 =	smov.u32 s24;
	s24 =	smov.u32 s11;
	s11 =	smov.u32 s4;
	v10 =	vld [tilespmem:s17+$0xFFFFFF30];
	v7 =	vmul.f32 v41, v7;
	[tilespmem:s16+$0xFFFFFFC0] =	vst v6  }
0x165: {  	v57 =	vimm.s32 $0x7;
	v61 =	vperm.xlane v31, v14;
	[tilespmem:s11+$0x10] =	vst v8;
	v6 =	vld [tilespmem:s8+$0xFFFFFFB0];
	v9 =	vmul.f32 v58, v63  }
0x166: {  	v12 =	vld [tilespmem:s3+$0x20];
	v58 =	vperm.xlane v54, v57;
	[tilespmem:s1+$0x50] =	vst v7;
	v7 =	vperm.xlane v24, v13;
	v13 =	vimm.s32 $0x3  }
0x167: {  	v62 =	vimm.s32 $0x2;
	v53 =	vperm.xlane v38, v57;
	v57 =	vld [tilespmem:s19+$0xFFFFFFE0];
	v60 =	vperm.xlane v22, v13  }
0x168: {  	v36 =	vmovc v33;
	v33 =	vmovc v29;
	v29 =	vmov v50;
	v46 =	vperm.xlane v27, v62;
	v48 =	vld [tilespmem:s2+$0x60];
	v0 =	vmul.f32 v0, v58  }
0x169: {  	v50 =	vmovc v52;
	v18 =	vimm.s32 $0x8;
	v43 =	vmovc v61;
	v61 =	vperm.xlane v26, v62;
	[tilespmem:s16+$0xC0] =	vst v9;
	v10 =	vmul.f32 v10, v60  }
0x16a: {  	v11 =	vperm.xlane v23, v18;
	v3 =	vadd.f32 v35, v3;
	v62 =	vld [tilespmem:s19+$0xC0];
	[tilespmem:s1+$0xFFFFFF50] =	vst v0;
	v0 =	vmul.f32 v6, v7  }
0x16b: {  	v52 =	vadd.s32 v4, v49;
	v8 =	vperm.xlane v24, v19;
	v63 =	vperm.xlane v38, v16;
	v7 =	vld [tilespmem:s8+$0x80];
	[tilespmem:s24+$0xFFFFFF10] =	vst v10  }
0x16c: {  	v14 =	vmul.f32 $2.000000030e-01, v3;
	v34 =	vpop (erf);
	v19 =	vmul.f32 v57, v56;
	v9 =	vld [tilespmem:s17+$0xFFFFFF40];
	[tilespmem:s21+$0xFFFFFFA0] =	vst v0  }
0x16d: {  	v41 =	vperm.xlane v34, v59;
	v16 =	vmul.f32 v48, v63;
	v0 =	vor.u32 s20, v1;
	v59 =	vld [tilespmem:s2+$0xFFFFFF80]  }
0x16e: {  	v10 =	vperm.xlane v54, v18;
	v18 =	vshll.u32 v0, $0x4;
	v49 =	vmul.u32 $0x90, v0;
	v0 =	vld [tilespmem:s8+$0xFFFFFFC0];
	[tilespmem:s16+$0xFFFFFFD0] =	vst v19  }
0x16f: {  	v6 =	vmul.f32 v12, v61;
	v3 =	vmax.f32 v3, v14;
	v35 =	vmul.f32 v62, v55;
	[tilespmem:s1+$0x60] =	vst v16  }
0x170: {  	v56 =	vperm.xlane v34, v25;
	v3 =	vmul.f32 $1.442695020e+00, v3;
	[tilespmem:v52+s13+$0x0] =	vst.idx.msk $0xffff, v34;
	v16 =	vld [tilespmem:s2+$0x70]  }
0x171: {  	s14 =	sadd.s32 $0x2, s14;
	v48 =	vperm.xlane v26, v13;
	[tilespmem:s16+$0xD0] =	vst v35;
	v7 =	vmul.f32 v7, v11;
	v19 =	vld [tilespmem:s19+$0xFFFFFFF0]  }
0x172: {  	p2 =	slt.u32 s14, $0x12;
	(erf) = vpow2.f32 v3;
	v55 =	vor.u32 v2, v18;
	v61 =	vor.u32 v5, v18;
	v18 =	vld [tilespmem:s19+$0xD0];
	[tilespmem:s24+$0x20] =	vst v42  }
.Ltmp2:
0x173: {  	v58 =	vld [tilespmem:s18+$0xFFFFFF00];
	v35 =	vperm.xlane v31, v20;
	v3 =	vmul.f32 v9, v15;
	[tilespmem:s21+$0x90] =	vst v7;
	v7 =	vimm.s32 $0xF;
	(pc) =	sbr.rel @p2 .LBB2_6-.Ltmp2, $4  }
0x174: {  	v52 =	vadd.s32 v4, v51;
	v42 =	vmovc v6;
	v10 =	vmul.f32 v59, v10;
	v59 =	vld [tilespmem:s8+$0x90];
	v6 =	vperm.xlane v32, v7  }
0x175: {  	v62 =	vmul.f32 v0, v8;
	v60 =	vld [tilespmem:s17+$0x30];
	v32 =	vmov v24;
	[tilespmem:s24+$0xFFFFFF20] =	vst v3;
	v3 =	vmul.f32 v16, v53  }
0x176: {  	s5 =	sadd.s32 $0x240, s5;
	s12 =	smov.u32 s18;
	v24 =	vmovc v54;
	v54 =	vld [tilespmem:s17+$0xFFFFFF50];
	[tilespmem:s1+$0xFFFFFF70] =	vst v10;
	v53 =	vperm.xlane v28, v7;
	v28 =	vmov v23;
	v57 =	vmul.f32 v19, v6  }
0x177: {  	s4 =	smov.u32 s5;
	s20 =	sadd.s32 $0x4, s20;
	s18 =	sadd.s32 $0x200, s18;
	v23 =	vmov v38;
	v0 =	vmul.f32 v18, v40;
	v63 =	vld [tilespmem:s2+$0xFFFFFF90];
	v51 =	vperm.xlane v28, v17;
	[tilespmem:s1+$0x70] =	vst v3  }
0x178: {  	_ =	sdelay $0x3  }
0x179: {  	v3 =	vld.idx.msk [tilespmem:v61+s28+$0x0], $0xffff  }
0x17a: {  	v6 =	vld.idx.msk [tilespmem:v55+s26+$0x0], $0xffff  }
0x17b: {  	[tilespmem:s21+$0xFFFFFFB0] =	vst v62  }
0x17c: {  	[tilespmem:s16+$0xE0] =	vst v0  }
0x17d: {  	[tilespmem:v50+s13+$0x0] =	vst.idx.msk $0xffff, v31;
	v18 =	vimm.s32 $0x9;
	v0 =	vld [tilespmem:s19+$0xE0];
	v7 =	vmul.f32 v60, v44  }
0x17e: {  	[tilespmem:s11+$0xFFFFFEF0] =	vst v47;
	v9 =	vperm.xlane v24, v18  }
0x17f: {  	v10 =	vmul.f32 v59, v51;
	[tilespmem:s24+$0x30] =	vst v7;
	v3 =	vadd.f32 v3, v6  }
0x180: {  	v8 =	vmul.f32 v58, v56;
	[tilespmem:s16+$0xFFFFFFE0] =	vst v57;
	v56 =	vmul.f32 v63, v9;
	v7 =	vld [tilespmem:s17+$0x40]  }
0x181: {  	v25 =	vld [tilespmem:s3+$0xFFFFFF20];
	[tilespmem:s21+$0xA0] =	vst v10;
	v6 =	vmul.f32 v54, v39;
	v58 =	vmul.f32 $2.000000030e-01, v3  }
0x182: {  	v50 =	vimm.s32 $0x4;
	v11 =	vld [tilespmem:s12+$0x0];
	[tilespmem:s1+$0xFFFFFF80] =	vst v56;
	v0 =	vmul.f32 v0, v36  }
0x183: {  	v60 =	vperm.xlane v21, v50;
	[tilespmem:s24+$0xFFFFFF30] =	vst v6;
	v6 =	vld [tilespmem:s8+$0xA0];
	v3 =	vmax.f32 v3, v58  }
0x184: {  	v13 =	vimm.s32 $0xA;
	v59 =	vld [tilespmem:s17+$0xFFFFFF60];
	[tilespmem:s16+$0xF0] =	vst v0;
	v0 =	vmul.f32 $1.442695020e+00, v3  }
0x185: {  	[tilespmem:s11+$0x20] =	vst v42;
	v61 =	vperm.xlane v28, v13;
	v12 =	vld [tilespmem:s2+$0xFFFFFFA0];
	v7 =	vmul.f32 v7, v60  }
0x186: {  	[tilespmem:s5+$0xFFFFFEE0] =	vst v8;
	v44 =	vimm.s32 $0x6;
	v47 =	vmul.f32 v25, v46;
	v62 =	vld [tilespmem:s19+$0xF0];
	(erf) = vpow2.f32 v0  }
0x187: {  	v38 =	vld [tilespmem:s8+$0xFFFFFFD0];
	v63 =	vperm.xlane v22, v44;
	v3 =	vmul.f32 v11, v45;
	[tilespmem:s24+$0x40] =	vst v7  }
0x188: {  	[tilespmem:s11+$0xFFFFFF00] =	vst v47;
	v0 =	vperm.xlane v24, v13;
	v6 =	vmul.f32 v6, v61;
	v7 =	vld [tilespmem:s17+$0x50]  }
0x189: {  	v19 =	vimm.s32 $0xD;
	[tilespmem:s4+$0x0] =	vst v3;
	v3 =	vmul.f32 v59, v63  }
0x18a: {  	v16 =	vimm.s32 $0x5;
	v0 =	vmul.f32 v12, v0;
	[tilespmem:s21+$0xB0] =	vst v6;
	v6 =	vperm.xlane v32, v19  }
0x18b: {  	v39 =	vperm.xlane v21, v16;
	v45 =	vadd.s32 v4, v49;
	[tilespmem:s24+$0xFFFFFF40] =	vst v3;
	v3 =	vmul.f32 v62, v53;
	v40 =	vld [tilespmem:s8+$0xB0]  }
0x18c: {  	[tilespmem:s1+$0xFFFFFF90] =	vst v0;
	v0 =	vld [tilespmem:s12+$0x10];
	v6 =	vmul.f32 v38, v6  }
0x18d: {  	v4 =	vimm.s32 $0xB;
	[tilespmem:s16+$0x100] =	vst v3;
	v3 =	vld [tilespmem:s17+$0xFFFFFF70];
	v7 =	vmul.f32 v7, v39  }
0x18e: {  	v36 =	vpop (erf);
	v11 =	vld [tilespmem:s3+$0xFFFFFF30];
	v49 =	vperm.xlane v28, v4;
	[tilespmem:s21+$0xFFFFFFC0] =	vst v6  }
0x18f: {  	v20 =	vimm.s32 $0x7;
	v6 =	vld [tilespmem:s2+$0xFFFFFFB0];
	[tilespmem:s24+$0x50] =	vst v7;
	v38 =	vpop (erf)  }
0x190: {  	v15 =	vimm.s32 $0x3;
	v51 =	vperm.xlane v22, v20;
	v7 =	vmul.f32 v40, v49;
	v53 =	vld [tilespmem:s17+$0x60];
	[tilespmem:v45+s13+$0x0] =	vst.idx.msk $0xffff, v38  }
0x191: {  	v54 =	vperm.xlane v27, v15;
	[tilespmem:v52+s13+$0x0] =	vst.idx.msk $0xffff, v36;
	v0 =	vmul.f32 v0, v43;
	v12 =	vld [tilespmem:s18+$0xFFFFFF00]  }
0x192: {  	v55 =	vperm.xlane v24, v4;
	[tilespmem:s21+$0xC0] =	vst v7;
	v3 =	vmul.f32 v3, v51;
	v7 =	vld [tilespmem:s18+$0x0]  }
0x193: {  	v1 =	vimm.s32 $0x0;
	v57 =	vperm.xlane v21, v44;
	v56 =	vmul.f32 v11, v54;
	[tilespmem:s4+$0x10] =	vst v0;
	v0 =	vld [tilespmem:s8+$0xC0]  }
0x194: {  	v58 =	vld [tilespmem:s8+$0xFFFFFFE0];
	[tilespmem:s24+$0xFFFFFF50] =	vst v3;
	v3 =	vmul.f32 v6, v55;
	v6 =	vperm.xlane v38, v1  }
0x195: {  	v2 =	vimm.s32 $0xC;
	v60 =	vld [tilespmem:s2+$0x80];
	v59 =	vperm.xlane v36, v1;
	[tilespmem:s11+$0xFFFFFF10] =	vst v56;
	v9 =	vmul.f32 v53, v57  }
0x196: {  	v61 =	vperm.xlane v28, v2;
	v63 =	vld [tilespmem:s3+$0xFFFFFF40];
	v1 =	vimm.s32 $0xE;
	[tilespmem:s1+$0xFFFFFFA0] =	vst v3;
	v3 =	vmul.f32 v12, v6  }
0x197: {  	s20 =	sadd.s32 $0x240, s5;
	v17 =	vimm.s32 $0x8;
	v7 =	vmul.f32 v7, v59;
	v6 =	vld [tilespmem:s12+$0xFFFFFF10];
	v12 =	vperm.xlane v32, v1;
	[tilespmem:s24+$0x60] =	vst v9  }
0x198: {  	v62 =	vperm.xlane v23, v17;
	v55 =	vld [tilespmem:s3+$0x30];
	v0 =	vmul.f32 v0, v61;
	[tilespmem:s20+$0xFFFFFEE0] =	vst v3  }
0x199: {  	[tilespmem:s20+$0x0] =	vst v7;
	v3 =	vmul.f32 v58, v12;
	v12 =	vimm.s32 $0x1;
	v25 =	vld [tilespmem:s18+$0xFFFFFF10]  }
0x19a: {  	[tilespmem:s21+$0xD0] =	vst v0;
	v0 =	vmul.f32 v60, v62;
	v45 =	vld [tilespmem:s18+$0x10];
	v7 =	vperm.xlane v34, v12  }
0x19b: {  	v47 =	vperm.xlane v27, v50;
	v52 =	vperm.xlane v28, v19;
	v46 =	vld [tilespmem:s17+$0xFFFFFF80];
	[tilespmem:s21+$0xFFFFFFD0] =	vst v3  }
0x19c: {  	[tilespmem:s1+$0x90] =	vst v0;
	v0 =	vperm.xlane v38, v12;
	v3 =	vmul.f32 v6, v7;
	v6 =	vld [tilespmem:s17+$0x70]  }
0x19d: {  	v11 =	vmul.f32 v63, v47;
	v7 =	vperm.xlane v36, v12;
	v12 =	vld [tilespmem:s8+$0xD0]  }
0x19e: {  	v49 =	vperm.xlane v22, v17;
	v40 =	vld [tilespmem:s2+$0xFFFFFFC0];
	[tilespmem:s4+$0xFFFFFEF0] =	vst v3;
	v0 =	vmul.f32 v25, v0  }
0x19f: {  	[tilespmem:s11+$0xFFFFFF20] =	vst v11;
	v3 =	vperm.xlane v21, v20;
	v7 =	vmul.f32 v45, v7;
	v51 =	vld [tilespmem:s12+$0xFFFFFF20]  }
0x1a0: {  	v53 =	vld [tilespmem:s12+$0x20];
	v9 =	vmul.f32 v46, v49;
	v60 =	vmul.f32 v55, v48;
	[tilespmem:s20+$0xFFFFFEF0] =	vst v0  }
0x1a1: {  	v14 =	vimm.s32 $0x2;
	[tilespmem:s20+$0x10] =	vst v7;
	v0 =	vperm.xlane v24, v2;
	v3 =	vmul.f32 v6, v3;
	v6 =	vld [tilespmem:s18+$0xFFFFFF20]  }
0x1a2: {  	[tilespmem:s24+$0xFFFFFF70] =	vst v9;
	v7 =	vperm.xlane v34, v14;
	v8 =	vmul.f32 v12, v52;
	v54 =	vld [tilespmem:s18+$0x20]  }
0x1a3: {  	[tilespmem:s11+$0x30] =	vst v60;
	v12 =	vperm.xlane v31, v14;
	v0 =	vmul.f32 v40, v0  }
0x1a4: {  	v56 =	vperm.xlane v38, v14;
	[tilespmem:s24+$0x70] =	vst v3;
	v3 =	vld [tilespmem:s2+$0x90];
	v7 =	vmul.f32 v51, v7  }
0x1a5: {  	v58 =	vld [tilespmem:s3+$0xFFFFFF50];
	v57 =	vmul.f32 v53, v12;
	[tilespmem:s1+$0xFFFFFFB0] =	vst v0;
	v0 =	vperm.xlane v36, v14  }
0x1a6: {  	v12 =	vld [tilespmem:s17+$0xFFFFFF90];
	[tilespmem:s4+$0xFFFFFF00] =	vst v7;
	v6 =	vmul.f32 v6, v56  }
0x1a7: {  	[tilespmem:s4+$0x20] =	vst v57;
	v7 =	vperm.xlane v23, v18;
	v59 =	vld [tilespmem:s12+$0xFFFFFF30];
	v0 =	vmul.f32 v54, v0  }
0x1a8: {  	v10 =	vld [tilespmem:s12+$0x30];
	[tilespmem:s20+$0xFFFFFF00] =	vst v6  }
0x1a9: {  	v3 =	vmul.f32 v3, v7;
	v6 =	vperm.xlane v22, v18;
	[tilespmem:s20+$0x20] =	vst v0;
	v7 =	vld [tilespmem:s18+$0xFFFFFF30]  }
0x1aa: {  	v61 =	vperm.xlane v34, v15;
	[tilespmem:s21+$0xE0] =	vst v8;
	v0 =	vmul.f32 v58, v37;
	v62 =	vld [tilespmem:s18+$0x30]  }
0x1ab: {  	v63 =	vperm.xlane v31, v15;
	v25 =	vld [tilespmem:s8+$0xE0];
	[tilespmem:s1+$0xA0] =	vst v3;
	v6 =	vmul.f32 v12, v6  }
0x1ac: {  	v40 =	vperm.xlane v38, v15;
	v3 =	vld [tilespmem:s8+$0xFFFFFFF0];
	[tilespmem:s11+$0xFFFFFF30] =	vst v0;
	v0 =	vmul.f32 v59, v61  }
0x1ad: {  	v42 =	vld [tilespmem:s3+$0x40];
	v10 =	vmul.f32 v10, v63;
	[tilespmem:s24+$0xFFFFFF80] =	vst v6;
	v6 =	vperm.xlane v36, v15  }
0x1ae: {  	v14 =	vimm.s32 $0xF;
	v12 =	vld [tilespmem:s2+$0xA0];
	[tilespmem:s4+$0xFFFFFF10] =	vst v0;
	v0 =	vmul.f32 v7, v40  }
0x1af: {  	[tilespmem:s4+$0x30] =	vst v10;
	v7 =	vperm.xlane v32, v14;
	v43 =	vld [tilespmem:s12+$0xFFFFFF40];
	v6 =	vmul.f32 v62, v6  }
0x1b0: {  	v46 =	vperm.xlane v26, v50;
	v45 =	vmul.f32 v25, v33;
	v47 =	vld [tilespmem:s12+$0x40];
	[tilespmem:s20+$0xFFFFFF10] =	vst v0  }
0x1b1: {  	v0 =	vmul.f32 v3, v7;
	v3 =	vperm.xlane v23, v13;
	[tilespmem:s20+$0x30] =	vst v6;
	v7 =	vld [tilespmem:s18+$0xFFFFFF40]  }
0x1b2: {  	v48 =	vperm.xlane v34, v50;
	[tilespmem:s21+$0xF0] =	vst v45;
	v6 =	vmul.f32 v42, v46;
	v49 =	vld [tilespmem:s18+$0x40]  }
0x1b3: {  	v51 =	vld [tilespmem:s3+$0xFFFFFF60];
	[tilespmem:s21+$0xFFFFFFE0] =	vst v0;
	v0 =	vmul.f32 v12, v3;
	v3 =	vperm.xlane v31, v50  }
0x1b4: {  	v52 =	vperm.xlane v38, v50;
	v12 =	vld [tilespmem:s17+$0xFFFFFFA0];
	[tilespmem:s11+$0x40] =	vst v6;
	v6 =	vmul.f32 v43, v48  }
0x1b5: {  	v53 =	vld [tilespmem:s8+$0xF0];
	[tilespmem:s1+$0xB0] =	vst v0;
	v0 =	vmul.f32 v47, v3;
	v3 =	vperm.xlane v36, v50  }
0x1b6: {  	v54 =	vperm.xlane v27, v44;
	v55 =	vld [tilespmem:s3+$0x50];
	[tilespmem:s4+$0xFFFFFF20] =	vst v6;
	v6 =	vmul.f32 v7, v52  }
0x1b7: {  	v7 =	vperm.xlane v22, v13;
	v56 =	vld [tilespmem:s12+$0xFFFFFF50];
	[tilespmem:s4+$0x40] =	vst v0;
	v0 =	vmul.f32 v49, v3  }
0x1b8: {  	v57 =	vmul.f32 v51, v54;
	v3 =	vperm.xlane v28, v14;
	v58 =	vld [tilespmem:s12+$0x50];
	[tilespmem:s20+$0xFFFFFF20] =	vst v6  }
0x1b9: {  	v6 =	vmul.f32 v12, v7;
	v7 =	vperm.xlane v26, v16;
	[tilespmem:s20+$0x40] =	vst v0;
	v12 =	vld [tilespmem:s18+$0xFFFFFF50]  }
0x1ba: {  	[tilespmem:s11+$0xFFFFFF40] =	vst v57;
	v0 =	vmul.f32 v53, v3;
	v3 =	vld [tilespmem:s18+$0x50]  }
0x1bb: {  	v59 =	vld [tilespmem:s2+$0xFFFFFFD0];
	[tilespmem:s24+$0xFFFFFF90] =	vst v6;
	v6 =	vmul.f32 v55, v7;
	v7 =	vperm.xlane v31, v16  }
0x1bc: {  	v60 =	vperm.xlane v38, v16;
	v61 =	vld [tilespmem:s2+$0xB0];
	[tilespmem:s21+$0x100] =	vst v0;
	v0 =	vmul.f32 v56, v41  }
0x1bd: {  	v62 =	vld [tilespmem:s3+$0xFFFFFF70];
	[tilespmem:s11+$0x50] =	vst v6;
	v6 =	vmul.f32 v58, v7;
	v7 =	vperm.xlane v36, v16  }
0x1be: {  	v63 =	vperm.xlane v24, v19;
	v25 =	vld [tilespmem:s3+$0x60];
	[tilespmem:s4+$0xFFFFFF30] =	vst v0;
	v0 =	vmul.f32 v12, v60  }
0x1bf: {  	v33 =	vperm.xlane v23, v4;
	v12 =	vld [tilespmem:s12+$0xFFFFFF60];
	[tilespmem:s4+$0x50] =	vst v6;
	v3 =	vmul.f32 v3, v7  }
0x1c0: {  	v6 =	vmul.f32 v59, v63;
	v7 =	vperm.xlane v27, v20;
	v37 =	vld [tilespmem:s12+$0x60];
	[tilespmem:s20+$0xFFFFFF30] =	vst v0  }
0x1c1: {  	v39 =	vperm.xlane v26, v44;
	v0 =	vmul.f32 v61, v33;
	[tilespmem:s20+$0x50] =	vst v3;
	v40 =	vld [tilespmem:s18+$0xFFFFFF60]  }
0x1c2: {  	[tilespmem:s1+$0xFFFFFFC0] =	vst v6;
	v3 =	vmul.f32 v62, v7;
	v6 =	vperm.xlane v34, v44;
	v7 =	vld [tilespmem:s18+$0x60]  }
0x1c3: {  	v42 =	vperm.xlane v31, v44;
	v41 =	vld [tilespmem:s17+$0xFFFFFFB0];
	[tilespmem:s1+$0xC0] =	vst v0;
	v0 =	vmul.f32 v25, v39  }
0x1c4: {  	[tilespmem:s11+$0xFFFFFF50] =	vst v3;
	v43 =	vld [tilespmem:s2+$0xC0];
	v3 =	vmul.f32 v12, v6;
	v6 =	vperm.xlane v38, v44  }
0x1c5: {  	v12 =	vld [tilespmem:s2+$0xFFFFFFE0];
	v44 =	vperm.xlane v36, v44;
	[tilespmem:s11+$0x60] =	vst v0;
	v0 =	vmul.f32 v37, v42  }
0x1c6: {  	v45 =	vperm.xlane v22, v4;
	v46 =	vld [tilespmem:s3+$0x70];
	[tilespmem:s4+$0xFFFFFF40] =	vst v3;
	v3 =	vmul.f32 v40, v6  }
0x1c7: {  	v6 =	vperm.xlane v23, v2;
	v47 =	vld [tilespmem:s12+$0xFFFFFF70];
	[tilespmem:s4+$0x60] =	vst v0;
	v0 =	vmul.f32 v7, v44  }
0x1c8: {  	v8 =	vmul.f32 v41, v45;
	v7 =	vperm.xlane v24, v1;
	v48 =	vld [tilespmem:s12+$0x70];
	[tilespmem:s20+$0xFFFFFF40] =	vst v3  }
0x1c9: {  	v3 =	vperm.xlane v26, v20;
	v6 =	vmul.f32 v43, v6;
	[tilespmem:s20+$0x60] =	vst v0;
	v49 =	vld [tilespmem:s18+$0xFFFFFF70]  }
0x1ca: {  	[tilespmem:s24+$0xFFFFFFA0] =	vst v8;
	v0 =	vmul.f32 v12, v7;
	v7 =	vperm.xlane v34, v20;
	v50 =	vld [tilespmem:s18+$0x70]  }
0x1cb: {  	v51 =	vld [tilespmem:s3+$0xFFFFFF80];
	[tilespmem:s1+$0xD0] =	vst v6;
	v3 =	vmul.f32 v46, v3;
	v6 =	vperm.xlane v31, v20  }
0x1cc: {  	v12 =	vld [tilespmem:s17+$0x80];
	[tilespmem:s1+$0xFFFFFFD0] =	vst v0;
	v0 =	vmul.f32 v47, v7;
	v7 =	vperm.xlane v38, v20  }
0x1cd: {  	v52 =	vld [tilespmem:s2+$0xD0];
	[tilespmem:s11+$0x70] =	vst v3;
	v3 =	vmul.f32 v48, v6;
	v6 =	vperm.xlane v36, v20  }
0x1ce: {  	v54 =	vperm.xlane v27, v17;
	[tilespmem:s4+$0xFFFFFF50] =	vst v0;
	v0 =	vld [tilespmem:s3+$0x80];
	v7 =	vmul.f32 v49, v7  }
0x1cf: {  	v53 =	vperm.xlane v21, v17;
	v55 =	vld [tilespmem:s12+$0xFFFFFF80];
	[tilespmem:s4+$0x70] =	vst v3;
	v3 =	vmul.f32 v50, v6  }
0x1d0: {  	v57 =	vmul.f32 v51, v54;
	v6 =	vperm.xlane v23, v19;
	[tilespmem:s20+$0xFFFFFF50] =	vst v7;
	v7 =	vld [tilespmem:s12+$0x80]  }
0x1d1: {  	v58 =	vperm.xlane v26, v17;
	v56 =	vmul.f32 v12, v53;
	[tilespmem:s20+$0x70] =	vst v3;
	v12 =	vld [tilespmem:s18+$0xFFFFFF80]  }
0x1d2: {  	[tilespmem:s11+$0xFFFFFF70] =	vst v57;
	v3 =	vmul.f32 v52, v6;
	v6 =	vperm.xlane v34, v17;
	v59 =	vld [tilespmem:s18+$0x80]  }
0x1d3: {  	v61 =	vperm.xlane v31, v17;
	v60 =	vld [tilespmem:s17+$0xFFFFFFC0];
	[tilespmem:s24+$0x90] =	vst v56;
	v0 =	vmul.f32 v0, v58  }
0x1d4: {  	v62 =	vld [tilespmem:s17+$0x90];
	[tilespmem:s1+$0xE0] =	vst v3;
	v3 =	vmul.f32 v55, v6;
	v6 =	vperm.xlane v38, v17  }
0x1d5: {  	v63 =	vld [tilespmem:s3+$0xFFFFFF90];
	[tilespmem:s11+$0x90] =	vst v0;
	v0 =	vmul.f32 v7, v61;
	v7 =	vperm.xlane v36, v17  }
0x1d6: {  	v25 =	vperm.xlane v22, v2;
	v37 =	vld [tilespmem:s3+$0x90];
	[tilespmem:s4+$0xFFFFFF70] =	vst v3;
	v3 =	vmul.f32 v12, v6  }
0x1d7: {  	v6 =	vperm.xlane v21, v18;
	v12 =	vld [tilespmem:s12+$0xFFFFFF90];
	[tilespmem:s4+$0x90] =	vst v0;
	v0 =	vmul.f32 v59, v7  }
0x1d8: {  	v39 =	vperm.xlane v27, v18;
	v7 =	vmul.f32 v60, v25;
	v40 =	vld [tilespmem:s12+$0x90];
	[tilespmem:s20+$0xFFFFFF70] =	vst v3  }
0x1d9: {  	v3 =	vmul.f32 v62, v6;
	v6 =	vperm.xlane v26, v18;
	v41 =	vld [tilespmem:s18+$0xFFFFFF90];
	[tilespmem:s20+$0x90] =	vst v0  }
0x1da: {  	[tilespmem:s24+$0xFFFFFFB0] =	vst v7;
	v0 =	vmul.f32 v63, v39;
	v7 =	vperm.xlane v34, v18;
	v42 =	vld [tilespmem:s18+$0x90]  }
0x1db: {  	v43 =	vld [tilespmem:s2+$0xE0];
	[tilespmem:s24+$0xA0] =	vst v3;
	v3 =	vmul.f32 v37, v6;
	v6 =	vperm.xlane v31, v18  }
0x1dc: {  	v44 =	vld [tilespmem:s17+$0xA0];
	[tilespmem:s11+$0xFFFFFF80] =	vst v0;
	v0 =	vmul.f32 v12, v7;
	v7 =	vperm.xlane v38, v18  }
0x1dd: {  	v12 =	vld [tilespmem:s3+$0xFFFFFFA0];
	[tilespmem:s11+$0xA0] =	vst v3;
	v3 =	vmul.f32 v40, v6;
	v6 =	vperm.xlane v36, v18  }
0x1de: {  	v45 =	vld [tilespmem:s3+$0xA0];
	[tilespmem:s4+$0xFFFFFF80] =	vst v0;
	v0 =	vmul.f32 v41, v7  }
0x1df: {  	v7 =	vperm.xlane v21, v13;
	v46 =	vld [tilespmem:s12+$0xFFFFFFA0];
	[tilespmem:s4+$0xA0] =	vst v3;
	v3 =	vmul.f32 v42, v6  }
0x1e0: {  	v47 =	vperm.xlane v27, v13;
	v6 =	vmul.f32 v43, v29;
	v48 =	vld [tilespmem:s12+$0xA0];
	[tilespmem:s20+$0xFFFFFF80] =	vst v0  }
0x1e1: {  	v0 =	vmul.f32 v44, v7;
	v7 =	vperm.xlane v26, v13;
	v49 =	vld [tilespmem:s18+$0xFFFFFFA0];
	[tilespmem:s20+$0xA0] =	vst v3  }
0x1e2: {  	[tilespmem:s1+$0xF0] =	vst v6;
	v3 =	vmul.f32 v12, v47;
	v6 =	vperm.xlane v34, v13;
	v50 =	vld [tilespmem:s18+$0xA0]  }
0x1e3: {  	v12 =	vld [tilespmem:s2+$0xFFFFFFF0];
	[tilespmem:s24+$0xB0] =	vst v0;
	v0 =	vmul.f32 v45, v7;
	v7 =	vperm.xlane v31, v13  }
0x1e4: {  	v51 =	vld [tilespmem:s17+$0xB0];
	[tilespmem:s11+$0xFFFFFF90] =	vst v3;
	v3 =	vmul.f32 v46, v6;
	v6 =	vperm.xlane v38, v13  }
0x1e5: {  	v52 =	vld [tilespmem:s3+$0xFFFFFFB0];
	[tilespmem:s11+$0xB0] =	vst v0;
	v0 =	vmul.f32 v48, v7;
	v7 =	vperm.xlane v36, v13  }
0x1e6: {  	v53 =	vperm.xlane v24, v14;
	v54 =	vld [tilespmem:s3+$0xB0];
	[tilespmem:s4+$0xFFFFFF90] =	vst v3;
	v3 =	vmul.f32 v49, v6  }
0x1e7: {  	v6 =	vperm.xlane v21, v4;
	v55 =	vld [tilespmem:s12+$0xFFFFFFB0];
	[tilespmem:s4+$0xB0] =	vst v0;
	v0 =	vmul.f32 v50, v7  }
0x1e8: {  	v56 =	vperm.xlane v27, v4;
	v7 =	vmul.f32 v12, v53;
	v57 =	vld [tilespmem:s12+$0xB0];
	[tilespmem:s20+$0xFFFFFF90] =	vst v3  }
0x1e9: {  	v3 =	vmul.f32 v51, v6;
	v6 =	vperm.xlane v26, v4;
	v58 =	vld [tilespmem:s18+$0xFFFFFFB0];
	[tilespmem:s20+$0xB0] =	vst v0  }
0x1ea: {  	[tilespmem:s1+$0xFFFFFFE0] =	vst v7;
	v0 =	vmul.f32 v52, v56;
	v7 =	vperm.xlane v34, v4;
	v59 =	vld [tilespmem:s18+$0xB0]  }
0x1eb: {  	v60 =	vld [tilespmem:s2+$0xF0];
	[tilespmem:s24+$0xC0] =	vst v3;
	v3 =	vmul.f32 v54, v6;
	v6 =	vperm.xlane v31, v4  }
0x1ec: {  	v12 =	vld [tilespmem:s17+$0xC0];
	[tilespmem:s11+$0xFFFFFFA0] =	vst v0;
	v0 =	vmul.f32 v55, v7;
	v7 =	vperm.xlane v38, v4  }
0x1ed: {  	v61 =	vld [tilespmem:s3+$0xFFFFFFC0];
	[tilespmem:s11+$0xC0] =	vst v3;
	v3 =	vmul.f32 v57, v6;
	v6 =	vperm.xlane v36, v4  }
0x1ee: {  	v62 =	vperm.xlane v23, v14;
	v63 =	vld [tilespmem:s3+$0xC0];
	[tilespmem:s4+$0xFFFFFFA0] =	vst v0;
	v0 =	vmul.f32 v58, v7  }
0x1ef: {  	v7 =	vperm.xlane v21, v2;
	v25 =	vld [tilespmem:s12+$0xFFFFFFC0];
	[tilespmem:s4+$0xC0] =	vst v3;
	v3 =	vmul.f32 v59, v6  }
0x1f0: {  	v28 =	vperm.xlane v27, v2;
	v6 =	vmul.f32 v60, v62;
	v29 =	vld [tilespmem:s12+$0xC0];
	[tilespmem:s20+$0xFFFFFFA0] =	vst v0  }
0x1f1: {  	v0 =	vmul.f32 v12, v7;
	v7 =	vperm.xlane v26, v2;
	v32 =	vld [tilespmem:s18+$0xFFFFFFC0];
	[tilespmem:s20+$0xC0] =	vst v3  }
0x1f2: {  	[tilespmem:s1+$0x100] =	vst v6;
	v3 =	vmul.f32 v61, v28;
	v6 =	vperm.xlane v34, v2;
	v33 =	vld [tilespmem:s18+$0xC0]  }
0x1f3: {  	v12 =	vld [tilespmem:s17+$0xFFFFFFD0];
	[tilespmem:s24+$0xD0] =	vst v0;
	v0 =	vmul.f32 v63, v7;
	v7 =	vperm.xlane v31, v2  }
0x1f4: {  	v37 =	vld [tilespmem:s17+$0xD0];
	[tilespmem:s11+$0xFFFFFFB0] =	vst v3;
	v3 =	vmul.f32 v25, v6;
	v6 =	vperm.xlane v38, v2  }
0x1f5: {  	v39 =	vld [tilespmem:s3+$0xFFFFFFD0];
	[tilespmem:s11+$0xD0] =	vst v0;
	v0 =	vmul.f32 v29, v7;
	v7 =	vperm.xlane v36, v2  }
0x1f6: {  	v40 =	vperm.xlane v22, v19;
	v41 =	vld [tilespmem:s3+$0xD0];
	[tilespmem:s4+$0xFFFFFFB0] =	vst v3;
	v3 =	vmul.f32 v32, v6  }
0x1f7: {  	v6 =	vperm.xlane v21, v19;
	v42 =	vld [tilespmem:s12+$0xFFFFFFD0];
	[tilespmem:s4+$0xD0] =	vst v0;
	v0 =	vmul.f32 v33, v7  }
0x1f8: {  	v43 =	vperm.xlane v27, v19;
	v7 =	vmul.f32 v12, v40;
	v44 =	vld [tilespmem:s12+$0xD0];
	[tilespmem:s20+$0xFFFFFFB0] =	vst v3  }
0x1f9: {  	v3 =	vmul.f32 v37, v6;
	v6 =	vperm.xlane v26, v19;
	v12 =	vld [tilespmem:s18+$0xFFFFFFD0];
	[tilespmem:s20+$0xD0] =	vst v0  }
0x1fa: {  	[tilespmem:s24+$0xFFFFFFC0] =	vst v7;
	v0 =	vmul.f32 v39, v43;
	v7 =	vperm.xlane v34, v19  }
0x1fb: {  	[tilespmem:s24+$0xE0] =	vst v3;
	v3 =	vmul.f32 v41, v6;
	v6 =	vperm.xlane v31, v19  }
0x1fc: {  	[tilespmem:s11+$0xFFFFFFC0] =	vst v0;
	v0 =	vmul.f32 v42, v7;
	v7 =	vperm.xlane v38, v19  }
0x1fd: {  	[tilespmem:s11+$0xE0] =	vst v3;
	v3 =	vmul.f32 v44, v6  }
0x1fe: {  	v45 =	vld [tilespmem:s18+$0xD0];
	[tilespmem:s4+$0xFFFFFFC0] =	vst v0;
	v0 =	vmul.f32 v12, v7  }
0x1ff: {  	v46 =	vld [tilespmem:s17+$0xFFFFFFE0];
	[tilespmem:s4+$0xE0] =	vst v3  }
0x200: {  	v47 =	vld [tilespmem:s17+$0xE0];
	[tilespmem:s20+$0xFFFFFFC0] =	vst v0  }
0x201: {  	v0 =	vld [tilespmem:$0x1FF90]  }
0x202: {  	v48 =	vld [tilespmem:s3+$0xFFFFFFE0];
	v6 =	vperm.xlane v36, v19  }
0x203: {  	v49 =	vperm.xlane v22, v1;
	v50 =	vld [tilespmem:s3+$0xE0]  }
0x204: {  	v7 =	vld [tilespmem:s12+$0xFFFFFFE0];
	v3 =	vmul.f32 v45, v6  }
0x205: {  	v51 =	vperm.xlane v27, v1;
	v6 =	vmul.f32 v46, v49;
	v52 =	vld [tilespmem:s12+$0xE0]  }
0x206: {  	v53 =	vld [tilespmem:s18+$0xFFFFFFE0];
	[tilespmem:s20+$0xE0] =	vst v3;
	v0 =	vmul.f32 v47, v0  }
0x207: {  	[tilespmem:s24+$0xFFFFFFD0] =	vst v6;
	v3 =	vmul.f32 v48, v51;
	v6 =	vperm.xlane v34, v1;
	v54 =	vld [tilespmem:s18+$0xE0]  }
0x208: {  	v55 =	vld [tilespmem:s17+$0xFFFFFFF0];
	[tilespmem:s24+$0xF0] =	vst v0;
	v0 =	vmul.f32 v50, v30  }
0x209: {  	[tilespmem:s11+$0xFFFFFFD0] =	vst v3;
	v3 =	vmul.f32 v7, v6;
	v6 =	vperm.xlane v38, v1;
	v12 =	vld [tilespmem:s17+$0xF0]  }
0x20a: {  	v7 =	vperm.xlane v36, v1;
	v56 =	vld [tilespmem:s3+$0xFFFFFFF0];
	[tilespmem:s11+$0xF0] =	vst v0;
	v0 =	vmul.f32 v52, v35  }
0x20b: {  	v57 =	vperm.xlane v22, v14;
	[tilespmem:s4+$0xFFFFFFD0] =	vst v3;
	v3 =	vmul.f32 v53, v6;
	v58 =	vld [tilespmem:s3+$0xF0]  }
0x20c: {  	v6 =	vperm.xlane v21, v14;
	v59 =	vld [tilespmem:s12+$0xFFFFFFF0];
	[tilespmem:s4+$0xF0] =	vst v0;
	v0 =	vmul.f32 v54, v7  }
0x20d: {  	v60 =	vperm.xlane v27, v14;
	[tilespmem:s20+$0xFFFFFFD0] =	vst v3;
	v7 =	vmul.f32 v55, v57;
	v61 =	vld [tilespmem:s12+$0xF0]  }
0x20e: {  	v62 =	vld [tilespmem:s18+$0xFFFFFFF0];
	v3 =	vmul.f32 v12, v6;
	v6 =	vperm.xlane v26, v14;
	[tilespmem:s20+$0xF0] =	vst v0  }
0x20f: {  	[tilespmem:s24+$0xFFFFFFE0] =	vst v7;
	v0 =	vmul.f32 v56, v60;
	v7 =	vperm.xlane v34, v14;
	v63 =	vld [tilespmem:s18+$0xF0]  }
0x210: {  	[tilespmem:s24+$0x100] =	vst v3;
	v3 =	vmul.f32 v58, v6;
	v6 =	vperm.xlane v31, v14  }
0x211: {  	[tilespmem:s11+$0xFFFFFFE0] =	vst v0;
	v0 =	vmul.f32 v59, v7;
	v7 =	vperm.xlane v38, v14  }
0x212: {  	[tilespmem:s11+$0x100] =	vst v3;
	v3 =	vmul.f32 v61, v6;
	v6 =	vperm.xlane v36, v14  }
0x213: {  	[tilespmem:s4+$0xFFFFFFE0] =	vst v0;
	v0 =	vmul.f32 v62, v7  }
0x214: {  	[tilespmem:s4+$0x100] =	vst v3;
	v3 =	vmul.f32 v63, v6  }
0x215: {  	[tilespmem:s20+$0xFFFFFFE0] =	vst v0  }
0x216: {  	s21 =	simm.s32 $0x3;
	[tilespmem:s20+$0x100] =	vst v3  }
.Ltmp3:
0x217: {  	v15 =	vimm.s32 $0x2;
	v16 =	vimm.s32 $0x3;
	v17 =	vimm.s32 $0x5;
	_ =	swait.ge [sflag:s21], $0x28;
	(pc) =	sbr.rel @!p1 .LBB2_8-.Ltmp3, $4  }
0x218: {  	v18 =	vimm.s32 $0x6;
	v13 =	vimm.s32 $0x4;
	v4 =	vimm.s32 $0xC;
	[sflag:s21] =	ssyncset.done $0x0  }
0x219: {  	v19 =	vimm.s32 $0x7;
	v1 =	vimm.s32 $0xD;
	v53 =	vimm.s32 $0x9;
	[sflag:s21] =	ssyncadd.s32 $0xFFFFFFD8  }
0x21a: {  	v57 =	vimm.s32 $0xA;
	s24 =	simm.s32 $0xA0;
	v59 =	vimm.s32 $0x0;
	v58 =	vimm.s32 $0xB;
	s25 =	rddreg [dreg:$0x2]  }
0x21b: {  	v14 =	vimm.s32 $0x1;
	v62 =	vimm.s32 $0xE;
	v63 =	vimm.s32 $0x8;
	[spmem:s25] =	stream.indirect.scatter.add.f32 [tilespmem:s13], [sflag:$0x7], $0x90, s24, s23, $0xb8;
	[tilespmem:$0x1C7F0] =	vst v63  }
0x21c: {  	_ =	swait.ge [sflag:s15], $0x280  }
0x21d: {  	[sflag:s15] =	ssyncset.done $0x0  }
0x21e: {  	[sflag:s15] =	ssyncadd.s32 $0xFFFFFD80  }
0x21f: {  	_ =	swait.ge [sflag:s15], $0x280  }
.Ltmp4:
0x220: {  	[sflag:s15] =	ssyncset.done $0x0;
	(pc) =	sbr.rel .LBB2_10-.Ltmp4, $4  }
0x221: {  	[sflag:s15] =	ssyncadd.s32 $0xFFFFFD80  }
0x222: {  	_ =	swait.ge [sflag:s15], $0x1400  }
0x223: {  	[sflag:s15] =	ssyncset.done $0x0  }
0x224: {  	[sflag:s15] =	ssyncadd.s32 $0xFFFFEC00  }
.LBB2_8:
0x225: {  	s1 =	simm.s32 $0x1  }
0x226: {  	_ =	swait.ge [sflag:s1], $0x28  }
0x227: {  	[sflag:s1] =	ssyncset.done $0x0  }
0x228: {  	[sflag:s1] =	ssyncadd.s32 $0xFFFFFFD8  }
0x229: {  	_ =	swait.ge [sflag:s1], $0x28  }
0x22a: {  	[sflag:s1] =	ssyncset.done $0x0  }
0x22b: {  	s3 =	simm.s32 $0x0;
	[sflag:s1] =	ssyncadd.s32 $0xFFFFFFD8  }
0x22c: {  	[tilespmem:s26], [sflag:$0x5] =	stream.indirect.gather [hbm4b:s7+s23], $0x10, s3, s23, $0xb8;
	[tilespmem:$0x1C7F0] =	vst v63  }
0x22d: {  	s18 =	simm.s32 $0x50  }
0x22e: {  	[tilespmem:s28], [sflag:$0x5] =	stream.indirect.gather [hbm4b:s7+s23], $0x10, s18, s23, $0xb8;
	[tilespmem:$0x1C7F0] =	vst v63  }
0x22f: {  	s2 =	simm.s32 $0xAF0;
	s19 =	rddreg [dreg:$0x1]  }
0x230: {  	[tilespmem:s2], [sflag:$0x5] =	stream.indirect.gather [hbm4b:s19+s23], $0x80, s3, s23, $0xb8;
	[tilespmem:$0x1C7F0] =	vst v63  }
0x231: {  	_ =	swait.ge [sflag:s15], $0x280  }
0x232: {  	[sflag:s15] =	ssyncset.done $0x0  }
0x233: {  	[sflag:s15] =	ssyncadd.s32 $0xFFFFFD80  }
0x234: {  	_ =	swait.ge [sflag:s15], $0x280  }
0x235: {  	[sflag:s15] =	ssyncset.done $0x0  }
0x236: {  	[sflag:s15] =	ssyncadd.s32 $0xFFFFFD80  }
0x237: {  	_ =	swait.ge [sflag:s15], $0x1400  }
0x238: {  	s20 =	rddreg [dreg:$0xe]  }
0x239: {  	[sflag:s15] =	ssyncset.done $0x0;
	s1 =	sadd.s32 s22, s20  }
.Ltmp5:
0x23a: {  	s21 =	rddreg [dreg:$0x4];
	s1 =	sshrl.u32 s1, $0x3;
	(pc) =	sbr.rel @p0 .LBB2_11-.Ltmp5, $4  }
0x23b: {  	[sflag:s15] =	ssyncadd.s32 $0xFFFFEC00;
	s2 =	sadd.s32 s21, s1  }
0x23c: {  	[tilespmem:s23], [sflag:$0x2] =	stream.linear.gather [hbm4b:s2+s3], $0x28, $0x38;
	[tilespmem:$0x1C7F0] =	vst v63  }
0x23d: {  	s24 =	simm.s32 $0x78;
	s1 =	sadd.s32 s6, s1  }
0x23e: {  	[tilespmem:s24], [sflag:$0x2] =	stream.linear.gather [hbm4b:s1+s3], $0x28, $0x38;
	[tilespmem:$0x1C7F0] =	vst v63  }
.LBB2_10:
0x23f: {  	s1 =	simm.s32 $0x8  }
0x240: {  	_ =	swait.ge [sflag:s1], $0x1680  }
0x241: {  	[sflag:s1] =	ssyncset.done $0x0  }
0x242: {  	[sflag:s1] =	ssyncadd.s32 $0xFFFFE980  }
.LBB2_11:
0x243: {  	v2 =	vld [tilespmem:$0x1FFC0];
	_ =	sdelay $0x2  }
0x244: {  	v60 =	vld [tilespmem:$0x1FFD0]  }
0x245: {  	s1 =	simm.s32 $0x2  }
0x246: {  	v0 =	vor.u32 s1, v2  }
0x247: {  	s24 =	simm.s32 $0x0;
	v3 =	vshll.u32 v0, $0x4  }
0x248: {  	s2 =	rddreg [dreg:$0x8];
	v7 =	vor.u32 s24, v2;
	v6 =	vor.u32 v5, v3  }
0x249: {  	s2 =	sadd.s32 s22, s2;
	v8 =	vshll.u32 v7, $0x4;
	v3 =	vor.u32 v60, v3  }
0x24a: {  	s2 =	sshrl.u32 s2, $0x3;
	v9 =	vor.u32 v5, v8  }
0x24b: {  	s3 =	simm.s32 $0xC8;
	s2 =	sadd.s32 s6, s2;
	v8 =	vor.u32 v60, v8  }
0x24c: {  	[tilespmem:s3], [sflag:$0x4] =	stream.linear.gather [hbm4b:s2+s24], $0x28, $0x38;
	[tilespmem:$0x1C7F0] =	vst v63  }
0x24d: {  	v6 =	vld.idx.msk [tilespmem:v6+s0+$0x0], $0xffff  }
0x24e: {  	v3 =	vld.idx.msk [tilespmem:v3+s31+$0x0], $0xffff  }
0x24f: {  	v9 =	vld.idx.msk [tilespmem:v9+s0+$0x0], $0xffff  }
0x250: {  	v8 =	vld.idx.msk [tilespmem:v8+s31+$0x0], $0xffff;
	_ =	sdelay $0x3  }
0x251: {  	v3 =	vadd.f32 v6, v3  }
0x252: {  	v42 =	vadd.f32 v9, v8  }
0x253: {  	v43 =	vmul.f32 $2.000000030e-01, v3  }
0x254: {  	v9 =	vmul.f32 $2.000000030e-01, v42  }
0x255: {  	v3 =	vmax.f32 v3, v43  }
0x256: {  	v6 =	vmax.f32 v42, v9;
	v3 =	vmul.f32 $1.442695020e+00, v3  }
0x257: {  	v6 =	vmul.f32 $1.442695020e+00, v6  }
0x258: {  	(erf) = vpow2.f32 v3  }
0x259: {  	v20 =	vld [tilespmem:$0x1FFE0];
	(erf) = vpow2.f32 v6;
	_ =	sdelay $0x2  }
0x25a: {  	v3 =	vmul.u32 $0x90, v7;
	_ =	sdelay $0x1  }
0x25b: {  	v3 =	vadd.s32 v20, v3;
	_ =	sdelay $0x1  }
0x25c: {  	s4 =	simm.s32 $0x4  }
0x25d: {  	s3 =	simm.s32 $0x6;
	v47 =	vor.u32 s4, v2;
	v38 =	vpop (erf)  }
0x25e: {  	v44 =	vor.u32 s3, v2;
	v48 =	vshll.u32 v47, $0x4;
	v40 =	vpop (erf)  }
0x25f: {  	s19 =	simm.s32 $0x1FF0;
	v45 =	vshll.u32 v44, $0x4;
	v11 =	vor.u32 v5, v48;
	[tilespmem:v3+s10+$0x0] =	vst.idx.msk $0xffff, v40  }
0x260: {  	v46 =	vor.u32 v5, v45;
	v10 =	vld [tilespmem:s19+$0xFFFFFF00]  }
0x261: {  	v3 =	vor.u32 v60, v45  }
0x262: {  	v7 =	vor.u32 v60, v48  }
0x263: {  	v12 =	vperm.xlane v40, v59  }
0x264: {  	v0 =	vmul.u32 $0x90, v0;
	v11 =	vld.idx.msk [tilespmem:v11+s0+$0x0], $0xffff  }
0x265: {  	v8 =	vld.idx.msk [tilespmem:v46+s0+$0x0], $0xffff;
	v10 =	vmul.f32 v10, v12  }
0x266: {  	s16 =	simm.s32 $0x4A90;
	v0 =	vadd.s32 v20, v0;
	v3 =	vld.idx.msk [tilespmem:v3+s31+$0x0], $0xffff  }
0x267: {  	v7 =	vld.idx.msk [tilespmem:v7+s31+$0x0], $0xffff;
	[tilespmem:s16+$0xFFFFFEE0] =	vst v10  }
0x268: {  	v10 =	vld [tilespmem:s19+$0xFFFFFF10];
	_ =	sdelay $0x2  }
0x269: {  	[tilespmem:v0+s10+$0x0] =	vst.idx.msk $0xffff, v38;
	v0 =	vperm.xlane v40, v14;
	v3 =	vadd.f32 v8, v3  }
0x26a: {  	v7 =	vadd.f32 v11, v7;
	v49 =	vld [tilespmem:s19+$0x0]  }
0x26b: {  	v50 =	vmul.f32 $2.000000030e-01, v3;
	v0 =	vmul.f32 v10, v0  }
0x26c: {  	s5 =	simm.s32 $0xA;
	v51 =	vmul.f32 $2.000000030e-01, v7  }
0x26d: {  	s8 =	simm.s32 $0x8;
	v54 =	vor.u32 s5, v2;
	v52 =	vperm.xlane v38, v59;
	v3 =	vmax.f32 v3, v50;
	[tilespmem:s16+$0xFFFFFEF0] =	vst v0  }
0x26e: {  	v56 =	vor.u32 s8, v2;
	v7 =	vmax.f32 v7, v51;
	v0 =	vmul.f32 $1.442695020e+00, v3;
	v55 =	vld [tilespmem:s19+$0xFFFFFF20]  }
0x26f: {  	v7 =	vmul.f32 $1.442695020e+00, v7;
	v8 =	vmul.f32 v49, v52;
	v3 =	vshll.u32 v54, $0x4  }
0x270: {  	v35 =	vshll.u32 v56, $0x4;
	v21 =	vor.u32 v5, v3;
	(erf) = vpow2.f32 v0  }
0x271: {  	[tilespmem:s16+$0x0] =	vst v8;
	v0 =	vor.u32 v60, v3;
	v3 =	vperm.xlane v40, v15;
	(erf) = vpow2.f32 v7  }
0x272: {  	v12 =	vor.u32 v60, v35;
	v8 =	vld [tilespmem:s19+$0x10]  }
0x273: {  	v3 =	vmul.f32 v55, v3  }
0x274: {  	v22 =	vor.u32 v5, v35;
	v9 =	vmul.u32 $0x90, v47  }
0x275: {  	v36 =	vld.idx.msk [tilespmem:v21+s0+$0x0], $0xffff;
	v21 =	vperm.xlane v38, v14;
	[tilespmem:s16+$0xFFFFFF00] =	vst v3  }
0x276: {  	v3 =	vadd.s32 v20, v9;
	v37 =	vld [tilespmem:s19+$0xFFFFFF30]  }
0x277: {  	v39 =	vld.idx.msk [tilespmem:v12+s31+$0x0], $0xffff;
	v8 =	vmul.f32 v8, v21  }
0x278: {  	v0 =	vld.idx.msk [tilespmem:v0+s31+$0x0], $0xffff  }
0x279: {  	v41 =	vperm.xlane v40, v16;
	v21 =	vld.idx.msk [tilespmem:v22+s0+$0x0], $0xffff;
	[tilespmem:s16+$0x10] =	vst v8;
	v28 =	vpop (erf)  }
0x27a: {  	v22 =	vld [tilespmem:s19+$0x20];
	v32 =	vpop (erf)  }
0x27b: {  	[tilespmem:v3+s10+$0x0] =	vst.idx.msk $0xffff, v32;
	v3 =	vmul.f32 v37, v41  }
0x27c: {  	s8 =	simm.s32 $0x21F0;
	v6 =	vmul.u32 $0x90, v44  }
0x27d: {  	v43 =	vperm.xlane v38, v15;
	v42 =	vld [tilespmem:s8+$0xFFFFFF00];
	[tilespmem:s16+$0xFFFFFF10] =	vst v3  }
0x27e: {  	v0 =	vadd.f32 v36, v0;
	v3 =	vadd.s32 v20, v6;
	v46 =	vld [tilespmem:s19+$0xFFFFFF40]  }
0x27f: {  	s11 =	simm.s32 $0xE;
	v45 =	vadd.f32 v21, v39;
	v10 =	vmul.f32 v22, v43  }
0x280: {  	v47 =	vperm.xlane v32, v59;
	v21 =	vor.u32 s11, v2;
	v44 =	vmul.f32 $2.000000030e-01, v0  }
0x281: {  	v23 =	vperm.xlane v40, v13;
	v48 =	vshll.u32 v21, $0x4;
	v22 =	vmul.f32 $2.000000030e-01, v45;
	[tilespmem:s16+$0x20] =	vst v10  }
0x282: {  	v12 =	vor.u32 v5, v48;
	v0 =	vmax.f32 v0, v44;
	v9 =	vmul.f32 v42, v47;
	v10 =	vld [tilespmem:s19+$0x30]  }
0x283: {  	s12 =	simm.s32 $0xC;
	s21 =	simm.s32 $0x4CD0;
	v0 =	vmul.f32 $1.442695020e+00, v0;
	v6 =	vmax.f32 v45, v22;
	[tilespmem:v3+s10+$0x0] =	vst.idx.msk $0xffff, v28;
	v8 =	vmul.f32 v46, v23  }
0x284: {  	v24 =	vor.u32 v60, v48;
	v3 =	vmul.f32 $1.442695020e+00, v6;
	v6 =	vor.u32 s12, v2;
	[tilespmem:s21+$0xFFFFFEE0] =	vst v9  }
0x285: {  	v50 =	vperm.xlane v38, v16;
	(erf) = vpow2.f32 v0;
	v49 =	vshll.u32 v6, $0x4;
	v22 =	vld [tilespmem:s8+$0xFFFFFF10];
	[tilespmem:s16+$0xFFFFFF20] =	vst v8  }
0x286: {  	(erf) = vpow2.f32 v3;
	v3 =	vor.u32 v5, v49;
	v23 =	vld [tilespmem:s19+$0xFFFFFF50]  }
0x287: {  	v0 =	vld [tilespmem:s8+$0x0];
	v9 =	vor.u32 v60, v49;
	v8 =	vmul.f32 v10, v50  }
0x288: {  	v25 =	vperm.xlane v32, v14;
	v12 =	vld.idx.msk [tilespmem:v12+s0+$0x0], $0xffff  }
0x289: {  	v11 =	vmul.u32 $0x90, v54;
	v51 =	vperm.xlane v40, v17;
	v24 =	vld.idx.msk [tilespmem:v24+s31+$0x0], $0xffff;
	[tilespmem:s16+$0x30] =	vst v8  }
0x28a: {  	v7 =	vmul.u32 $0x90, v56;
	v26 =	vperm.xlane v28, v59;
	v22 =	vmul.f32 v22, v25;
	v54 =	vld [tilespmem:s19+$0x40]  }
0x28b: {  	v11 =	vadd.s32 v20, v11;
	v3 =	vld.idx.msk [tilespmem:v3+s0+$0x0], $0xffff;
	v52 =	vmul.f32 v23, v51  }
0x28c: {  	v7 =	vadd.s32 v20, v7;
	v0 =	vmul.f32 v0, v26;
	v9 =	vld.idx.msk [tilespmem:v9+s31+$0x0], $0xffff;
	[tilespmem:s21+$0xFFFFFEF0] =	vst v22  }
0x28d: {  	v55 =	vld [tilespmem:s8+$0xFFFFFF20];
	[tilespmem:s16+$0xFFFFFF30] =	vst v52  }
0x28e: {  	v25 =	vperm.xlane v38, v13;
	[tilespmem:s21+$0x0] =	vst v0;
	v0 =	vld [tilespmem:s19+$0xFFFFFF60]  }
0x28f: {  	v33 =	vperm.xlane v40, v18;
	v56 =	vperm.xlane v32, v15;
	v23 =	vpop (erf)  }
0x290: {  	v12 =	vadd.f32 v12, v24;
	[tilespmem:v11+s10+$0x0] =	vst.idx.msk $0xffff, v23;
	v24 =	vpop (erf);
	v10 =	vmul.f32 v54, v25  }
0x291: {  	s2 =	simm.s32 $0x23F0;
	v48 =	vperm.xlane v28, v15;
	v42 =	vperm.xlane v38, v17;
	v27 =	vld [tilespmem:s8+$0x10];
	[tilespmem:v7+s10+$0x0] =	vst.idx.msk $0xffff, v24  }
0x292: {  	v29 =	vmul.f32 $2.000000030e-01, v12;
	v25 =	vld [tilespmem:s2+$0x0];
	v3 =	vadd.f32 v3, v9;
	[tilespmem:s16+$0x40] =	vst v10;
	v7 =	vmul.f32 v55, v56  }
0x293: {  	v46 =	vperm.xlane v32, v16;
	v35 =	vld [tilespmem:s19+$0x50];
	v0 =	vmul.f32 v0, v33  }
0x294: {  	v22 =	vperm.xlane v28, v14;
	v12 =	vmax.f32 v12, v29;
	v37 =	vmul.f32 $2.000000030e-01, v3;
	[tilespmem:s21+$0xFFFFFF00] =	vst v7  }
0x295: {  	v50 =	vperm.xlane v32, v17;
	v12 =	vmul.f32 $1.442695020e+00, v12;
	[tilespmem:s16+$0xFFFFFF40] =	vst v0;
	v0 =	vld [tilespmem:s8+$0xFFFFFF30]  }
0x296: {  	s14 =	simm.s32 $0x12;
	v26 =	vperm.xlane v23, v59;
	v36 =	vmul.f32 v27, v22;
	v3 =	vmax.f32 v3, v37;
	v43 =	vld [tilespmem:s19+$0xFFFFFF70]  }
0x297: {  	(erf) = vpow2.f32 v12;
	v27 =	vor.u32 s14, v2;
	v3 =	vmul.f32 $1.442695020e+00, v3  }
0x298: {  	v30 =	vld [tilespmem:s2+$0xFFFFFF00];
	v41 =	vshll.u32 v27, $0x4;
	[tilespmem:s21+$0x10] =	vst v36;
	v22 =	vmul.f32 v25, v26;
	v45 =	vmul.f32 v35, v42  }
0x299: {  	v44 =	vor.u32 v5, v41;
	v25 =	vld [tilespmem:s8+$0x20];
	(erf) = vpow2.f32 v3;
	v3 =	vperm.xlane v40, v19  }
0x29a: {  	s1 =	simm.s32 $0x4F10;
	v29 =	vperm.xlane v23, v62;
	v8 =	vor.u32 v60, v41;
	[tilespmem:s16+$0x50] =	vst v45;
	v0 =	vmul.f32 v0, v46  }
0x29b: {  	v34 =	vperm.xlane v24, v59;
	[tilespmem:s1+$0x0] =	vst v22;
	v49 =	vld [tilespmem:s19+$0x60];
	v3 =	vmul.f32 v43, v3  }
0x29c: {  	s17 =	simm.s32 $0x10;
	v31 =	vperm.xlane v24, v17;
	v36 =	vperm.xlane v38, v62;
	v22 =	vld [tilespmem:s2+$0x10];
	[tilespmem:s21+$0xFFFFFF10] =	vst v0  }
0x29d: {  	v9 =	vor.u32 s17, v2;
	v33 =	vperm.xlane v28, v62;
	v39 =	vmul.f32 v30, v34;
	[tilespmem:s16+$0xFFFFFF50] =	vst v3;
	v3 =	vld [tilespmem:s8+$0xFFFFFF40]  }
0x29e: {  	v37 =	vshll.u32 v9, $0x4;
	v10 =	vld.idx.msk [tilespmem:v44+s0+$0x0], $0xffff;
	v7 =	vmul.f32 v25, v48;
	v25 =	vperm.xlane v38, v18  }
0x29f: {  	v52 =	vor.u32 v5, v37;
	v30 =	vmul.u32 $0x90, v21;
	v8 =	vld.idx.msk [tilespmem:v8+s31+$0x0], $0xffff;
	v0 =	vperm.xlane v23, v14  }
0x2a0: {  	v6 =	vmul.u32 $0x90, v6;
	[tilespmem:s1+$0xFFFFFEE0] =	vst v39;
	v51 =	vmul.f32 v49, v25;
	v25 =	vperm.xlane v32, v13;
	v26 =	vld [tilespmem:s19+$0xFFFFFF80]  }
0x2a1: {  	v54 =	vor.u32 v60, v37;
	v30 =	vadd.s32 v20, v30;
	v47 =	vld [tilespmem:s2+$0xFFFFFF10];
	[tilespmem:s21+$0x20] =	vst v7;
	v0 =	vmul.f32 v22, v0  }
0x2a2: {  	v34 =	vperm.xlane v28, v16;
	v35 =	vld [tilespmem:s8+$0x30];
	v3 =	vmul.f32 v3, v25  }
0x2a3: {  	v6 =	vadd.s32 v20, v6;
	v45 =	vperm.xlane v23, v16;
	[tilespmem:s1+$0x10] =	vst v0;
	v0 =	vperm.xlane v40, v63  }
0x2a4: {  	v7 =	vld.idx.msk [tilespmem:v52+s0+$0x0], $0xffff;
	v8 =	vadd.f32 v10, v8;
	v25 =	vperm.xlane v24, v14;
	[tilespmem:s21+$0xFFFFFF20] =	vst v3  }
0x2a5: {  	v21 =	vpop (erf);
	v43 =	vperm.xlane v24, v15;
	v0 =	vmul.f32 v26, v0;
	v55 =	vld [tilespmem:s8+$0xFFFFFF50]  }
0x2a6: {  	s17 =	simm.s32 $0x25F0;
	[tilespmem:v30+s10+$0x0] =	vst.idx.msk $0xffff, v21;
	v10 =	vld.idx.msk [tilespmem:v54+s31+$0x0], $0xffff;
	v3 =	vmul.f32 v47, v25;
	v25 =	vmul.f32 $2.000000030e-01, v8  }
0x2a7: {  	v30 =	vperm.xlane v40, v53;
	v48 =	vld [tilespmem:s17+$0x0];
	v22 =	vpop (erf);
	[tilespmem:s16+$0xFFFFFF70] =	vst v0;
	v0 =	vmul.f32 v35, v34  }
0x2a8: {  	v54 =	vperm.xlane v21, v62;
	[tilespmem:v6+s10+$0x0] =	vst.idx.msk $0xffff, v22;
	v56 =	vld [tilespmem:s19+$0xFFFFFF90];
	v8 =	vmax.f32 v8, v25  }
0x2a9: {  	v49 =	vperm.xlane v28, v13;
	v26 =	vld [tilespmem:s17+$0xFFFFFF00];
	[tilespmem:s21+$0x30] =	vst v0;
	v8 =	vmul.f32 $1.442695020e+00, v8  }
0x2aa: {  	[tilespmem:s16+$0x60] =	vst v51;
	v6 =	vperm.xlane v21, v59;
	v25 =	vld [tilespmem:s8+$0x40];
	v11 =	vmul.f32 v55, v50  }
0x2ab: {  	s18 =	simm.s32 $0x16;
	v39 =	vperm.xlane v22, v17;
	v41 =	vld [tilespmem:s2+$0x20];
	v7 =	vadd.f32 v7, v10;
	[tilespmem:s1+$0xFFFFFEF0] =	vst v3;
	(erf) = vpow2.f32 v8  }
0x2ac: {  	v6 =	vmul.f32 v48, v6;
	v34 =	vor.u32 s18, v2;
	v3 =	vperm.xlane v22, v59;
	v51 =	vld [tilespmem:s2+$0xFFFFFF20];
	[tilespmem:s21+$0xFFFFFF30] =	vst v11  }
0x2ad: {  	v61 =	vmovc v5;
	v47 =	vperm.xlane v23, v15;
	v50 =	vmul.f32 v56, v30;
	v30 =	vshll.u32 v34, $0x4;
	v52 =	vld [tilespmem:s8+$0xFFFFFF60]  }
0x2ae: {  	v42 =	vld [tilespmem:s19+$0x70];
	v35 =	vperm.xlane v21, v14;
	v3 =	vmul.f32 v26, v3;
	v26 =	vor.u32 v61, v30;
	[tilespmem:$0x1FF80] =	vst v54  }
0x2af: {  	s22 =	simm.s32 $0x5150;
	v8 =	vmul.f32 v25, v49;
	v49 =	vmul.f32 $2.000000030e-01, v7;
	[tilespmem:s16+$0xFFFFFF80] =	vst v50  }
0x2b0: {  	v44 =	vmul.f32 v41, v47;
	v56 =	vperm.xlane v32, v18;
	[tilespmem:s22+$0x0] =	vst v6;
	v55 =	vld [tilespmem:s19+$0xFFFFFFA0]  }
0x2b1: {  	v0 =	vperm.xlane v38, v19;
	v50 =	vmul.f32 v51, v43;
	[tilespmem:s21+$0x40] =	vst v8;
	v43 =	vld [tilespmem:s17+$0x10];
	v7 =	vmax.f32 v7, v49  }
0x2b2: {  	v30 =	vor.u32 v60, v30;
	[tilespmem:s22+$0xFFFFFEE0] =	vst v3;
	v46 =	vld [tilespmem:s8+$0x50];
	v54 =	vmul.f32 $1.442695020e+00, v7;
	v8 =	vmul.f32 v52, v56  }
0x2b3: {  	v0 =	vmul.f32 v42, v0;
	v51 =	vperm.xlane v40, v57;
	[tilespmem:s1+$0xFFFFFF00] =	vst v50;
	v42 =	vld.idx.msk [tilespmem:v26+s0+$0x0], $0xffff  }
0x2b4: {  	v3 =	vperm.xlane v22, v14;
	v26 =	vpop (erf);
	v56 =	vld [tilespmem:s2+$0xFFFFFF30];
	(erf) = vpow2.f32 v54;
	[tilespmem:s21+$0xFFFFFF40] =	vst v8  }
0x2b5: {  	[tilespmem:s16+$0x70] =	vst v0;
	v52 =	vperm.xlane v28, v17;
	v55 =	vmul.f32 v55, v51;
	v48 =	vld [tilespmem:s8+$0xFFFFFF70]  }
0x2b6: {  	v9 =	vmul.u32 $0x90, v9;
	[tilespmem:s1+$0x20] =	vst v44;
	v44 =	vperm.xlane v21, v16;
	v47 =	vld [tilespmem:s17+$0xFFFFFF10];
	v0 =	vmul.f32 v43, v35  }
0x2b7: {  	v50 =	vperm.xlane v24, v16;
	v49 =	vld.idx.msk [tilespmem:v30+s31+$0x0], $0xffff;
	v12 =	vmul.f32 v46, v52;
	[tilespmem:s16+$0xFFFFFF90] =	vst v55  }
0x2b8: {  	v9 =	vadd.s32 v20, v9;
	v30 =	vperm.xlane v32, v19;
	v54 =	vperm.xlane v38, v63;
	[tilespmem:s22+$0x10] =	vst v0;
	v7 =	vld [tilespmem:s19+$0xFFFFFFB0]  }
0x2b9: {  	v52 =	vmul.u32 $0x90, v27;
	v27 =	vperm.xlane v40, v58;
	[tilespmem:s21+$0x50] =	vst v12;
	v8 =	vmul.f32 v56, v50;
	v43 =	vld [tilespmem:s17+$0x20]  }
0x2ba: {  	v10 =	vperm.xlane v26, v59;
	v51 =	vld [tilespmem:s8+$0x60];
	v11 =	vmul.f32 v48, v30  }
0x2bb: {  	v41 =	vperm.xlane v26, v14;
	v3 =	vmul.f32 v47, v3;
	[tilespmem:s1+$0xFFFFFF10] =	vst v8;
	v30 =	vld [tilespmem:s19+$0x80]  }
0x2bc: {  	v47 =	vperm.xlane v21, v15;
	v46 =	vperm.xlane v22, v15;
	v6 =	vadd.f32 v42, v49;
	[tilespmem:s21+$0xFFFFFF50] =	vst v11;
	v11 =	vld [tilespmem:s2+$0xFFFFFF40]  }
0x2bd: {  	v55 =	vperm.xlane v28, v18;
	v7 =	vmul.f32 v7, v27;
	v27 =	vpop (erf)  }
0x2be: {  	s3 =	simm.s32 $0x27F0;
	v50 =	vperm.xlane v24, v13;
	v48 =	vmul.f32 $2.000000030e-01, v6;
	v42 =	vld [tilespmem:s8+$0xFFFFFF80];
	[tilespmem:v9+s10+$0x0] =	vst.idx.msk $0xffff, v27  }
0x2bf: {  	s20 =	simm.s32 $0x14;
	v12 =	vadd.s32 v20, v52;
	v35 =	vmul.f32 v43, v47;
	v37 =	vmul.f32 v51, v55;
	[tilespmem:s16+$0xFFFFFFA0] =	vst v7;
	v43 =	vld [tilespmem:s3+$0xFFFFFF00]  }
0x2c0: {  	v56 =	vperm.xlane v32, v63;
	v7 =	vor.u32 s20, v2;
	v49 =	vld [tilespmem:s19+$0xFFFFFFC0];
	v30 =	vmul.f32 v30, v54  }
0x2c1: {  	v6 =	vmax.f32 v6, v48;
	[tilespmem:s21+$0x60] =	vst v37;
	v51 =	vshll.u32 v7, $0x4;
	v11 =	vmul.f32 v11, v50;
	v50 =	vld [tilespmem:s2+$0x30]  }
0x2c2: {  	v0 =	vperm.xlane v28, v19;
	v6 =	vmul.f32 $1.442695020e+00, v6;
	v52 =	vld [tilespmem:s8+$0x70];
	v48 =	vor.u32 v61, v51;
	[tilespmem:s16+$0x90] =	vst v30  }
0x2c3: {  	v51 =	vor.u32 v60, v51;
	v54 =	vmul.f32 v42, v56;
	v55 =	vld [tilespmem:s19+$0x90];
	v56 =	vperm.xlane v27, v59;
	[tilespmem:s1+$0xFFFFFF20] =	vst v11  }
0x2c4: {  	v8 =	vperm.xlane v40, v4;
	[tilespmem:v12+s10+$0x0] =	vst.idx.msk $0xffff, v26;
	v37 =	vperm.xlane v27, v17;
	v11 =	vld [tilespmem:s2+$0xFFFFFF50]  }
0x2c5: {  	(erf) = vpow2.f32 v6;
	[tilespmem:s21+$0xFFFFFF70] =	vst v54;
	v6 =	vmul.f32 v43, v56;
	v43 =	vld [tilespmem:s3+$0x0]  }
0x2c6: {  	v54 =	vperm.xlane v38, v53;
	v9 =	vld [tilespmem:s8+$0xFFFFFF90];
	v45 =	vmul.f32 v50, v45  }
0x2c7: {  	[tilespmem:s22+$0xFFFFFEF0] =	vst v3;
	v30 =	vperm.xlane v26, v62;
	v8 =	vmul.f32 v49, v8;
	v48 =	vld.idx.msk [tilespmem:v48+s0+$0x0], $0xffff  }
0x2c8: {  	s11 =	simm.s32 $0x5390;
	v0 =	vmul.f32 v52, v0;
	v47 =	vld.idx.msk [tilespmem:v51+s31+$0x0], $0xffff;
	v42 =	vmul.f32 v55, v54;
	[tilespmem:s1+$0x30] =	vst v45  }
0x2c9: {  	v51 =	vperm.xlane v38, v1;
	[tilespmem:s11+$0xFFFFFEE0] =	vst v6;
	v11 =	vmul.f32 v11, v31;
	v31 =	vld [tilespmem:s2+$0x40]  }
0x2ca: {  	v52 =	vperm.xlane v40, v62;
	v55 =	vperm.xlane v32, v53;
	[tilespmem:s16+$0xA0] =	vst v42;
	v42 =	vld [tilespmem:s3+$0xFFFFFF10]  }
0x2cb: {  	s4 =	simm.s32 $0x1A;
	v50 =	vperm.xlane v38, v58;
	[tilespmem:s16+$0xFFFFFFB0] =	vst v8;
	v10 =	vmul.f32 v43, v10;
	v12 =	vld [tilespmem:s19+$0xA0]  }
0x2cc: {  	v49 =	vor.u32 s4, v2;
	v6 =	vperm.xlane v23, v13;
	v43 =	vld [tilespmem:s17+$0xFFFFFF20];
	v56 =	vmul.f32 v9, v55;
	[tilespmem:s1+$0xFFFFFF30] =	vst v11  }
0x2cd: {  	v8 =	vperm.xlane v24, v18;
	v54 =	vperm.xlane v27, v14;
	v48 =	vadd.f32 v48, v47;
	[tilespmem:s11+$0x0] =	vst v10;
	v10 =	vld [tilespmem:s19+$0xFFFFFFD0]  }
0x2ce: {  	v45 =	vperm.xlane v38, v57;
	v11 =	vshll.u32 v49, $0x4;
	v53 =	vld [tilespmem:s2+$0xFFFFFF60];
	[tilespmem:s21+$0xFFFFFF80] =	vst v56;
	v6 =	vmul.f32 v31, v6  }
0x2cf: {  	v57 =	vperm.xlane v32, v57;
	v3 =	vor.u32 v61, v11;
	v56 =	vmul.f32 $2.000000030e-01, v48;
	v55 =	vld [tilespmem:s8+$0xFFFFFFA0]  }
0x2d0: {  	v9 =	vperm.xlane v38, v4;
	v11 =	vor.u32 v60, v11;
	v12 =	vmul.f32 v12, v45;
	[tilespmem:s1+$0x40] =	vst v6;
	v6 =	vld [tilespmem:s3+$0x10]  }
0x2d1: {  	v31 =	vpop (erf);
	v47 =	vmul.f32 v42, v54;
	v56 =	vmax.f32 v48, v56;
	v46 =	vmul.f32 v43, v46;
	v48 =	vld [tilespmem:s2+$0x50]  }
0x2d2: {  	v5 =	vimm.s32 $0xD;
	v45 =	vperm.xlane v31, v59;
	v42 =	vmul.f32 $1.442695020e+00, v56;
	[tilespmem:s16+$0xB0] =	vst v12  }
0x2d3: {  	[tilespmem:s22+$0x20] =	vst v35;
	v8 =	vmul.f32 v53, v8;
	v12 =	vperm.xlane v40, v5;
	v53 =	vld [tilespmem:s19+$0xB0]  }
0x2d4: {  	[tilespmem:s22+$0xFFFFFF00] =	vst v46;
	v3 =	vld.idx.msk [tilespmem:v3+s0+$0x0], $0xffff;
	v54 =	vmul.f32 v55, v57;
	v57 =	vperm.xlane v23, v17  }
0x2d5: {  	(erf) = vpow2.f32 v42;
	v11 =	vld.idx.msk [tilespmem:v11+s31+$0x0], $0xffff;
	[tilespmem:s1+$0xFFFFFF40] =	vst v8;
	v6 =	vmul.f32 v6, v41  }
0x2d6: {  	v10 =	vmul.f32 v10, v12;
	v12 =	vld [tilespmem:s17+$0xFFFFFF30];
	[tilespmem:s21+$0xFFFFFF90] =	vst v54;
	v8 =	vmul.f32 v48, v57  }
0x2d7: {  	v43 =	vperm.xlane v31, v14;
	v14 =	vperm.xlane v22, v16;
	v41 =	vld [tilespmem:s2+$0xFFFFFF70];
	[tilespmem:s11+$0x10] =	vst v6  }
0x2d8: {  	v35 =	vperm.xlane v31, v62;
	v6 =	vld [tilespmem:s8+$0xFFFFFFB0];
	v5 =	vmul.f32 v53, v50;
	[tilespmem:s1+$0x50] =	vst v8  }
0x2d9: {  	v46 =	vperm.xlane v27, v15;
	[tilespmem:s16+$0xFFFFFFC0] =	vst v10;
	v10 =	vperm.xlane v32, v58;
	v55 =	vld [tilespmem:s2+$0x60]  }
0x2da: {  	v58 =	vperm.xlane v24, v63;
	v54 =	vld [tilespmem:s19+$0xFFFFFFE0];
	v8 =	vperm.xlane v24, v19;
	[tilespmem:s16+$0xC0] =	vst v5  }
0x2db: {  	[tilespmem:s21+$0x70] =	vst v0;
	v0 =	vmul.u32 $0x90, v7;
	v48 =	vperm.xlane v28, v63;
	v12 =	vmul.f32 v12, v14;
	v56 =	vld [tilespmem:s19+$0xC0]  }
0x2dc: {  	v3 =	vadd.f32 v3, v11;
	v50 =	vld [tilespmem:s3+$0x20];
	v42 =	vmul.f32 v41, v8;
	v8 =	vperm.xlane v23, v18  }
0x2dd: {  	v57 =	vperm.xlane v23, v19;
	[tilespmem:s22+$0xFFFFFF10] =	vst v12;
	v12 =	vld [tilespmem:s8+$0x80];
	v6 =	vmul.f32 v6, v10  }
0x2de: {  	v0 =	vadd.s32 v20, v0;
	v19 =	vmul.f32 $2.000000030e-01, v3;
	[tilespmem:s1+$0xFFFFFF50] =	vst v42;
	v55 =	vmul.f32 v55, v8;
	v8 =	vld [tilespmem:s17+$0xFFFFFF40]  }
0x2df: {  	v11 =	vperm.xlane v26, v15;
	v53 =	vperm.xlane v32, v4;
	v18 =	vmul.u32 $0x90, v34;
	v34 =	vpop (erf);
	[tilespmem:s21+$0xFFFFFFA0] =	vst v6;
	v6 =	vld [tilespmem:s2+$0xFFFFFF80]  }
0x2e0: {  	v3 =	vmax.f32 v3, v19;
	v41 =	vperm.xlane v34, v17;
	v9 =	vmul.f32 v56, v9;
	v7 =	vld [tilespmem:s8+$0xFFFFFFC0];
	[tilespmem:s1+$0x60] =	vst v55  }
0x2e1: {  	v63 =	vmul.u32 $0x90, v49;
	v3 =	vmul.f32 $1.442695020e+00, v3;
	v56 =	vmul.f32 v54, v52;
	v19 =	vld [tilespmem:s2+$0x70]  }
0x2e2: {  	s24 =	simm.s32 $0x18;
	v42 =	vmul.f32 v50, v11;
	v50 =	vadd.s32 v20, v18;
	v12 =	vmul.f32 v12, v48;
	[tilespmem:s16+$0xD0] =	vst v9  }
0x2e3: {  	v18 =	vperm.xlane v22, v13;
	(erf) = vpow2.f32 v3;
	v3 =	vor.u32 s24, v2;
	[tilespmem:s16+$0xFFFFFFD0] =	vst v56;
	v15 =	vld [tilespmem:s19+$0xD0]  }
0x2e4: {  	v49 =	vmul.u32 $0x90, v3;
	v48 =	vperm.xlane v26, v16;
	v56 =	vperm.xlane v34, v59;
	[tilespmem:s21+$0x90] =	vst v12;
	v17 =	vld [tilespmem:s19+$0xFFFFFFF0]  }
0x2e5: {  	s12 =	simm.s32 $0x29F0;
	[tilespmem:v0+s10+$0x0] =	vst.idx.msk $0xffff, v34;
	v59 =	vld [tilespmem:s8+$0x90];
	v0 =	vmul.f32 v8, v18;
	v18 =	vshll.u32 v3, $0x4;
	v6 =	vmul.f32 v6, v58  }
0x2e6: {  	v58 =	vld [tilespmem:s12+$0xFFFFFF00];
	v62 =	vmul.f32 v7, v53;
	v3 =	vmul.f32 v19, v57;
	v19 =	vimm.s32 $0xF  }
0x2e7: {  	v55 =	vor.u32 v60, v18;
	v60 =	vld [tilespmem:s17+$0x30];
	v61 =	vor.u32 v61, v18;
	[tilespmem:s22+$0xFFFFFF20] =	vst v0;
	v57 =	vperm.xlane v40, v19  }
0x2e8: {  	s5 =	simm.s32 $0x55D0;
	s14 =	simm.s32 $0xC;
	v1 =	vimm.s32 $0x9;
	[tilespmem:s1+$0xFFFFFF70] =	vst v6;
	v54 =	vld [tilespmem:s17+$0xFFFFFF50];
	v0 =	vmul.f32 v15, v51;
	v53 =	vperm.xlane v38, v19  }
0x2e9: {  	s18 =	simm.s32 $0x2BF0;
	s20 =	simm.s32 $0x1C;
	s4 =	simm.s32 $0x55D0;
	v52 =	vadd.s32 v20, v63;
	v63 =	vld [tilespmem:s2+$0xFFFFFF90];
	v51 =	vperm.xlane v28, v1;
	[tilespmem:s1+$0x70] =	vst v3;
	v57 =	vmul.f32 v17, v57  }
.LBB2_12:
0x2ea: {  	v15 =	vld [tilespmem:$0x1FFC0];
	_ =	sdelay $0x1  }
0x2eb: {  	v3 =	vld.idx.msk [tilespmem:v61+s0+$0x0], $0xffff  }
0x2ec: {  	v4 =	vld [tilespmem:$0x1FFD0]  }
0x2ed: {  	s24 =	sadd.s32 $0x2, s20;
	v5 =	vld [tilespmem:$0x1FFF0];
	[tilespmem:s16+$0xE0] =	vst v0  }
0x2ee: {  	[tilespmem:s21+$0xFFFFFFB0] =	vst v62;
	v7 =	vmul.f32 v58, v56;
	v9 =	vld [tilespmem:s19+$0xE0];
	v8 =	vmul.f32 v59, v51;
	v0 =	vor.u32 s24, v15  }
0x2ef: {  	[tilespmem:v50+s10+$0x0] =	vst.idx.msk $0xffff, v31;
	v11 =	vmul.f32 v60, v44;
	v10 =	vshll.u32 v0, $0x4;
	v51 =	vmul.u32 $0x90, v0;
	v0 =	vld.idx.msk [tilespmem:v55+s31+$0x0], $0xffff  }
0x2f0: {  	v18 =	vimm.s32 $0x9;
	v19 =	vimm.s32 $0xD;
	[tilespmem:s5+$0xFFFFFEE0] =	vst v7;
	v7 =	vld [tilespmem:s12+$0x0]  }
0x2f1: {  	v38 =	vmovc v21;
	v16 =	vimm.s32 $0xA;
	v6 =	vperm.xlane v24, v18;
	v2 =	vmul.f32 v54, v39;
	[tilespmem:s22+$0x30] =	vst v11;
	v50 =	vld [tilespmem:s12+$0xFFFFFF10]  }
0x2f2: {  	v21 =	vmovc v26;
	v26 =	vmovc v31;
	v1 =	vimm.s32 $0xE;
	v14 =	vimm.s32 $0x1;
	v40 =	vperm.xlane v28, v19;
	v11 =	vld [tilespmem:s17+$0x40];
	[tilespmem:s21+$0xA0] =	vst v8  }
0x2f3: {  	v20 =	vimm.s32 $0x4;
	v56 =	vperm.xlane v32, v1;
	v54 =	vmovc v22;
	v22 =	vmovc v27;
	v6 =	vmul.f32 v63, v6;
	[tilespmem:s22+$0xFFFFFF30] =	vst v2;
	v2 =	vld [tilespmem:$0x1FF80]  }
0x2f4: {  	v27 =	vmovc v34;
	v39 =	vmovc v37;
	v37 =	vmov v41;
	v41 =	vperm.xlane v38, v20;
	v9 =	vmul.f32 v9, v36;
	v59 =	vld [tilespmem:s8+$0xA0]  }
0x2f5: {  	v34 =	vperm.xlane v27, v14;
	v12 =	vor.u32 v4, v10;
	v10 =	vor.u32 v5, v10;
	v58 =	vpop (erf);
	v60 =	vld [tilespmem:s17+$0xFFFFFF60];
	[tilespmem:s1+$0xFFFFFF80] =	vst v6  }
0x2f6: {  	v25 =	vimm.s32 $0x0;
	v44 =	vmovc v48;
	v8 =	vperm.xlane v28, v16;
	v31 =	vmovc v58;
	v48 =	vld [tilespmem:s2+$0xFFFFFFA0];
	[tilespmem:s16+$0xF0] =	vst v9;
	v0 =	vadd.f32 v3, v0  }
0x2f7: {  	v36 =	vmovc v33;
	v33 =	vmov v29;
	v6 =	vperm.xlane v24, v16;
	[tilespmem:s11+$0xFFFFFEF0] =	vst v47;
	v61 =	vld [tilespmem:s19+$0xF0];
	v3 =	vperm.xlane v31, v25  }
0x2f8: {  	v16 =	vimm.s32 $0x6;
	s19 =	smov.u32 s8;
	v63 =	vld [tilespmem:s3+$0xFFFFFF20];
	[tilespmem:s16+$0xFFFFFFE0] =	vst v57;
	v7 =	vmul.f32 v7, v45;
	v29 =	vmovc v2;
	v2 =	vmovc v30;
	v62 =	vmul.f32 $2.000000030e-01, v0  }
0x2f9: {  	v17 =	vimm.s32 $0xC;
	v9 =	vperm.xlane v54, v16;
	s8 =	smov.u32 s2;
	v11 =	vmul.f32 v11, v41;
	v45 =	vmovc v3;
	[tilespmem:$0x1FF80] =	vst v2;
	v3 =	vld [tilespmem:s19+$0xFFFFFFD0]  }
0x2fa: {  	v55 =	vperm.xlane v28, v17;
	s2 =	smov.u32 s17;
	s17 =	smov.u32 s3;
	s3 =	smov.u32 s12;
	[tilespmem:s4+$0x0] =	vst v7;
	v59 =	vmul.f32 v59, v8;
	v2 =	vld [tilespmem:$0x1FFE0];
	v0 =	vmax.f32 v0, v62  }
0x2fb: {  	v9 =	vmul.f32 v60, v9;
	v8 =	vld [tilespmem:s3+$0x10];
	[tilespmem:s22+$0x40] =	vst v11;
	v0 =	vmul.f32 $1.442695020e+00, v0  }
0x2fc: {  	v6 =	vmul.f32 v48, v6;
	v62 =	vperm.xlane v32, v19;
	v19 =	vld [tilespmem:s2+$0x50];
	[tilespmem:s21+$0xB0] =	vst v59  }
0x2fd: {  	v13 =	vimm.s32 $0xB;
	[tilespmem:s22+$0xFFFFFF40] =	vst v9;
	v57 =	vld [tilespmem:s19+$0xB0];
	(erf) = vpow2.f32 v0;
	v0 =	vmul.f32 v63, v46  }
0x2fe: {  	v58 =	vperm.xlane v28, v13;
	v59 =	vimm.s32 $0x5;
	v60 =	vmul.f32 v61, v53;
	v10 =	vld.idx.msk [tilespmem:v10+s0+$0x0], $0xffff;
	[tilespmem:s1+$0xFFFFFF90] =	vst v6  }
0x2ff: {  	v41 =	vperm.xlane v38, v59;
	v6 =	vld.idx.msk [tilespmem:v12+s31+$0x0], $0xffff;
	v3 =	vmul.f32 v3, v62;
	[tilespmem:s11+$0xFFFFFF00] =	vst v0  }
0x300: {  	v47 =	vmul.f32 v50, v34;
	[tilespmem:s16+$0x100] =	vst v60;
	s16 =	smov.u32 s21;
	s21 =	smov.u32 s1;
	v8 =	vmul.f32 v8, v43;
	v0 =	vld [tilespmem:s2+$0xFFFFFF70]  }
0x301: {  	v61 =	vperm.xlane v31, v14;
	s1 =	smov.u32 s22;
	s22 =	smov.u32 s11;
	v62 =	vimm.s32 $0x2;
	s11 =	smov.u32 s4;
	v7 =	vmul.f32 v19, v41;
	v63 =	vld [tilespmem:s17+$0xFFFFFF30];
	[tilespmem:s16+$0xFFFFFFC0] =	vst v3  }
0x302: {  	v46 =	vperm.xlane v27, v62;
	v19 =	vimm.s32 $0x8;
	[tilespmem:s11+$0x10] =	vst v8;
	v9 =	vmul.f32 v57, v58;
	v3 =	vld [tilespmem:s8+$0xFFFFFFB0]  }
0x303: {  	v30 =	vmovc v35;
	v53 =	vimm.s32 $0x7;
	v43 =	vmovc v61;
	v61 =	vperm.xlane v26, v62;
	v35 =	vperm.xlane v23, v19;
	v12 =	vld [tilespmem:s3+$0x20];
	[tilespmem:s1+$0x50] =	vst v7  }
0x304: {  	v57 =	vperm.xlane v54, v53;
	v7 =	vperm.xlane v24, v13;
	v13 =	vimm.s32 $0x3;
	v60 =	vld [tilespmem:s2+$0x60];
	[tilespmem:s16+$0xC0] =	vst v9  }
0x305: {  	v8 =	vperm.xlane v24, v17;
	v58 =	vperm.xlane v22, v13;
	v62 =	vld [tilespmem:s19+$0xC0]  }
0x306: {  	v53 =	vperm.xlane v38, v53;
	v6 =	vadd.f32 v10, v6;
	v0 =	vmul.f32 v0, v57;
	v57 =	vld [tilespmem:s19+$0xFFFFFFE0]  }
0x307: {  	v11 =	vmul.f32 v63, v58;
	v63 =	vperm.xlane v38, v16  }
0x308: {  	v50 =	vmov v52;
	v14 =	vmul.f32 $2.000000030e-01, v6;
	[tilespmem:s1+$0xFFFFFF50] =	vst v0;
	v0 =	vmul.f32 v3, v7  }
0x309: {  	v52 =	vadd.s32 v2, v49;
	v48 =	vperm.xlane v26, v13;
	v34 =	vpop (erf);
	[tilespmem:s22+$0xFFFFFF10] =	vst v11;
	v7 =	vld [tilespmem:s8+$0x80];
	v16 =	vmul.f32 v60, v63  }
0x30a: {  	v41 =	vperm.xlane v34, v59;
	v9 =	vld [tilespmem:s17+$0xFFFFFF40];
	v10 =	vmul.f32 v62, v55;
	[tilespmem:s21+$0xFFFFFFA0] =	vst v0  }
0x30b: {  	v6 =	vmax.f32 v6, v14;
	v11 =	vperm.xlane v54, v19;
	[tilespmem:s1+$0x60] =	vst v16;
	v59 =	vld [tilespmem:s2+$0xFFFFFF80];
	v19 =	vmul.f32 v57, v56  }
0x30c: {  	v14 =	vperm.xlane v22, v20;
	v6 =	vmul.f32 $1.442695020e+00, v6;
	v0 =	vor.u32 s20, v15;
	v15 =	vld [tilespmem:s2+$0x70];
	[tilespmem:s16+$0xD0] =	vst v10  }
0x30d: {  	v3 =	vmul.f32 v12, v61;
	v17 =	vshll.u32 v0, $0x4;
	v49 =	vmul.u32 $0x90, v0;
	v0 =	vld [tilespmem:s8+$0xFFFFFFC0];
	[tilespmem:s16+$0xFFFFFFD0] =	vst v19  }
0x30e: {  	s14 =	sadd.s32 $0x2, s14;
	(erf) = vpow2.f32 v6;
	v10 =	vld [tilespmem:s19+$0xD0];
	v7 =	vmul.f32 v7, v35;
	[tilespmem:v52+s10+$0x0] =	vst.idx.msk $0xffff, v34  }
0x30f: {  	p0 =	slt.u32 s14, $0x12;
	v56 =	vperm.xlane v34, v25;
	v55 =	vor.u32 v4, v17;
	v61 =	vor.u32 v5, v17;
	[tilespmem:s22+$0x20] =	vst v42;
	v17 =	vld [tilespmem:s19+$0xFFFFFFF0]  }
.Ltmp6:
0x310: {  	v35 =	vperm.xlane v31, v1;
	v19 =	vimm.s32 $0xF;
	v16 =	vmul.f32 v9, v14;
	v58 =	vld [tilespmem:s18+$0xFFFFFF00];
	[tilespmem:s21+$0x90] =	vst v7;
	(pc) =	sbr.rel @p0 .LBB2_12-.Ltmp6, $4  }
0x311: {  	v42 =	vmovc v3;
	v57 =	vperm.xlane v32, v19;
	v32 =	vmov v24;
	v11 =	vmul.f32 v59, v11;
	v59 =	vld [tilespmem:s8+$0x90]  }
0x312: {  	v52 =	vadd.s32 v2, v51;
	v62 =	vmul.f32 v0, v8;
	[tilespmem:s22+$0xFFFFFF20] =	vst v16;
	v60 =	vld [tilespmem:s17+$0x30];
	v3 =	vmul.f32 v15, v53  }
0x313: {  	s5 =	sadd.s32 $0x240, s5;
	s12 =	smov.u32 s18;
	v24 =	vmovc v54;
	v53 =	vperm.xlane v28, v19;
	v28 =	vmov v23;
	v54 =	vld [tilespmem:s17+$0xFFFFFF50];
	v0 =	vmul.f32 v10, v40;
	[tilespmem:s1+$0xFFFFFF70] =	vst v11  }
0x314: {  	s4 =	smov.u32 s5;
	s20 =	sadd.s32 $0x4, s20;
	s18 =	sadd.s32 $0x200, s18;
	v23 =	vmov v38;
	v51 =	vperm.xlane v28, v18;
	[tilespmem:s1+$0x70] =	vst v3;
	v63 =	vld [tilespmem:s2+$0xFFFFFF90];
	v57 =	vmul.f32 v17, v57  }
0x315: {  	_ =	sdelay $0x3  }
0x316: {  	v3 =	vld.idx.msk [tilespmem:v61+s0+$0x0], $0xffff  }
0x317: {  	v6 =	vld.idx.msk [tilespmem:v55+s31+$0x0], $0xffff  }
0x318: {  	[tilespmem:s16+$0xE0] =	vst v0  }
0x319: {  	[tilespmem:s21+$0xFFFFFFB0] =	vst v62;
	v7 =	vmul.f32 v60, v44  }
0x31a: {  	v8 =	vmul.f32 v58, v56;
	[tilespmem:v50+s10+$0x0] =	vst.idx.msk $0xffff, v31;
	v5 =	vimm.s32 $0x9;
	v0 =	vld [tilespmem:s19+$0xE0]  }
0x31b: {  	v9 =	vperm.xlane v24, v5;
	v10 =	vmul.f32 v59, v51;
	[tilespmem:s22+$0x30] =	vst v7  }
0x31c: {  	[tilespmem:s5+$0xFFFFFEE0] =	vst v8;
	v3 =	vadd.f32 v3, v6;
	v6 =	vmul.f32 v54, v39;
	v7 =	vld [tilespmem:s17+$0x40]  }
0x31d: {  	v11 =	vld [tilespmem:s12+$0x0];
	[tilespmem:s21+$0xA0] =	vst v10;
	v8 =	vmul.f32 v63, v9  }
0x31e: {  	v54 =	vimm.s32 $0x4;
	v9 =	vmul.f32 $2.000000030e-01, v3;
	[tilespmem:s22+$0xFFFFFF30] =	vst v6;
	v6 =	vld [tilespmem:s8+$0xA0]  }
0x31f: {  	v17 =	vimm.s32 $0xA;
	v0 =	vmul.f32 v0, v36;
	[tilespmem:s1+$0xFFFFFF80] =	vst v8;
	v8 =	vperm.xlane v21, v54;
	v10 =	vld [tilespmem:s17+$0xFFFFFF60]  }
0x320: {  	[tilespmem:s11+$0xFFFFFEF0] =	vst v47;
	v3 =	vmax.f32 v3, v9;
	v9 =	vperm.xlane v28, v17  }
0x321: {  	v55 =	vimm.s32 $0x6;
	[tilespmem:s16+$0xF0] =	vst v0;
	v0 =	vmul.f32 $1.442695020e+00, v3;
	v7 =	vmul.f32 v7, v8  }
0x322: {  	[tilespmem:s16+$0xFFFFFFE0] =	vst v57;
	v3 =	vmul.f32 v11, v45;
	v8 =	vperm.xlane v22, v55  }
0x323: {  	v6 =	vmul.f32 v6, v9;
	[tilespmem:s22+$0x40] =	vst v7  }
0x324: {  	v56 =	vld [tilespmem:s3+$0xFFFFFF20];
	[tilespmem:s4+$0x0] =	vst v3;
	v3 =	vmul.f32 v10, v8  }
0x325: {  	v12 =	vld [tilespmem:s2+$0xFFFFFFA0];
	[tilespmem:s21+$0xB0] =	vst v6  }
0x326: {  	v11 =	vld [tilespmem:s19+$0xF0];
	[tilespmem:s22+$0xFFFFFF40] =	vst v3  }
0x327: {  	(erf) = vpow2.f32 v0;
	v2 =	vld [tilespmem:$0x1FFE0]  }
0x328: {  	v38 =	vld [tilespmem:s8+$0xFFFFFFD0];
	v0 =	vperm.xlane v24, v17  }
0x329: {  	v7 =	vld [tilespmem:s17+$0x50]  }
0x32a: {  	v1 =	vimm.s32 $0xD;
	v0 =	vmul.f32 v12, v0  }
0x32b: {  	v16 =	vimm.s32 $0x5;
	v6 =	vperm.xlane v32, v1;
	v3 =	vmul.f32 v11, v53  }
0x32c: {  	v8 =	vperm.xlane v21, v16;
	v9 =	vld [tilespmem:s8+$0xB0];
	v11 =	vmul.f32 v56, v46;
	[tilespmem:s1+$0xFFFFFF90] =	vst v0;
	v10 =	vadd.s32 v2, v49  }
0x32d: {  	v0 =	vld [tilespmem:s12+$0x10];
	v6 =	vmul.f32 v38, v6;
	[tilespmem:s16+$0x100] =	vst v3  }
0x32e: {  	v18 =	vimm.s32 $0xB;
	[tilespmem:s11+$0xFFFFFF00] =	vst v11;
	v3 =	vld [tilespmem:s17+$0xFFFFFF70];
	v7 =	vmul.f32 v7, v8  }
0x32f: {  	v36 =	vpop (erf);
	v8 =	vperm.xlane v28, v18;
	v11 =	vld [tilespmem:s3+$0xFFFFFF30];
	[tilespmem:s21+$0xFFFFFFC0] =	vst v6  }
0x330: {  	v19 =	vimm.s32 $0x7;
	v6 =	vld [tilespmem:s2+$0xFFFFFFB0];
	[tilespmem:s22+$0x50] =	vst v7;
	v38 =	vpop (erf)  }
0x331: {  	v7 =	vmul.f32 v9, v8;
	v8 =	vperm.xlane v22, v19;
	v9 =	vld [tilespmem:s17+$0x60];
	v2 =	vimm.s32 $0x3;
	[tilespmem:v10+s10+$0x0] =	vst.idx.msk $0xffff, v38  }
0x332: {  	[tilespmem:v52+s10+$0x0] =	vst.idx.msk $0xffff, v36;
	v0 =	vmul.f32 v0, v43;
	v10 =	vperm.xlane v27, v2;
	v12 =	vld [tilespmem:s18+$0xFFFFFF00]  }
0x333: {  	v58 =	vperm.xlane v24, v18;
	[tilespmem:s21+$0xC0] =	vst v7;
	v3 =	vmul.f32 v3, v8;
	v7 =	vld [tilespmem:s18+$0x0]  }
0x334: {  	v4 =	vimm.s32 $0x0;
	[tilespmem:s4+$0x10] =	vst v0;
	v0 =	vld [tilespmem:s8+$0xC0];
	v8 =	vmul.f32 v11, v10;
	v10 =	vperm.xlane v21, v55  }
0x335: {  	[tilespmem:s22+$0xFFFFFF50] =	vst v3;
	v3 =	vmul.f32 v6, v58;
	v6 =	vperm.xlane v38, v4;
	v11 =	vld [tilespmem:s8+$0xFFFFFFE0]  }
0x336: {  	v13 =	vimm.s32 $0xC;
	v59 =	vperm.xlane v36, v4;
	[tilespmem:s11+$0xFFFFFF10] =	vst v8;
	v8 =	vld [tilespmem:s2+$0x80];
	v9 =	vmul.f32 v9, v10  }
0x337: {  	v4 =	vimm.s32 $0xE;
	[tilespmem:s1+$0xFFFFFFA0] =	vst v3;
	v10 =	vperm.xlane v28, v13;
	v3 =	vmul.f32 v12, v6  }
0x338: {  	s20 =	sadd.s32 $0x240, s5;
	v14 =	vimm.s32 $0x8;
	v7 =	vmul.f32 v7, v59;
	v6 =	vld [tilespmem:s12+$0xFFFFFF10];
	v12 =	vperm.xlane v32, v4;
	[tilespmem:s22+$0x60] =	vst v9  }
0x339: {  	v60 =	vld [tilespmem:s3+$0xFFFFFF40];
	v9 =	vperm.xlane v23, v14;
	v0 =	vmul.f32 v0, v10;
	[tilespmem:s20+$0xFFFFFEE0] =	vst v3  }
0x33a: {  	[tilespmem:s20+$0x0] =	vst v7;
	v3 =	vmul.f32 v11, v12;
	v12 =	vimm.s32 $0x1;
	v10 =	vld [tilespmem:s18+$0xFFFFFF10]  }
0x33b: {  	[tilespmem:s21+$0xD0] =	vst v0;
	v7 =	vperm.xlane v34, v12;
	v0 =	vmul.f32 v8, v9;
	v8 =	vld [tilespmem:s18+$0x10]  }
0x33c: {  	v11 =	vperm.xlane v27, v54;
	v9 =	vld [tilespmem:s17+$0xFFFFFF80];
	[tilespmem:s21+$0xFFFFFFD0] =	vst v3  }
0x33d: {  	v3 =	vmul.f32 v6, v7;
	v6 =	vld [tilespmem:s17+$0x70];
	[tilespmem:s1+$0x90] =	vst v0;
	v0 =	vperm.xlane v38, v12  }
0x33e: {  	[tilespmem:s11+$0x20] =	vst v42;
	v11 =	vmul.f32 v60, v11;
	v7 =	vperm.xlane v36, v12;
	v12 =	vld [tilespmem:s8+$0xD0]  }
0x33f: {  	v61 =	vperm.xlane v22, v14;
	v40 =	vld [tilespmem:s2+$0xFFFFFFC0];
	[tilespmem:s4+$0xFFFFFEF0] =	vst v3;
	v0 =	vmul.f32 v10, v0  }
0x340: {  	[tilespmem:s11+$0xFFFFFF20] =	vst v11;
	v3 =	vperm.xlane v21, v19;
	v10 =	vld [tilespmem:s12+$0xFFFFFF20];
	v7 =	vmul.f32 v8, v7  }
0x341: {  	v11 =	vld [tilespmem:s12+$0x20];
	v8 =	vperm.xlane v28, v1;
	v9 =	vmul.f32 v9, v61;
	[tilespmem:s20+$0xFFFFFEF0] =	vst v0  }
0x342: {  	v15 =	vimm.s32 $0x2;
	v0 =	vperm.xlane v24, v13;
	v3 =	vmul.f32 v6, v3;
	[tilespmem:s20+$0x10] =	vst v7;
	v6 =	vld [tilespmem:s18+$0xFFFFFF20]  }
0x343: {  	v7 =	vperm.xlane v34, v15;
	[tilespmem:s22+$0xFFFFFF70] =	vst v9;
	v8 =	vmul.f32 v12, v8;
	v9 =	vld [tilespmem:s18+$0x20]  }
0x344: {  	v62 =	vld [tilespmem:s3+$0x30];
	v12 =	vperm.xlane v31, v15;
	v0 =	vmul.f32 v40, v0;
	[tilespmem:s22+$0x70] =	vst v3  }
0x345: {  	v3 =	vld [tilespmem:s2+$0x90];
	[tilespmem:s21+$0xE0] =	vst v8;
	v8 =	vperm.xlane v38, v15;
	v7 =	vmul.f32 v10, v7  }
0x346: {  	v10 =	vmul.f32 v11, v12;
	v11 =	vld [tilespmem:s3+$0xFFFFFF50];
	[tilespmem:s1+$0xFFFFFFB0] =	vst v0;
	v0 =	vperm.xlane v36, v15  }
0x347: {  	v12 =	vld [tilespmem:s17+$0xFFFFFF90];
	[tilespmem:s4+$0xFFFFFF00] =	vst v7;
	v6 =	vmul.f32 v6, v8  }
0x348: {  	v7 =	vperm.xlane v23, v5;
	[tilespmem:s4+$0x20] =	vst v10;
	v8 =	vld [tilespmem:s12+$0xFFFFFF30];
	v0 =	vmul.f32 v9, v0  }
0x349: {  	v9 =	vmul.f32 v62, v48;
	v10 =	vld [tilespmem:s12+$0x30];
	[tilespmem:s20+$0xFFFFFF00] =	vst v6  }
0x34a: {  	v3 =	vmul.f32 v3, v7;
	v6 =	vperm.xlane v22, v5;
	[tilespmem:s20+$0x20] =	vst v0;
	v7 =	vld [tilespmem:s18+$0xFFFFFF30]  }
0x34b: {  	v0 =	vmul.f32 v11, v37;
	[tilespmem:s11+$0x30] =	vst v9;
	v9 =	vperm.xlane v34, v2;
	v11 =	vld [tilespmem:s18+$0x30]  }
0x34c: {  	v63 =	vperm.xlane v31, v2;
	v25 =	vld [tilespmem:s8+$0xE0];
	[tilespmem:s1+$0xA0] =	vst v3;
	v6 =	vmul.f32 v12, v6  }
0x34d: {  	v3 =	vld [tilespmem:s8+$0xFFFFFFF0];
	[tilespmem:s11+$0xFFFFFF30] =	vst v0;
	v0 =	vmul.f32 v8, v9;
	v8 =	vperm.xlane v38, v2  }
0x34e: {  	v9 =	vld [tilespmem:s3+$0x40];
	v10 =	vmul.f32 v10, v63;
	[tilespmem:s22+$0xFFFFFF80] =	vst v6;
	v6 =	vperm.xlane v36, v2  }
0x34f: {  	v12 =	vld [tilespmem:s2+$0xA0];
	v2 =	vimm.s32 $0xF;
	[tilespmem:s4+$0xFFFFFF10] =	vst v0;
	v0 =	vmul.f32 v7, v8  }
0x350: {  	[tilespmem:s4+$0x30] =	vst v10;
	v7 =	vperm.xlane v32, v2;
	v8 =	vld [tilespmem:s12+$0xFFFFFF40];
	v6 =	vmul.f32 v11, v6  }
0x351: {  	v10 =	vmul.f32 v25, v33;
	v11 =	vperm.xlane v26, v54;
	v39 =	vld [tilespmem:s12+$0x40];
	[tilespmem:s20+$0xFFFFFF10] =	vst v0  }
0x352: {  	v0 =	vmul.f32 v3, v7;
	v3 =	vperm.xlane v23, v17;
	[tilespmem:s20+$0x30] =	vst v6;
	v7 =	vld [tilespmem:s18+$0xFFFFFF40]  }
0x353: {  	[tilespmem:s21+$0xF0] =	vst v10;
	v6 =	vmul.f32 v9, v11;
	v9 =	vperm.xlane v34, v54;
	v10 =	vld [tilespmem:s18+$0x40]  }
0x354: {  	v11 =	vld [tilespmem:s3+$0xFFFFFF60];
	[tilespmem:s21+$0xFFFFFFE0] =	vst v0;
	v0 =	vmul.f32 v12, v3;
	v3 =	vperm.xlane v31, v54  }
0x355: {  	v12 =	vld [tilespmem:s17+$0xFFFFFFA0];
	[tilespmem:s11+$0x40] =	vst v6;
	v6 =	vmul.f32 v8, v9;
	v8 =	vperm.xlane v38, v54  }
0x356: {  	v9 =	vld [tilespmem:s8+$0xF0];
	[tilespmem:s1+$0xB0] =	vst v0;
	v0 =	vmul.f32 v39, v3;
	v3 =	vperm.xlane v36, v54  }
0x357: {  	v40 =	vperm.xlane v27, v55;
	v42 =	vld [tilespmem:s3+$0x50];
	[tilespmem:s4+$0xFFFFFF20] =	vst v6;
	v6 =	vmul.f32 v7, v8  }
0x358: {  	v7 =	vperm.xlane v22, v17;
	v8 =	vld [tilespmem:s12+$0xFFFFFF50];
	[tilespmem:s4+$0x40] =	vst v0;
	v0 =	vmul.f32 v10, v3  }
0x359: {  	v3 =	vperm.xlane v28, v2;
	v10 =	vmul.f32 v11, v40;
	v11 =	vld [tilespmem:s12+$0x50];
	[tilespmem:s20+$0xFFFFFF20] =	vst v6  }
0x35a: {  	v6 =	vmul.f32 v12, v7;
	v7 =	vperm.xlane v26, v16;
	[tilespmem:s20+$0x40] =	vst v0;
	v12 =	vld [tilespmem:s18+$0xFFFFFF50]  }
0x35b: {  	[tilespmem:s11+$0xFFFFFF40] =	vst v10;
	v0 =	vmul.f32 v9, v3;
	v3 =	vld [tilespmem:s18+$0x50]  }
0x35c: {  	v9 =	vld [tilespmem:s2+$0xFFFFFFD0];
	[tilespmem:s22+$0xFFFFFF90] =	vst v6;
	v6 =	vmul.f32 v42, v7;
	v7 =	vperm.xlane v31, v16  }
0x35d: {  	v43 =	vld [tilespmem:s2+$0xB0];
	v10 =	vperm.xlane v38, v16;
	[tilespmem:s21+$0x100] =	vst v0;
	v0 =	vmul.f32 v8, v41  }
0x35e: {  	v8 =	vld [tilespmem:s3+$0xFFFFFF70];
	[tilespmem:s11+$0x50] =	vst v6;
	v6 =	vmul.f32 v11, v7;
	v7 =	vperm.xlane v36, v16  }
0x35f: {  	v11 =	vperm.xlane v24, v1;
	v45 =	vld [tilespmem:s3+$0x60];
	[tilespmem:s4+$0xFFFFFF30] =	vst v0;
	v0 =	vmul.f32 v12, v10  }
0x360: {  	v10 =	vperm.xlane v23, v18;
	v12 =	vld [tilespmem:s12+$0xFFFFFF60];
	[tilespmem:s4+$0x50] =	vst v6;
	v3 =	vmul.f32 v3, v7  }
0x361: {  	v6 =	vmul.f32 v9, v11;
	v7 =	vperm.xlane v27, v19;
	v9 =	vld [tilespmem:s12+$0x60];
	[tilespmem:s20+$0xFFFFFF30] =	vst v0  }
0x362: {  	v0 =	vmul.f32 v43, v10;
	v10 =	vperm.xlane v26, v55;
	[tilespmem:s20+$0x50] =	vst v3;
	v11 =	vld [tilespmem:s18+$0xFFFFFF60]  }
0x363: {  	[tilespmem:s1+$0xFFFFFFC0] =	vst v6;
	v3 =	vmul.f32 v8, v7;
	v6 =	vperm.xlane v34, v55;
	v7 =	vld [tilespmem:s18+$0x60]  }
0x364: {  	v8 =	vld [tilespmem:s17+$0xFFFFFFB0];
	[tilespmem:s1+$0xC0] =	vst v0;
	v0 =	vmul.f32 v45, v10;
	v10 =	vperm.xlane v31, v55  }
0x365: {  	[tilespmem:s11+$0xFFFFFF50] =	vst v3;
	v46 =	vld [tilespmem:s2+$0xC0];
	v3 =	vmul.f32 v12, v6;
	v6 =	vperm.xlane v38, v55  }
0x366: {  	v12 =	vld [tilespmem:s2+$0xFFFFFFE0];
	[tilespmem:s11+$0x60] =	vst v0;
	v0 =	vmul.f32 v9, v10;
	v9 =	vperm.xlane v36, v55  }
0x367: {  	v10 =	vperm.xlane v22, v18;
	v47 =	vld [tilespmem:s3+$0x70];
	[tilespmem:s4+$0xFFFFFF40] =	vst v3;
	v3 =	vmul.f32 v11, v6  }
0x368: {  	v6 =	vperm.xlane v23, v13;
	v11 =	vld [tilespmem:s12+$0xFFFFFF70];
	[tilespmem:s4+$0x60] =	vst v0;
	v0 =	vmul.f32 v7, v9  }
0x369: {  	v7 =	vperm.xlane v24, v4;
	v8 =	vmul.f32 v8, v10;
	v9 =	vld [tilespmem:s12+$0x70];
	[tilespmem:s20+$0xFFFFFF40] =	vst v3  }
0x36a: {  	v3 =	vperm.xlane v26, v19;
	v6 =	vmul.f32 v46, v6;
	[tilespmem:s20+$0x60] =	vst v0;
	v10 =	vld [tilespmem:s18+$0xFFFFFF70]  }
0x36b: {  	[tilespmem:s22+$0xFFFFFFA0] =	vst v8;
	v0 =	vmul.f32 v12, v7;
	v7 =	vperm.xlane v34, v19;
	v8 =	vld [tilespmem:s18+$0x70]  }
0x36c: {  	v12 =	vld [tilespmem:s17+$0x80];
	[tilespmem:s1+$0xD0] =	vst v6;
	v3 =	vmul.f32 v47, v3;
	v6 =	vperm.xlane v31, v19  }
0x36d: {  	v48 =	vld [tilespmem:s3+$0xFFFFFF80];
	[tilespmem:s1+$0xFFFFFFD0] =	vst v0;
	v0 =	vmul.f32 v11, v7;
	v7 =	vperm.xlane v38, v19  }
0x36e: {  	v11 =	vld [tilespmem:s2+$0xD0];
	[tilespmem:s11+$0x70] =	vst v3;
	v3 =	vmul.f32 v9, v6;
	v6 =	vperm.xlane v36, v19  }
0x36f: {  	v9 =	vperm.xlane v21, v14;
	[tilespmem:s4+$0xFFFFFF50] =	vst v0;
	v0 =	vld [tilespmem:s3+$0x80];
	v7 =	vmul.f32 v10, v7  }
0x370: {  	v10 =	vperm.xlane v27, v14;
	v49 =	vld [tilespmem:s12+$0xFFFFFF80];
	[tilespmem:s4+$0x70] =	vst v3;
	v3 =	vmul.f32 v8, v6  }
0x371: {  	v6 =	vperm.xlane v23, v1;
	v8 =	vmul.f32 v12, v9;
	[tilespmem:s20+$0xFFFFFF50] =	vst v7;
	v7 =	vld [tilespmem:s12+$0x80]  }
0x372: {  	v9 =	vmul.f32 v48, v10;
	v10 =	vperm.xlane v26, v14;
	[tilespmem:s20+$0x70] =	vst v3;
	v12 =	vld [tilespmem:s18+$0xFFFFFF80]  }
0x373: {  	[tilespmem:s22+$0x90] =	vst v8;
	v3 =	vmul.f32 v11, v6;
	v6 =	vperm.xlane v34, v14;
	v8 =	vld [tilespmem:s18+$0x80]  }
0x374: {  	v11 =	vld [tilespmem:s17+$0xFFFFFFC0];
	[tilespmem:s11+$0xFFFFFF70] =	vst v9;
	v0 =	vmul.f32 v0, v10;
	v9 =	vperm.xlane v31, v14  }
0x375: {  	v10 =	vld [tilespmem:s17+$0x90];
	[tilespmem:s1+$0xE0] =	vst v3;
	v3 =	vmul.f32 v49, v6;
	v6 =	vperm.xlane v38, v14  }
0x376: {  	v50 =	vld [tilespmem:s3+$0xFFFFFF90];
	[tilespmem:s11+$0x90] =	vst v0;
	v0 =	vmul.f32 v7, v9;
	v7 =	vperm.xlane v36, v14  }
0x377: {  	v9 =	vperm.xlane v22, v13;
	v51 =	vld [tilespmem:s3+$0x90];
	[tilespmem:s4+$0xFFFFFF70] =	vst v3;
	v3 =	vmul.f32 v12, v6  }
0x378: {  	v6 =	vperm.xlane v21, v5;
	v12 =	vld [tilespmem:s12+$0xFFFFFF90];
	[tilespmem:s4+$0x90] =	vst v0;
	v0 =	vmul.f32 v8, v7  }
0x379: {  	v7 =	vmul.f32 v11, v9;
	v8 =	vperm.xlane v27, v5;
	v9 =	vld [tilespmem:s12+$0x90];
	[tilespmem:s20+$0xFFFFFF70] =	vst v3  }
0x37a: {  	v3 =	vmul.f32 v10, v6;
	v6 =	vperm.xlane v26, v5;
	v10 =	vld [tilespmem:s18+$0xFFFFFF90];
	[tilespmem:s20+$0x90] =	vst v0  }
0x37b: {  	[tilespmem:s22+$0xFFFFFFB0] =	vst v7;
	v0 =	vmul.f32 v50, v8;
	v7 =	vperm.xlane v34, v5;
	v8 =	vld [tilespmem:s18+$0x90]  }
0x37c: {  	v11 =	vld [tilespmem:s2+$0xE0];
	[tilespmem:s22+$0xA0] =	vst v3;
	v3 =	vmul.f32 v51, v6;
	v6 =	vperm.xlane v31, v5  }
0x37d: {  	v52 =	vld [tilespmem:s17+$0xA0];
	[tilespmem:s11+$0xFFFFFF80] =	vst v0;
	v0 =	vmul.f32 v12, v7;
	v7 =	vperm.xlane v38, v5  }
0x37e: {  	v12 =	vld [tilespmem:s3+$0xFFFFFFA0];
	[tilespmem:s11+$0xA0] =	vst v3;
	v3 =	vmul.f32 v9, v6;
	v6 =	vperm.xlane v36, v5  }
0x37f: {  	v9 =	vld [tilespmem:s3+$0xA0];
	[tilespmem:s4+$0xFFFFFF80] =	vst v0;
	v0 =	vmul.f32 v10, v7  }
0x380: {  	v7 =	vperm.xlane v21, v17;
	v10 =	vld [tilespmem:s12+$0xFFFFFFA0];
	[tilespmem:s4+$0xA0] =	vst v3;
	v3 =	vmul.f32 v8, v6  }
0x381: {  	v6 =	vmul.f32 v11, v29;
	v8 =	vperm.xlane v27, v17;
	v11 =	vld [tilespmem:s12+$0xA0];
	[tilespmem:s20+$0xFFFFFF80] =	vst v0  }
0x382: {  	v0 =	vmul.f32 v52, v7;
	v7 =	vperm.xlane v26, v17;
	v53 =	vld [tilespmem:s18+$0xFFFFFFA0];
	[tilespmem:s20+$0xA0] =	vst v3  }
0x383: {  	[tilespmem:s1+$0xF0] =	vst v6;
	v3 =	vmul.f32 v12, v8;
	v6 =	vperm.xlane v34, v17;
	v8 =	vld [tilespmem:s18+$0xA0]  }
0x384: {  	v12 =	vld [tilespmem:s2+$0xFFFFFFF0];
	[tilespmem:s22+$0xB0] =	vst v0;
	v0 =	vmul.f32 v9, v7;
	v7 =	vperm.xlane v31, v17  }
0x385: {  	v9 =	vld [tilespmem:s17+$0xB0];
	[tilespmem:s11+$0xFFFFFF90] =	vst v3;
	v3 =	vmul.f32 v10, v6;
	v6 =	vperm.xlane v38, v17  }
0x386: {  	v10 =	vld [tilespmem:s3+$0xFFFFFFB0];
	[tilespmem:s11+$0xB0] =	vst v0;
	v0 =	vmul.f32 v11, v7;
	v7 =	vperm.xlane v36, v17  }
0x387: {  	v11 =	vperm.xlane v24, v2;
	v54 =	vld [tilespmem:s3+$0xB0];
	[tilespmem:s4+$0xFFFFFF90] =	vst v3;
	v3 =	vmul.f32 v53, v6  }
0x388: {  	v6 =	vperm.xlane v21, v18;
	v55 =	vld [tilespmem:s12+$0xFFFFFFB0];
	[tilespmem:s4+$0xB0] =	vst v0;
	v0 =	vmul.f32 v8, v7  }
0x389: {  	v7 =	vmul.f32 v12, v11;
	v8 =	vperm.xlane v27, v18;
	v11 =	vld [tilespmem:s12+$0xB0];
	[tilespmem:s20+$0xFFFFFF90] =	vst v3  }
0x38a: {  	v3 =	vmul.f32 v9, v6;
	v6 =	vperm.xlane v26, v18;
	v9 =	vld [tilespmem:s18+$0xFFFFFFB0];
	[tilespmem:s20+$0xB0] =	vst v0  }
0x38b: {  	[tilespmem:s1+$0xFFFFFFE0] =	vst v7;
	v0 =	vmul.f32 v10, v8;
	v7 =	vperm.xlane v34, v18;
	v8 =	vld [tilespmem:s18+$0xB0]  }
0x38c: {  	v10 =	vld [tilespmem:s2+$0xF0];
	[tilespmem:s22+$0xC0] =	vst v3;
	v3 =	vmul.f32 v54, v6;
	v6 =	vperm.xlane v31, v18  }
0x38d: {  	v12 =	vld [tilespmem:s17+$0xC0];
	[tilespmem:s11+$0xFFFFFFA0] =	vst v0;
	v0 =	vmul.f32 v55, v7;
	v7 =	vperm.xlane v38, v18  }
0x38e: {  	v56 =	vld [tilespmem:s3+$0xFFFFFFC0];
	[tilespmem:s11+$0xC0] =	vst v3;
	v3 =	vmul.f32 v11, v6;
	v6 =	vperm.xlane v36, v18  }
0x38f: {  	v11 =	vperm.xlane v23, v2;
	v57 =	vld [tilespmem:s3+$0xC0];
	[tilespmem:s4+$0xFFFFFFA0] =	vst v0;
	v0 =	vmul.f32 v9, v7  }
0x390: {  	v7 =	vperm.xlane v21, v13;
	v9 =	vld [tilespmem:s12+$0xFFFFFFC0];
	[tilespmem:s4+$0xC0] =	vst v3;
	v3 =	vmul.f32 v8, v6  }
0x391: {  	v6 =	vmul.f32 v10, v11;
	v8 =	vperm.xlane v27, v13;
	v10 =	vld [tilespmem:s12+$0xC0];
	[tilespmem:s20+$0xFFFFFFA0] =	vst v0  }
0x392: {  	v0 =	vmul.f32 v12, v7;
	v7 =	vperm.xlane v26, v13;
	v11 =	vld [tilespmem:s18+$0xFFFFFFC0];
	[tilespmem:s20+$0xC0] =	vst v3  }
0x393: {  	[tilespmem:s1+$0x100] =	vst v6;
	v3 =	vmul.f32 v56, v8;
	v6 =	vperm.xlane v34, v13;
	v8 =	vld [tilespmem:s18+$0xC0]  }
0x394: {  	v12 =	vld [tilespmem:s17+$0xFFFFFFD0];
	[tilespmem:s22+$0xD0] =	vst v0;
	v0 =	vmul.f32 v57, v7;
	v7 =	vperm.xlane v31, v13  }
0x395: {  	v58 =	vld [tilespmem:s17+$0xD0];
	[tilespmem:s11+$0xFFFFFFB0] =	vst v3;
	v3 =	vmul.f32 v9, v6;
	v6 =	vperm.xlane v38, v13  }
0x396: {  	v9 =	vld [tilespmem:s3+$0xFFFFFFD0];
	[tilespmem:s11+$0xD0] =	vst v0;
	v0 =	vmul.f32 v10, v7;
	v7 =	vperm.xlane v36, v13  }
0x397: {  	v10 =	vperm.xlane v22, v1;
	v59 =	vld [tilespmem:s3+$0xD0];
	[tilespmem:s4+$0xFFFFFFB0] =	vst v3;
	v3 =	vmul.f32 v11, v6  }
0x398: {  	v6 =	vperm.xlane v21, v1;
	v11 =	vld [tilespmem:s12+$0xFFFFFFD0];
	[tilespmem:s4+$0xD0] =	vst v0;
	v0 =	vmul.f32 v8, v7  }
0x399: {  	v7 =	vmul.f32 v12, v10;
	v8 =	vperm.xlane v27, v1;
	v10 =	vld [tilespmem:s12+$0xD0];
	[tilespmem:s20+$0xFFFFFFB0] =	vst v3  }
0x39a: {  	v3 =	vmul.f32 v58, v6;
	v6 =	vperm.xlane v26, v1;
	v12 =	vld [tilespmem:s18+$0xFFFFFFD0];
	[tilespmem:s20+$0xD0] =	vst v0  }
0x39b: {  	[tilespmem:s22+$0xFFFFFFC0] =	vst v7;
	v0 =	vmul.f32 v9, v8;
	v7 =	vperm.xlane v34, v1  }
0x39c: {  	[tilespmem:s22+$0xE0] =	vst v3;
	v3 =	vmul.f32 v59, v6;
	v6 =	vperm.xlane v31, v1  }
0x39d: {  	[tilespmem:s11+$0xFFFFFFC0] =	vst v0;
	v0 =	vmul.f32 v11, v7;
	v7 =	vperm.xlane v38, v1  }
0x39e: {  	[tilespmem:s11+$0xE0] =	vst v3;
	v3 =	vmul.f32 v10, v6  }
0x39f: {  	v8 =	vld [tilespmem:s18+$0xD0];
	[tilespmem:s4+$0xFFFFFFC0] =	vst v0;
	v0 =	vmul.f32 v12, v7  }
0x3a0: {  	v9 =	vld [tilespmem:s17+$0xFFFFFFE0];
	[tilespmem:s4+$0xE0] =	vst v3  }
0x3a1: {  	v60 =	vld [tilespmem:s17+$0xE0];
	[tilespmem:s20+$0xFFFFFFC0] =	vst v0  }
0x3a2: {  	v0 =	vld [tilespmem:$0x1FF80]  }
0x3a3: {  	v11 =	vld [tilespmem:s3+$0xFFFFFFE0];
	v6 =	vperm.xlane v36, v1  }
0x3a4: {  	v10 =	vperm.xlane v22, v4;
	v61 =	vld [tilespmem:s3+$0xE0]  }
0x3a5: {  	v7 =	vld [tilespmem:s12+$0xFFFFFFE0];
	v3 =	vmul.f32 v8, v6  }
0x3a6: {  	v6 =	vmul.f32 v9, v10;
	v8 =	vperm.xlane v27, v4;
	v9 =	vld [tilespmem:s12+$0xE0]  }
0x3a7: {  	v10 =	vld [tilespmem:s18+$0xFFFFFFE0];
	[tilespmem:s20+$0xE0] =	vst v3;
	v0 =	vmul.f32 v60, v0  }
0x3a8: {  	[tilespmem:s22+$0xFFFFFFD0] =	vst v6;
	v3 =	vmul.f32 v11, v8;
	v6 =	vperm.xlane v34, v4;
	v8 =	vld [tilespmem:s18+$0xE0]  }
0x3a9: {  	v11 =	vld [tilespmem:s17+$0xFFFFFFF0];
	[tilespmem:s22+$0xF0] =	vst v0;
	v0 =	vmul.f32 v61, v30  }
0x3aa: {  	[tilespmem:s11+$0xFFFFFFD0] =	vst v3;
	v3 =	vmul.f32 v7, v6;
	v6 =	vperm.xlane v38, v4;
	v12 =	vld [tilespmem:s17+$0xF0]  }
0x3ab: {  	v7 =	vperm.xlane v36, v4;
	v62 =	vld [tilespmem:s3+$0xFFFFFFF0];
	[tilespmem:s11+$0xF0] =	vst v0;
	v0 =	vmul.f32 v9, v35  }
0x3ac: {  	[tilespmem:s4+$0xFFFFFFD0] =	vst v3;
	v3 =	vmul.f32 v10, v6;
	v9 =	vperm.xlane v22, v2;
	v63 =	vld [tilespmem:s3+$0xF0]  }
0x3ad: {  	v6 =	vperm.xlane v21, v2;
	v10 =	vld [tilespmem:s12+$0xFFFFFFF0];
	[tilespmem:s4+$0xF0] =	vst v0;
	v0 =	vmul.f32 v8, v7  }
0x3ae: {  	[tilespmem:s20+$0xFFFFFFD0] =	vst v3;
	v7 =	vmul.f32 v11, v9;
	v8 =	vperm.xlane v27, v2;
	v9 =	vld [tilespmem:s12+$0xF0]  }
0x3af: {  	v11 =	vld [tilespmem:s18+$0xFFFFFFF0];
	v3 =	vmul.f32 v12, v6;
	v6 =	vperm.xlane v26, v2;
	[tilespmem:s20+$0xF0] =	vst v0  }
0x3b0: {  	[tilespmem:s22+$0xFFFFFFE0] =	vst v7;
	v0 =	vmul.f32 v62, v8;
	v7 =	vperm.xlane v34, v2;
	v8 =	vld [tilespmem:s18+$0xF0]  }
0x3b1: {  	[tilespmem:s22+$0x100] =	vst v3;
	v3 =	vmul.f32 v63, v6;
	v6 =	vperm.xlane v31, v2  }
0x3b2: {  	[tilespmem:s11+$0xFFFFFFE0] =	vst v0;
	v0 =	vmul.f32 v10, v7;
	v7 =	vperm.xlane v38, v2  }
0x3b3: {  	[tilespmem:s11+$0x100] =	vst v3;
	v3 =	vmul.f32 v9, v6;
	v6 =	vperm.xlane v36, v2  }
0x3b4: {  	[tilespmem:s4+$0xFFFFFFE0] =	vst v0;
	v0 =	vmul.f32 v11, v7  }
0x3b5: {  	s29 =	sadd.s32 $0x1, s29;
	[tilespmem:s4+$0x100] =	vst v3;
	v3 =	vmul.f32 v8, v6  }
0x3b6: {  	p0 =	sne.s32 s29, $0x7D;
	[tilespmem:s20+$0xFFFFFFE0] =	vst v0  }
.Ltmp7:
0x3b7: {  	v15 =	vimm.s32 $0xA;
	v40 =	vimm.s32 $0xE;
	v16 =	vimm.s32 $0xB;
	s22 =	simm.s32 $0x4;
	[tilespmem:s20+$0x100] =	vst v3;
	(pc) =	sbr.rel @p0 .LBB2_2-.Ltmp7, $4  }
0x3b8: {  	v17 =	vimm.s32 $0xC;
	v18 =	vimm.s32 $0x9;
	v1 =	vimm.s32 $0x8;
	_ =	swait.ge [sflag:s22], $0x28  }
0x3b9: {  	v12 =	vimm.s32 $0x7;
	v62 =	vimm.s32 $0xD;
	v10 =	vimm.s32 $0x5;
	[sflag:s22] =	ssyncset.done $0x0  }
0x3ba: {  	s24 =	simm.s32 $0xC8;
	v7 =	vimm.s32 $0x1;
	v9 =	vimm.s32 $0x3;
	v11 =	vimm.s32 $0x6;
	[sflag:s22] =	ssyncadd.s32 $0xFFFFFFD8  }
0x3bb: {  	v6 =	vimm.s32 $0x0;
	v8 =	vimm.s32 $0x2;
	v3 =	vimm.s32 $0x4;
	v5 =	vld [tilespmem:$0x1FFF0];
	[spmem:s25] =	stream.indirect.scatter.add.f32 [tilespmem:s10], [sflag:$0x8], $0x90, s24, s23, $0xb8  }
0x3bc: {  	s1 =	simm.s32 $0x7  }
0x3bd: {  	_ =	swait.ge [sflag:s1], $0x1680  }
0x3be: {  	[sflag:s1] =	ssyncset.done $0x0  }
0x3bf: {  	s24 =	simm.s32 $0x8;
	[sflag:s1] =	ssyncadd.s32 $0xFFFFE980  }
0x3c0: {  	_ =	swait.ge [sflag:s24], $0x1680  }
0x3c1: {  	[sflag:s24] =	ssyncset.done $0x0  }
0x3c2: {  	[sflag:s24] =	ssyncadd.s32 $0xFFFFE980  }
0x3c3: {  	[bflag:$0x0] =	sbarrier.arrive $0xFFFF  }
0x3c4: {  	s3 =	rddreg [dreg:$0x7]  }
0x3c5: {  	s25 =	rddreg [dreg:$0xf]  }
0x3c6: {  	s4 =	simm.s32 $0x9;
	s2 =	rddreg [dreg:$0x11]  }
0x3c7: {  	[hbm:s25], [sflag:s3] =	dma.local [spmem:s2], $0x2D00  }
0x3c8: {  	_ =	swait.ge [sflag:s4], $0x2D00  }
0x3c9: {  	s5 =	rddreg [dreg:$0x12]  }
0x3ca: {  	s29 =	rddreg [dreg:$0x10];
	s5 =	sadd.s32 $0x1, s5  }
0x3cb: {  	p0 =	sne.s32 s5, s29  }
.Ltmp8:
0x3cc: {  	_ = 	snop;
	(pc) =	sbr.rel @p0 .LBB2_1-.Ltmp8, $3  }
0x3cd: {  	_ =	sdelay $0x1  }
0x3ce: {  	[sflag:s4] =	ssyncset.done $0x0  }
0x3cf: {  	[sflag:s4] =	ssyncadd.s32 $0xFFFFD300  }
0x3d0: {  	_ =	sfence.sel $0x180000  }
0x3d1: {  	[bflag:$0x0] =	sbarrier.arrive $0xFFFF  }
0x3d2: {  	_ =	strace $0x90000047  }
0x3d3: {  	s0 =	stileid.u32;
	[bflag:$0x2] =	sbarrier.arrive $0xFFFF  }
0x3d4: {  	p0 =	sne.s32 s0, $0x0;
	s0 =	rddreg [dreg:$0x3]  }
0x3d5: {  	s0 =	sadd.s32 @!p0 $0x100000, s0  }
0x3d6: {  	[sflag:s0] =	ssyncadd.tile.s32 @!p0 $0x1;
	_ =	shalt  }
.Lfunc_end2:
_tile_overlayer_lowered:
.L_overlay_start_2:
0x3d7: {  	(tag) =	ssettag $0x2  }
0x3d8: {  	s0 =	rddreg [dreg:$0x0];
	s2 =	stileid.u32  }
0x3d9: {  	s1 =	rddreg [dreg:$0x1];
	p0 =	sne.s32 s2, $0x0  }
0x3da: {  	s3 =	rddreg [dreg:$0x2];
	[bflag:$0x3] =	sbarrier.arrive $0xFFFF;
	s2 =	simm.s32 @!p0 $0x1C09  }
0x3db: {  	[timem:s3], [sflag:s2] =	dma.local @!p0 [hbm:s0], s1  }
0x3dc: {  	s0 =	simm.s32 @!p0 $0x9  }
0x3dd: {  	_ =	swait.ge @!p0 [sflag:s0], s1  }
0x3de: {  	s1 =	ssub.s32 @!p0 $0x0, s1;
	[sflag:s0] =	ssyncset.done @!p0 $0x0  }
0x3df: {  	[sflag:s0] =	ssyncadd.s32 @!p0 s1  }
0x3e0: {  	[bflag:$0x3] =	sbarrier.arrive $0xFFFF  }
0x3e1: {  	_ =	shalt  }

</sc_bundles>
